<compile_context>
chip_gen: v7x
topology: tpu7x:2x2x1
jax: 0.10.2.dev20260603
libtpu: 0.0.44.dev20260713+nightly
codegen_flags: <defaults>
</compile_context>

<pallas_src>
import functools

import jax
import jax.numpy as jnp
from jax import lax
from jax.experimental import pallas as pl
from jax.experimental.pallas import tpu as pltpu
from jax.experimental.pallas import tpu_sc as plsc

_NG = 10000
_NS = 10000
_E = 320000
_D = 128
_H = 128

_NT = 16
_G = 64
_NB = 4
_L = 3
_CH = 320
_CHH = _CH // 5
_EPT = _CH * _G
_PAD_E = _NT * _EPT
_ACC_ROWS = 10016
_ZR = _ACC_ROWS // _NT
_WR = 624


def _pad_edges(eidx, n_src_rows, n_dst_rows):
    src = eidx[1]
    dst = eidx[0]
    pad = _PAD_E - _E
    ar = jnp.arange(pad, dtype=jnp.int32)
    src = jnp.concatenate([src, ar % n_src_rows]).reshape(_NT, _CH, _G)
    dst = jnp.concatenate([dst, n_dst_rows + (ar % 16)]).reshape(_NT, _CH, _G)
    return src, dst


def _run_direction(table, src_i, dst_i, out, acc, sidx, didx, ring, gsem,
                   ssem, t):
    buf0 = ring.at[pl.ds(0, _G)]
    buf1 = ring.at[pl.ds(_G, _G)]
    zero = jnp.zeros((16,), jnp.float32)

    def _zrow(r, carry):
        for l in range(_D // 16):
            buf0[r, pl.ds(l * 16, 16)] = zero
        return carry

    lax.fori_loop(0, _G, _zrow, 0)
    base_z = t * _ZR

    def _zfill(k, carry):
        off = pl.multiple_of(base_z + k * _G, 8)
        pltpu.sync_copy(buf0, acc.at[pl.ds(off, _G)])
        return carry

    lax.fori_loop(0, _ZR // _G, _zfill, 0)
    rz = _ZR % _G
    off_z = pl.multiple_of(base_z + (_ZR // _G) * _G, 8)
    pltpu.sync_copy(buf0.at[pl.ds(0, rz)], acc.at[pl.ds(off_z, rz)])
    plsc.subcore_barrier()

    def _step(j, carry):
        slot = lax.rem(j, _NB)

        @pl.when((j >= _NB) & (j - _NB < _CHH))
        def _():
            pltpu.make_async_copy(ring.at[pl.ds(0, _G)], acc.at[didx.at[0]],
                                  ssem).wait()

        @pl.when(j < _CHH)
        def _():
            pltpu.async_copy(table.at[sidx.at[j]],
                             ring.at[pl.ds(slot * _G, _G)], gsem)

        @pl.when((j >= _L) & (j - _L < _CHH))
        def _():
            jc = j - _L
            sl2 = lax.rem(jc, _NB)
            pltpu.make_async_copy(table.at[sidx.at[0]], ring.at[pl.ds(0, _G)],
                                  gsem).wait()
            pltpu.async_copy(ring.at[pl.ds(sl2 * _G, _G)], acc.at[didx.at[jc]],
                             ssem, add=True)
        return carry

    for h in range(_CH // _CHH):
        pltpu.sync_copy(src_i.at[t, pl.ds(h * _CHH, _CHH)], sidx)
        pltpu.sync_copy(dst_i.at[t, pl.ds(h * _CHH, _CHH)], didx)
        lax.fori_loop(0, _CHH + _NB, _step, 0)
    plsc.subcore_barrier()

    base_w = pl.multiple_of(t * _WR, 8)
    pltpu.sync_copy(acc.at[pl.ds(base_w, _WR)], out.at[pl.ds(base_w, _WR)])

    @pl.when(t == _NT - 1)
    def _():
        tail = _NG - _NT * _WR
        pltpu.sync_copy(acc.at[pl.ds(_NT * _WR, tail)],
                        out.at[pl.ds(_NT * _WR, tail)])


@functools.partial(
    pl.kernel,
    out_type=(jax.ShapeDtypeStruct((_NG, _D), jnp.float32),
              jax.ShapeDtypeStruct((_NS, _D), jnp.float32)),
    mesh=plsc.VectorSubcoreMesh(core_axis_name="c", subcore_axis_name="s"),
    scratch_types=[
        pltpu.VMEM_SHARED((_ACC_ROWS, _D), jnp.float32),
        pltpu.VMEM((_CHH, _G), jnp.int32),
        pltpu.VMEM((_CHH, _G), jnp.int32),
        pltpu.VMEM((_NB * _G, _D), jnp.float32),
        pltpu.SemaphoreType.DMA,
        pltpu.SemaphoreType.DMA,
    ],
)
def _segment_sums(xs_for_g, xg_for_s, src_g, dst_g, src_s, dst_s,
                  neigh_g, neigh_s, acc, sidx, didx, ring, gsem, ssem):
    c = lax.axis_index("c")
    t = lax.axis_index("s")

    @pl.when(c == 0)
    def _():
        _run_direction(xs_for_g, src_g, dst_g, neigh_g, acc, sidx, didx,
                       ring, gsem, ssem, t)

    @pl.when(c == 1)
    def _():
        _run_direction(xg_for_s, src_s, dst_s, neigh_s, acc, sidx, didx,
                       ring, gsem, ssem, t)


_RB = 2000


def _self_body(xg, xs, wgs, wss, og, os_):
    og[...] = jnp.dot(xg[...], wgs[...], preferred_element_type=jnp.float32)
    os_[...] = jnp.dot(xs[...], wss[...], preferred_element_type=jnp.float32)


_self = pl.pallas_call(
    _self_body,
    grid=(_NG // 2000,),
    in_specs=[
        pl.BlockSpec((2000, _D), lambda i: (i, 0)),
        pl.BlockSpec((2000, _D), lambda i: (i, 0)),
        pl.BlockSpec((_D, _H), lambda i: (0, 0)),
        pl.BlockSpec((_D, _H), lambda i: (0, 0)),
    ],
    out_specs=[
        pl.BlockSpec((2000, _H), lambda i: (i, 0)),
        pl.BlockSpec((2000, _H), lambda i: (i, 0)),
    ],
    out_shape=[
        jax.ShapeDtypeStruct((_NG, _H), jnp.float32),
        jax.ShapeDtypeStruct((_NS, _H), jnp.float32),
    ],
)


def _dense_body(sg, ng, ss, ns_, wgn, wsn, og, os_):
    og[...] = jnp.maximum(
        sg[...]
        + jnp.dot(ng[...], wgn[...], preferred_element_type=jnp.float32), 0.0)
    os_[...] = jnp.maximum(
        ss[...]
        + jnp.dot(ns_[...], wsn[...], preferred_element_type=jnp.float32), 0.0)


_dense = pl.pallas_call(
    _dense_body,
    grid=(_NG // _RB,),
    in_specs=[
        pl.BlockSpec((_RB, _D), lambda i: (i, 0)),
        pl.BlockSpec((_RB, _D), lambda i: (i, 0)),
        pl.BlockSpec((_RB, _D), lambda i: (i, 0)),
        pl.BlockSpec((_RB, _D), lambda i: (i, 0)),
        pl.BlockSpec((_D, _H), lambda i: (0, 0)),
        pl.BlockSpec((_D, _H), lambda i: (0, 0)),
    ],
    out_specs=[
        pl.BlockSpec((_RB, _H), lambda i: (i, 0)),
        pl.BlockSpec((_RB, _H), lambda i: (i, 0)),
    ],
    out_shape=[
        jax.ShapeDtypeStruct((_NG, _H), jnp.float32),
        jax.ShapeDtypeStruct((_NS, _H), jnp.float32),
    ],
)


def kernel(Xg_self, Xs_self, Xs_for_g, Xg_for_s, eidx_gs, eidx_sg,
           Wg_self, Wg_neigh, Ws_self, Ws_neigh):
    src_g, dst_g = _pad_edges(eidx_gs, _NS, _NG)
    src_s, dst_s = _pad_edges(eidx_sg, _NG, _NS)
    self_g, self_s = _self(Xg_self, Xs_self, Wg_self, Ws_self)
    neigh_g, neigh_s = _segment_sums(Xs_for_g, Xg_for_s,
                                     src_g, dst_g, src_s, dst_s)
    out_g, out_s = _dense(self_g, neigh_g, self_s, neigh_s,
                          Wg_neigh, Ws_neigh)
    return out_g, out_s

# --- scband reference (transcript-rebuilt; emitter-appended) ---
"""Pipeline reference for scband-sagebipartite-layer-35648228556938 (READ-ONLY COPY).

The authoritative reference and input builder live on the scoring server;
editing this copy changes nothing except your own understanding.
"""

import jax, jax.numpy as jnp
import numpy as np

Ng = 10000
Ns = 10000
E = 320000
D = 128
H = 128

def setup_inputs(seed: int = 0) -> dict:
    key = jax.random.key(seed)
    ks = jax.random.split(key, 12)
    Xg_self = jax.random.normal(ks[0], (Ng, D), dtype=jnp.float32)
    Xs_self = jax.random.normal(ks[1], (Ns, D), dtype=jnp.float32)
    Xs_for_g = jax.random.normal(ks[2], (Ns, D), dtype=jnp.float32)
    Xg_for_s = jax.random.normal(ks[3], (Ng, D), dtype=jnp.float32)
    eidx_gs = jnp.stack([
        jax.random.randint(ks[4], (E,), 0, Ng),
        jax.random.randint(ks[5], (E,), 0, Ns),
    ]).astype(jnp.int32)
    eidx_sg = jnp.stack([
        jax.random.randint(ks[6], (E,), 0, Ns),
        jax.random.randint(ks[7], (E,), 0, Ng),
    ]).astype(jnp.int32)
    Wg_self = jax.random.normal(ks[8], (D, H), dtype=jnp.float32) * 0.05
    Wg_neigh = jax.random.normal(ks[9], (D, H), dtype=jnp.float32) * 0.05
    Ws_self = jax.random.normal(ks[10], (D, H), dtype=jnp.float32) * 0.05
    Ws_neigh = jax.random.normal(ks[11], (D, H), dtype=jnp.float32) * 0.05
    return {
        'Xg_self': Xg_self, 'Xs_self': Xs_self,
        'Xs_for_g': Xs_for_g, 'Xg_for_s': Xg_for_s,
        'eidx_gs': eidx_gs, 'eidx_sg': eidx_sg,
        'Wg_self': Wg_self, 'Wg_neigh': Wg_neigh,
        'Ws_self': Ws_self, 'Ws_neigh': Ws_neigh,
    }

def reference(Xg_self, Xs_self, Xs_for_g, Xg_for_s, eidx_gs, eidx_sg,
              Wg_self, Wg_neigh, Ws_self, Ws_neigh):
    # torch.sparse.mm(A_gs_sp, Xs_for_g) with binary COO adjacency ==
    # gather source-node rows and scatter-add into destination rows.
    neigh_g = jax.ops.segment_sum(Xs_for_g[eidx_gs[1]], eidx_gs[0], num_segments=Ng)
    neigh_s = jax.ops.segment_sum(Xg_for_s[eidx_sg[1]], eidx_sg[0], num_segments=Ns)
    out_g = Xg_self @ Wg_self + neigh_g @ Wg_neigh
    out_s = Xs_self @ Ws_self + neigh_s @ Ws_neigh
    return (jax.nn.relu(out_g), jax.nn.relu(out_s))

if __name__ == "__main__":
    import jax
    _d = setup_inputs()
    print(jax.jit(kernel)(*tuple(_d.values())))

</pallas_src>

<mosaic_0001>
#map = affine_map<(d0, d1) -> (0, 0)>
#map1 = affine_map<(d0, d1) -> (0, 0, 0)>
module attributes {stable_mosaic.version = 14 : i64} {
  func.func @_segment_sums(%arg0: i32, %arg1: i32, %arg2: memref<10000x128xf32, #tpu.memory_space<hbm>>, %arg3: memref<10000x128xf32, #tpu.memory_space<hbm>>, %arg4: memref<16x320x64xi32, #tpu.memory_space<hbm>>, %arg5: memref<16x320x64xi32, #tpu.memory_space<hbm>>, %arg6: memref<16x320x64xi32, #tpu.memory_space<hbm>>, %arg7: memref<16x320x64xi32, #tpu.memory_space<hbm>>, %arg8: memref<10000x128xf32, #tpu.memory_space<hbm>>, %arg9: memref<10000x128xf32, #tpu.memory_space<hbm>>, %arg10: memref<10016x128xf32, #tpu.memory_space<vmem_shared>>, %arg11: memref<64x64xi32, #tpu.memory_space<vmem>>, %arg12: memref<64x64xi32, #tpu.memory_space<vmem>>, %arg13: memref<256x128xf32, #tpu.memory_space<vmem>>, %arg14: memref<!tpu.dma_semaphore, #tpu.memory_space<semaphore_mem>>, %arg15: memref<!tpu.dma_semaphore, #tpu.memory_space<semaphore_mem>>) attributes {dimension_semantics = [#tpu.dimension_semantics<core_parallel>, #tpu.dimension_semantics<subcore_parallel>], iteration_bounds = array<i64: 2, 16>, scalar_prefetch = 0 : i64, scratch_operands = 6 : i64, tpu.core_type = #tpu.core_type<sc_vector_subcore>, window_params = [{transform_indices = #map}, {transform_indices = #map}, {transform_indices = #map1}, {transform_indices = #map1}, {transform_indices = #map1}, {transform_indices = #map1}, {transform_indices = #map}, {transform_indices = #map}]} {
    %eq3A = arith.constant 0 : i32
    %eq3A_0 = arith.cmpi eq, %arg0, %eq3A : i32
    %convert_element_type3A = arith.extui %eq3A_0 : i1 to i32
    %cond3A = arith.constant 0 : i32
    %cond3A_1 = arith.cmpi ne, %convert_element_type3A, %cond3A : i32
    scf.if %cond3A_1 {
      %broadcast_in_dim3A = arith.constant 0.000000e+00 : f32
      %broadcast_in_dim3A_7 = vector.broadcast %broadcast_in_dim3A : f32 to vector<16xf32>
      %scan3A = arith.constant 0 : i32
      %scan3A_8 = arith.constant 0 : i32
      %scan3A_9 = arith.constant 64 : i32
      %scan3A_10 = arith.addi %scan3A_8, %scan3A_9 : i32
      %scan3A_11 = arith.constant 1 : i32
      scf.for %scan3A_60 = %scan3A_8 to %scan3A_10 step %scan3A_11  : i32 {
        %swap3A = arith.constant 0 : i32
        %swap3A_61 = arith.constant 0 : i32
        %swap3A_62 = tpu.memref_slice %arg13[%swap3A, %swap3A_61] : memref<256x128xf32, #tpu.memory_space<vmem>> -> memref<64x128xf32, #tpu.memory_space<vmem>>
        %swap3A_63 = arith.index_cast %scan3A_60 : i32 to index
        %swap3A_64 = arith.constant 0 : index
        %swap3A_65 = tpu.vector_load %swap3A_62[%swap3A_63, %swap3A_64] {strides = array<i32>} : memref<64x128xf32, #tpu.memory_space<vmem>>, vector<1x16xf32>,
        %swap3A_66 = vector.shape_cast %swap3A_65 : vector<1x16xf32> to vector<16xf32>
        %swap3A_67 = vector.shape_cast %broadcast_in_dim3A_7 : vector<16xf32> to vector<1x16xf32>
        tpu.vector_store %swap3A_62[%swap3A_63, %swap3A_64], %swap3A_67 {strides = array<i32>} : memref<64x128xf32, #tpu.memory_space<vmem>>, vector<1x16xf32>,
        %swap3A_68 = arith.constant 0 : i32
        %swap3A_69 = arith.constant 0 : i32
        %swap3A_70 = tpu.memref_slice %arg13[%swap3A_68, %swap3A_69] : memref<256x128xf32, #tpu.memory_space<vmem>> -> memref<64x128xf32, #tpu.memory_space<vmem>>
        %swap3A_71 = arith.index_cast %scan3A_60 : i32 to index
        %swap3A_72 = arith.constant 16 : index
        %swap3A_73 = tpu.vector_load %swap3A_70[%swap3A_71, %swap3A_72] {strides = array<i32>} : memref<64x128xf32, #tpu.memory_space<vmem>>, vector<1x16xf32>,
        %swap3A_74 = vector.shape_cast %swap3A_73 : vector<1x16xf32> to vector<16xf32>
        %swap3A_75 = vector.shape_cast %broadcast_in_dim3A_7 : vector<16xf32> to vector<1x16xf32>
        tpu.vector_store %swap3A_70[%swap3A_71, %swap3A_72], %swap3A_75 {strides = array<i32>} : memref<64x128xf32, #tpu.memory_space<vmem>>, vector<1x16xf32>,
        %swap3A_76 = arith.constant 0 : i32
        %swap3A_77 = arith.constant 0 : i32
        %swap3A_78 = tpu.memref_slice %arg13[%swap3A_76, %swap3A_77] : memref<256x128xf32, #tpu.memory_space<vmem>> -> memref<64x128xf32, #tpu.memory_space<vmem>>
        %swap3A_79 = arith.index_cast %scan3A_60 : i32 to index
        %swap3A_80 = arith.constant 32 : index
        %swap3A_81 = tpu.vector_load %swap3A_78[%swap3A_79, %swap3A_80] {strides = array<i32>} : memref<64x128xf32, #tpu.memory_space<vmem>>, vector<1x16xf32>,
        %swap3A_82 = vector.shape_cast %swap3A_81 : vector<1x16xf32> to vector<16xf32>
        %swap3A_83 = vector.shape_cast %broadcast_in_dim3A_7 : vector<16xf32> to vector<1x16xf32>
        tpu.vector_store %swap3A_78[%swap3A_79, %swap3A_80], %swap3A_83 {strides = array<i32>} : memref<64x128xf32, #tpu.memory_space<vmem>>, vector<1x16xf32>,
        %swap3A_84 = arith.constant 0 : i32
        %swap3A_85 = arith.constant 0 : i32
        %swap3A_86 = tpu.memref_slice %arg13[%swap3A_84, %swap3A_85] : memref<256x128xf32, #tpu.memory_space<vmem>> -> memref<64x128xf32, #tpu.memory_space<vmem>>
        %swap3A_87 = arith.index_cast %scan3A_60 : i32 to index
        %swap3A_88 = arith.constant 48 : index
        %swap3A_89 = tpu.vector_load %swap3A_86[%swap3A_87, %swap3A_88] {strides = array<i32>} : memref<64x128xf32, #tpu.memory_space<vmem>>, vector<1x16xf32>,
        %swap3A_90 = vector.shape_cast %swap3A_89 : vector<1x16xf32> to vector<16xf32>
        %swap3A_91 = vector.shape_cast %broadcast_in_dim3A_7 : vector<16xf32> to vector<1x16xf32>
        tpu.vector_store %swap3A_86[%swap3A_87, %swap3A_88], %swap3A_91 {strides = array<i32>} : memref<64x128xf32, #tpu.memory_space<vmem>>, vector<1x16xf32>,
        %swap3A_92 = arith.constant 0 : i32
        %swap3A_93 = arith.constant 0 : i32
        %swap3A_94 = tpu.memref_slice %arg13[%swap3A_92, %swap3A_93] : memref<256x128xf32, #tpu.memory_space<vmem>> -> memref<64x128xf32, #tpu.memory_space<vmem>>
        %swap3A_95 = arith.index_cast %scan3A_60 : i32 to index
        %swap3A_96 = arith.constant 64 : index
        %swap3A_97 = tpu.vector_load %swap3A_94[%swap3A_95, %swap3A_96] {strides = array<i32>} : memref<64x128xf32, #tpu.memory_space<vmem>>, vector<1x16xf32>,
        %swap3A_98 = vector.shape_cast %swap3A_97 : vector<1x16xf32> to vector<16xf32>
        %swap3A_99 = vector.shape_cast %broadcast_in_dim3A_7 : vector<16xf32> to vector<1x16xf32>
        tpu.vector_store %swap3A_94[%swap3A_95, %swap3A_96], %swap3A_99 {strides = array<i32>} : memref<64x128xf32, #tpu.memory_space<vmem>>, vector<1x16xf32>,
        %swap3A_100 = arith.constant 0 : i32
        %swap3A_101 = arith.constant 0 : i32
        %swap3A_102 = tpu.memref_slice %arg13[%swap3A_100, %swap3A_101] : memref<256x128xf32, #tpu.memory_space<vmem>> -> memref<64x128xf32, #tpu.memory_space<vmem>>
        %swap3A_103 = arith.index_cast %scan3A_60 : i32 to index
        %swap3A_104 = arith.constant 80 : index
        %swap3A_105 = tpu.vector_load %swap3A_102[%swap3A_103, %swap3A_104] {strides = array<i32>} : memref<64x128xf32, #tpu.memory_space<vmem>>, vector<1x16xf32>,
        %swap3A_106 = vector.shape_cast %swap3A_105 : vector<1x16xf32> to vector<16xf32>
        %swap3A_107 = vector.shape_cast %broadcast_in_dim3A_7 : vector<16xf32> to vector<1x16xf32>
        tpu.vector_store %swap3A_102[%swap3A_103, %swap3A_104], %swap3A_107 {strides = array<i32>} : memref<64x128xf32, #tpu.memory_space<vmem>>, vector<1x16xf32>,
        %swap3A_108 = arith.constant 0 : i32
        %swap3A_109 = arith.constant 0 : i32
        %swap3A_110 = tpu.memref_slice %arg13[%swap3A_108, %swap3A_109] : memref<256x128xf32, #tpu.memory_space<vmem>> -> memref<64x128xf32, #tpu.memory_space<vmem>>
        %swap3A_111 = arith.index_cast %scan3A_60 : i32 to index
        %swap3A_112 = arith.constant 96 : index
        %swap3A_113 = tpu.vector_load %swap3A_110[%swap3A_111, %swap3A_112] {strides = array<i32>} : memref<64x128xf32, #tpu.memory_space<vmem>>, vector<1x16xf32>,
        %swap3A_114 = vector.shape_cast %swap3A_113 : vector<1x16xf32> to vector<16xf32>
        %swap3A_115 = vector.shape_cast %broadcast_in_dim3A_7 : vector<16xf32> to vector<1x16xf32>
        tpu.vector_store %swap3A_110[%swap3A_111, %swap3A_112], %swap3A_115 {strides = array<i32>} : memref<64x128xf32, #tpu.memory_space<vmem>>, vector<1x16xf32>,
        %swap3A_116 = arith.constant 0 : i32
        %swap3A_117 = arith.constant 0 : i32
        %swap3A_118 = tpu.memref_slice %arg13[%swap3A_116, %swap3A_117] : memref<256x128xf32, #tpu.memory_space<vmem>> -> memref<64x128xf32, #tpu.memory_space<vmem>>
        %swap3A_119 = arith.index_cast %scan3A_60 : i32 to index
        %swap3A_120 = arith.constant 112 : index
        %swap3A_121 = tpu.vector_load %swap3A_118[%swap3A_119, %swap3A_120] {strides = array<i32>} : memref<64x128xf32, #tpu.memory_space<vmem>>, vector<1x16xf32>,
        %swap3A_122 = vector.shape_cast %swap3A_121 : vector<1x16xf32> to vector<16xf32>
        %swap3A_123 = vector.shape_cast %broadcast_in_dim3A_7 : vector<16xf32> to vector<1x16xf32>
        tpu.vector_store %swap3A_118[%swap3A_119, %swap3A_120], %swap3A_123 {strides = array<i32>} : memref<64x128xf32, #tpu.memory_space<vmem>>, vector<1x16xf32>,
      }
      %scan3A_12 = arith.constant 64 : i32
      %mul3A = arith.constant 626 : i32
      %mul3A_13 = arith.muli %arg1, %mul3A : i32
      %scan3A_14 = arith.constant 0 : i32
      %scan3A_15 = arith.constant 0 : i32
      %scan3A_16 = arith.constant 9 : i32
      %scan3A_17 = arith.addi %scan3A_15, %scan3A_16 : i32
      %scan3A_18 = arith.constant 1 : i32
      scf.for %scan3A_60 = %scan3A_15 to %scan3A_17 step %scan3A_18  : i32 {
        %mul3A_61 = arith.constant 64 : i32
        %mul3A_62 = arith.muli %scan3A_60, %mul3A_61 : i32
        %add3A_63 = arith.addi %mul3A_13, %mul3A_62 : i32
        %multiple_of3A_64 = tpu.assume_multiple %add3A_63, 8 : i32
        "tpu.region"() ({
          %run_scoped3A = tpu.sem_alloc : memref<!tpu.dma_semaphore, #tpu.memory_space<semaphore_mem>>
          %dma_start3A = arith.constant 0 : i32
          %dma_start3A_65 = arith.constant 0 : i32
          %dma_start3A_66 = tpu.memref_slice %arg13[%dma_start3A, %dma_start3A_65] : memref<256x128xf32, #tpu.memory_space<vmem>> -> memref<64x128xf32, #tpu.memory_space<vmem>>
          %dma_start3A_67 = arith.constant 0 : i32
          %dma_start3A_68 = tpu.memref_slice %arg10[%multiple_of3A_64, %dma_start3A_67] : memref<10016x128xf32, #tpu.memory_space<vmem_shared>> -> memref<64x128xf32, #tpu.memory_space<vmem_shared>>
          %dma_start3A_69 = arith.constant 0 : i32
          %dma_start3A_70 = tpu.memref_slice %arg10[%multiple_of3A_64, %dma_start3A_69] : memref<10016x128xf32, #tpu.memory_space<vmem_shared>> -> memref<64x128xf32, #tpu.memory_space<vmem_shared>>
          %dma_start3A_71 = arith.constant 0 : i32
          %dma_start3A_72 = arith.constant 0 : i32
          %dma_start3A_73 = tpu.memref_slice %arg13[%dma_start3A_71, %dma_start3A_72] : memref<256x128xf32, #tpu.memory_space<vmem>> -> memref<64x128xf32, #tpu.memory_space<vmem>>
          tpu.enqueue_dma source(%dma_start3A_73 : memref<64x128xf32, #tpu.memory_space<vmem>>) target(%dma_start3A_70 : memref<64x128xf32, #tpu.memory_space<vmem_shared>>) target_semaphore(%run_scoped3A : memref<!tpu.dma_semaphore, #tpu.memory_space<semaphore_mem>>)
          %dma_wait3A = arith.constant 0 : i32
          %dma_wait3A_74 = arith.constant 0 : i32
          %dma_wait3A_75 = tpu.memref_slice %arg13[%dma_wait3A, %dma_wait3A_74] : memref<256x128xf32, #tpu.memory_space<vmem>> -> memref<64x128xf32, #tpu.memory_space<vmem>>
          %dma_wait3A_76 = arith.constant 0 : i32
          %dma_wait3A_77 = tpu.memref_slice %arg10[%multiple_of3A_64, %dma_wait3A_76] : memref<10016x128xf32, #tpu.memory_space<vmem_shared>> -> memref<64x128xf32, #tpu.memory_space<vmem_shared>>
          %dma_wait3A_78 = arith.constant 0 : i32
          %dma_wait3A_79 = tpu.memref_slice %arg10[%multiple_of3A_64, %dma_wait3A_78] : memref<10016x128xf32, #tpu.memory_space<vmem_shared>> -> memref<64x128xf32, #tpu.memory_space<vmem_shared>>
          %dma_wait3A_80 = arith.constant 0 : i32
          %dma_wait3A_81 = arith.constant 0 : i32
          %dma_wait3A_82 = tpu.memref_slice %arg13[%dma_wait3A_80, %dma_wait3A_81] : memref<256x128xf32, #tpu.memory_space<vmem>> -> memref<64x128xf32, #tpu.memory_space<vmem>>
          tpu.wait_dma2 semaphore(%run_scoped3A : memref<!tpu.dma_semaphore, #tpu.memory_space<semaphore_mem>>) src(%dma_wait3A_82 : memref<64x128xf32, #tpu.memory_space<vmem>>) dst(%dma_wait3A_79 : memref<64x128xf32, #tpu.memory_space<vmem_shared>>)
          tpu.yield
        }) : () -> ()
      }
      %scan3A_19 = arith.constant 9 : i32
      %add3A = arith.constant 576 : i32
      %add3A_20 = arith.addi %mul3A_13, %add3A : i32
      %multiple_of3A = tpu.assume_multiple %add3A_20, 8 : i32
      "tpu.region"() ({
        %run_scoped3A = tpu.sem_alloc : memref<!tpu.dma_semaphore, #tpu.memory_space<semaphore_mem>>
        %dma_start3A = arith.constant 0 : i32
        %dma_start3A_60 = arith.constant 0 : i32
        %dma_start3A_61 = tpu.memref_slice %arg13[%dma_start3A, %dma_start3A_60] : memref<256x128xf32, #tpu.memory_space<vmem>> -> memref<64x128xf32, #tpu.memory_space<vmem>>
        %dma_start3A_62 = arith.constant 0 : i32
        %dma_start3A_63 = arith.constant 0 : i32
        %dma_start3A_64 = tpu.memref_slice %dma_start3A_61[%dma_start3A_62, %dma_start3A_63] : memref<64x128xf32, #tpu.memory_space<vmem>> -> memref<50x128xf32, #tpu.memory_space<vmem>>
        %dma_start3A_65 = arith.constant 0 : i32
        %dma_start3A_66 = tpu.memref_slice %arg10[%multiple_of3A, %dma_start3A_65] : memref<10016x128xf32, #tpu.memory_space<vmem_shared>> -> memref<50x128xf32, #tpu.memory_space<vmem_shared>>
        %dma_start3A_67 = arith.constant 0 : i32
        %dma_start3A_68 = tpu.memref_slice %arg10[%multiple_of3A, %dma_start3A_67] : memref<10016x128xf32, #tpu.memory_space<vmem_shared>> -> memref<50x128xf32, #tpu.memory_space<vmem_shared>>
        %dma_start3A_69 = arith.constant 0 : i32
        %dma_start3A_70 = arith.constant 0 : i32
        %dma_start3A_71 = tpu.memref_slice %arg13[%dma_start3A_69, %dma_start3A_70] : memref<256x128xf32, #tpu.memory_space<vmem>> -> memref<64x128xf32, #tpu.memory_space<vmem>>
        %dma_start3A_72 = arith.constant 0 : i32
        %dma_start3A_73 = arith.constant 0 : i32
        %dma_start3A_74 = tpu.memref_slice %dma_start3A_71[%dma_start3A_72, %dma_start3A_73] : memref<64x128xf32, #tpu.memory_space<vmem>> -> memref<50x128xf32, #tpu.memory_space<vmem>>
        tpu.enqueue_dma source(%dma_start3A_74 : memref<50x128xf32, #tpu.memory_space<vmem>>) target(%dma_start3A_68 : memref<50x128xf32, #tpu.memory_space<vmem_shared>>) target_semaphore(%run_scoped3A : memref<!tpu.dma_semaphore, #tpu.memory_space<semaphore_mem>>)
        %dma_wait3A = arith.constant 0 : i32
        %dma_wait3A_75 = arith.constant 0 : i32
        %dma_wait3A_76 = tpu.memref_slice %arg13[%dma_wait3A, %dma_wait3A_75] : memref<256x128xf32, #tpu.memory_space<vmem>> -> memref<64x128xf32, #tpu.memory_space<vmem>>
        %dma_wait3A_77 = arith.constant 0 : i32
        %dma_wait3A_78 = arith.constant 0 : i32
        %dma_wait3A_79 = tpu.memref_slice %dma_wait3A_76[%dma_wait3A_77, %dma_wait3A_78] : memref<64x128xf32, #tpu.memory_space<vmem>> -> memref<50x128xf32, #tpu.memory_space<vmem>>
        %dma_wait3A_80 = arith.constant 0 : i32
        %dma_wait3A_81 = tpu.memref_slice %arg10[%multiple_of3A, %dma_wait3A_80] : memref<10016x128xf32, #tpu.memory_space<vmem_shared>> -> memref<50x128xf32, #tpu.memory_space<vmem_shared>>
        %dma_wait3A_82 = arith.constant 0 : i32
        %dma_wait3A_83 = tpu.memref_slice %arg10[%multiple_of3A, %dma_wait3A_82] : memref<10016x128xf32, #tpu.memory_space<vmem_shared>> -> memref<50x128xf32, #tpu.memory_space<vmem_shared>>
        %dma_wait3A_84 = arith.constant 0 : i32
        %dma_wait3A_85 = arith.constant 0 : i32
        %dma_wait3A_86 = tpu.memref_slice %arg13[%dma_wait3A_84, %dma_wait3A_85] : memref<256x128xf32, #tpu.memory_space<vmem>> -> memref<64x128xf32, #tpu.memory_space<vmem>>
        %dma_wait3A_87 = arith.constant 0 : i32
        %dma_wait3A_88 = arith.constant 0 : i32
        %dma_wait3A_89 = tpu.memref_slice %dma_wait3A_86[%dma_wait3A_87, %dma_wait3A_88] : memref<64x128xf32, #tpu.memory_space<vmem>> -> memref<50x128xf32, #tpu.memory_space<vmem>>
        tpu.wait_dma2 semaphore(%run_scoped3A : memref<!tpu.dma_semaphore, #tpu.memory_space<semaphore_mem>>) src(%dma_wait3A_89 : memref<50x128xf32, #tpu.memory_space<vmem>>) dst(%dma_wait3A_83 : memref<50x128xf32, #tpu.memory_space<vmem_shared>>)
        tpu.yield
      }) : () -> ()
      %barrier3A = arith.constant 0 : index
      tpu.barrier barrier_id(%barrier3A)
      "tpu.region"() ({
        %run_scoped3A = tpu.sem_alloc : memref<!tpu.dma_semaphore, #tpu.memory_space<semaphore_mem>>
        %dma_start3A = arith.constant 0 : i32
        %dma_start3A_60 = arith.constant 0 : i32
        %dma_start3A_61 = tpu.memref_slice %arg4[%arg1, %dma_start3A, %dma_start3A_60] : memref<16x320x64xi32, #tpu.memory_space<hbm>> -> memref<1x64x64xi32, #tpu.memory_space<hbm>>
        %dma_start3A_62 = tpu.memref_squeeze %dma_start3A_61 : memref<1x64x64xi32, #tpu.memory_space<hbm>> -> memref<64x64xi32, #tpu.memory_space<hbm>>
        %dma_start3A_63 = arith.constant 0 : i32
        %dma_start3A_64 = arith.constant 0 : i32
        %dma_start3A_65 = tpu.memref_slice %arg4[%arg1, %dma_start3A_63, %dma_start3A_64] : memref<16x320x64xi32, #tpu.memory_space<hbm>> -> memref<1x64x64xi32, #tpu.memory_space<hbm>>
        %dma_start3A_66 = tpu.memref_squeeze %dma_start3A_65 : memref<1x64x64xi32, #tpu.memory_space<hbm>> -> memref<64x64xi32, #tpu.memory_space<hbm>>
        tpu.enqueue_dma source(%dma_start3A_66 : memref<64x64xi32, #tpu.memory_space<hbm>>) target(%arg11 : memref<64x64xi32, #tpu.memory_space<vmem>>) target_semaphore(%run_scoped3A : memref<!tpu.dma_semaphore, #tpu.memory_space<semaphore_mem>>)
        %dma_wait3A = arith.constant 0 : i32
        %dma_wait3A_67 = arith.constant 0 : i32
        %dma_wait3A_68 = tpu.memref_slice %arg4[%arg1, %dma_wait3A, %dma_wait3A_67] : memref<16x320x64xi32, #tpu.memory_space<hbm>> -> memref<1x64x64xi32, #tpu.memory_space<hbm>>
        %dma_wait3A_69 = tpu.memref_squeeze %dma_wait3A_68 : memref<1x64x64xi32, #tpu.memory_space<hbm>> -> memref<64x64xi32, #tpu.memory_space<hbm>>
        %dma_wait3A_70 = arith.constant 0 : i32
        %dma_wait3A_71 = arith.constant 0 : i32
        %dma_wait3A_72 = tpu.memref_slice %arg4[%arg1, %dma_wait3A_70, %dma_wait3A_71] : memref<16x320x64xi32, #tpu.memory_space<hbm>> -> memref<1x64x64xi32, #tpu.memory_space<hbm>>
        %dma_wait3A_73 = tpu.memref_squeeze %dma_wait3A_72 : memref<1x64x64xi32, #tpu.memory_space<hbm>> -> memref<64x64xi32, #tpu.memory_space<hbm>>
        tpu.wait_dma2 semaphore(%run_scoped3A : memref<!tpu.dma_semaphore, #tpu.memory_space<semaphore_mem>>) src(%dma_wait3A_73 : memref<64x64xi32, #tpu.memory_space<hbm>>) dst(%arg11 : memref<64x64xi32, #tpu.memory_space<vmem>>)
        tpu.yield
      }) : () -> ()
      "tpu.region"() ({
        %run_scoped3A = tpu.sem_alloc : memref<!tpu.dma_semaphore, #tpu.memory_space<semaphore_mem>>
        %dma_start3A = arith.constant 0 : i32
        %dma_start3A_60 = arith.constant 0 : i32
        %dma_start3A_61 = tpu.memref_slice %arg5[%arg1, %dma_start3A, %dma_start3A_60] : memref<16x320x64xi32, #tpu.memory_space<hbm>> -> memref<1x64x64xi32, #tpu.memory_space<hbm>>
        %dma_start3A_62 = tpu.memref_squeeze %dma_start3A_61 : memref<1x64x64xi32, #tpu.memory_space<hbm>> -> memref<64x64xi32, #tpu.memory_space<hbm>>
        %dma_start3A_63 = arith.constant 0 : i32
        %dma_start3A_64 = arith.constant 0 : i32
        %dma_start3A_65 = tpu.memref_slice %arg5[%arg1, %dma_start3A_63, %dma_start3A_64] : memref<16x320x64xi32, #tpu.memory_space<hbm>> -> memref<1x64x64xi32, #tpu.memory_space<hbm>>
        %dma_start3A_66 = tpu.memref_squeeze %dma_start3A_65 : memref<1x64x64xi32, #tpu.memory_space<hbm>> -> memref<64x64xi32, #tpu.memory_space<hbm>>
        tpu.enqueue_dma source(%dma_start3A_66 : memref<64x64xi32, #tpu.memory_space<hbm>>) target(%arg12 : memref<64x64xi32, #tpu.memory_space<vmem>>) target_semaphore(%run_scoped3A : memref<!tpu.dma_semaphore, #tpu.memory_space<semaphore_mem>>)
        %dma_wait3A = arith.constant 0 : i32
        %dma_wait3A_67 = arith.constant 0 : i32
        %dma_wait3A_68 = tpu.memref_slice %arg5[%arg1, %dma_wait3A, %dma_wait3A_67] : memref<16x320x64xi32, #tpu.memory_space<hbm>> -> memref<1x64x64xi32, #tpu.memory_space<hbm>>
        %dma_wait3A_69 = tpu.memref_squeeze %dma_wait3A_68 : memref<1x64x64xi32, #tpu.memory_space<hbm>> -> memref<64x64xi32, #tpu.memory_space<hbm>>
        %dma_wait3A_70 = arith.constant 0 : i32
        %dma_wait3A_71 = arith.constant 0 : i32
        %dma_wait3A_72 = tpu.memref_slice %arg5[%arg1, %dma_wait3A_70, %dma_wait3A_71] : memref<16x320x64xi32, #tpu.memory_space<hbm>> -> memref<1x64x64xi32, #tpu.memory_space<hbm>>
        %dma_wait3A_73 = tpu.memref_squeeze %dma_wait3A_72 : memref<1x64x64xi32, #tpu.memory_space<hbm>> -> memref<64x64xi32, #tpu.memory_space<hbm>>
        tpu.wait_dma2 semaphore(%run_scoped3A : memref<!tpu.dma_semaphore, #tpu.memory_space<semaphore_mem>>) src(%dma_wait3A_73 : memref<64x64xi32, #tpu.memory_space<hbm>>) dst(%arg12 : memref<64x64xi32, #tpu.memory_space<vmem>>)
        tpu.yield
      }) : () -> ()
      %scan3A_21 = arith.constant 0 : i32
      %scan3A_22 = arith.constant 0 : i32
      %scan3A_23 = arith.constant 68 : i32
      %scan3A_24 = arith.addi %scan3A_22, %scan3A_23 : i32
      %scan3A_25 = arith.constant 1 : i32
      scf.for %scan3A_60 = %scan3A_22 to %scan3A_24 step %scan3A_25  : i32 {
        %rem3A = arith.constant 4 : i32
        %rem3A_61 = arith.remsi %scan3A_60, %rem3A : i32
        %ge3A = arith.constant 4 : i32
        %ge3A_62 = arith.cmpi sge, %scan3A_60, %ge3A : i32
        %sub3A = arith.constant 4 : i32
        %sub3A_63 = arith.subi %scan3A_60, %sub3A : i32
        %lt3A = arith.constant 64 : i32
        %lt3A_64 = arith.cmpi slt, %sub3A_63, %lt3A : i32
        %and3A = arith.andi %ge3A_62, %lt3A_64 : i1
        %convert_element_type3A_65 = arith.extui %and3A : i1 to i32
        %cond3A_66 = arith.constant 0 : i32
        %cond3A_67 = arith.cmpi ne, %convert_element_type3A_65, %cond3A_66 : i32
        scf.if %cond3A_67 {
          %dma_wait3A = arith.constant 0 : i32
          %dma_wait3A_83 = arith.constant 0 : i32
          %dma_wait3A_84 = arith.constant 0 : i32
          %dma_wait3A_85 = tpu.memref_slice %arg13[%dma_wait3A_83, %dma_wait3A_84] : memref<256x128xf32, #tpu.memory_space<vmem>> -> memref<64x128xf32, #tpu.memory_space<vmem>>
          %dma_wait3A_86 = arith.constant 0 : i32
          %dma_wait3A_87 = tpu.memref_slice %arg12[%dma_wait3A, %dma_wait3A_86] : memref<64x64xi32, #tpu.memory_space<vmem>> -> memref<1x64xi32, #tpu.memory_space<vmem>>
          %dma_wait3A_88 = tpu.memref_squeeze %dma_wait3A_87 : memref<1x64xi32, #tpu.memory_space<vmem>> -> memref<64xi32, #tpu.memory_space<vmem>>
          %dma_wait3A_89 = arith.constant 0 : i32
          %dma_wait3A_90 = arith.constant 0 : i32
          %dma_wait3A_91 = tpu.memref_slice %arg10[%dma_wait3A_89, %dma_wait3A_90] : memref<10016x128xf32, #tpu.memory_space<vmem_shared>> -> memref<10016x128xf32, #tpu.memory_space<vmem_shared>>
          tpu.wait_indirect_dma semaphore(%arg15 : memref<!tpu.dma_semaphore, #tpu.memory_space<semaphore_mem>>) src(%dma_wait3A_85 : memref<64x128xf32, #tpu.memory_space<vmem>>) dst(%dma_wait3A_91 : memref<10016x128xf32, #tpu.memory_space<vmem_shared>>)
        } else {
        }
        %lt3A_68 = arith.constant 64 : i32
        %lt3A_69 = arith.cmpi slt, %scan3A_60, %lt3A_68 : i32
        %convert_element_type3A_70 = arith.extui %lt3A_69 : i1 to i32
        %cond3A_71 = arith.constant 0 : i32
        %cond3A_72 = arith.cmpi ne, %convert_element_type3A_70, %cond3A_71 : i32
        scf.if %cond3A_72 {
          %mul3A_83 = arith.constant 64 : i32
          %mul3A_84 = arith.muli %rem3A_61, %mul3A_83 : i32
          %dma_start3A = arith.constant 0 : i32
          %dma_start3A_85 = tpu.memref_slice %arg13[%mul3A_84, %dma_start3A] : memref<256x128xf32, #tpu.memory_space<vmem>> -> memref<64x128xf32, #tpu.memory_space<vmem>>
          %dma_start3A_86 = arith.constant 0 : i32
          %dma_start3A_87 = tpu.memref_slice %arg11[%scan3A_60, %dma_start3A_86] : memref<64x64xi32, #tpu.memory_space<vmem>> -> memref<1x64xi32, #tpu.memory_space<vmem>>
          %dma_start3A_88 = tpu.memref_squeeze %dma_start3A_87 : memref<1x64xi32, #tpu.memory_space<vmem>> -> memref<64xi32, #tpu.memory_space<vmem>>
          %dma_start3A_89 = arith.constant 0 : i32
          %dma_start3A_90 = arith.constant 0 : i32
          %dma_start3A_91 = tpu.memref_slice %arg2[%dma_start3A_89, %dma_start3A_90] : memref<10000x128xf32, #tpu.memory_space<hbm>> -> memref<10000x128xf32, #tpu.memory_space<hbm>>
          tpu.enqueue_indirect_dma source(%dma_start3A_91 : memref<10000x128xf32, #tpu.memory_space<hbm>>) target(%dma_start3A_85 : memref<64x128xf32, #tpu.memory_space<vmem>>) offsets(%dma_start3A_88 : memref<64xi32, #tpu.memory_space<vmem>>) semaphore(%arg14 : memref<!tpu.dma_semaphore, #tpu.memory_space<semaphore_mem>>)
        } else {
        }
        %ge3A_73 = arith.constant 3 : i32
        %ge3A_74 = arith.cmpi sge, %scan3A_60, %ge3A_73 : i32
        %sub3A_75 = arith.constant 3 : i32
        %sub3A_76 = arith.subi %scan3A_60, %sub3A_75 : i32
        %lt3A_77 = arith.constant 64 : i32
        %lt3A_78 = arith.cmpi slt, %sub3A_76, %lt3A_77 : i32
        %and3A_79 = arith.andi %ge3A_74, %lt3A_78 : i1
        %convert_element_type3A_80 = arith.extui %and3A_79 : i1 to i32
        %cond3A_81 = arith.constant 0 : i32
        %cond3A_82 = arith.cmpi ne, %convert_element_type3A_80, %cond3A_81 : i32
        scf.if %cond3A_82 {
          %sub3A_83 = arith.constant 3 : i32
          %sub3A_84 = arith.subi %scan3A_60, %sub3A_83 : i32
          %rem3A_85 = arith.constant 4 : i32
          %rem3A_86 = arith.remsi %sub3A_84, %rem3A_85 : i32
          %dma_wait3A = arith.constant 0 : i32
          %dma_wait3A_87 = arith.constant 0 : i32
          %dma_wait3A_88 = arith.constant 0 : i32
          %dma_wait3A_89 = tpu.memref_slice %arg13[%dma_wait3A_87, %dma_wait3A_88] : memref<256x128xf32, #tpu.memory_space<vmem>> -> memref<64x128xf32, #tpu.memory_space<vmem>>
          %dma_wait3A_90 = arith.constant 0 : i32
          %dma_wait3A_91 = tpu.memref_slice %arg11[%dma_wait3A, %dma_wait3A_90] : memref<64x64xi32, #tpu.memory_space<vmem>> -> memref<1x64xi32, #tpu.memory_space<vmem>>
          %dma_wait3A_92 = tpu.memref_squeeze %dma_wait3A_91 : memref<1x64xi32, #tpu.memory_space<vmem>> -> memref<64xi32, #tpu.memory_space<vmem>>
          %dma_wait3A_93 = arith.constant 0 : i32
          %dma_wait3A_94 = arith.constant 0 : i32
          %dma_wait3A_95 = tpu.memref_slice %arg2[%dma_wait3A_93, %dma_wait3A_94] : memref<10000x128xf32, #tpu.memory_space<hbm>> -> memref<10000x128xf32, #tpu.memory_space<hbm>>
          tpu.wait_indirect_dma semaphore(%arg14 : memref<!tpu.dma_semaphore, #tpu.memory_space<semaphore_mem>>) src(%dma_wait3A_95 : memref<10000x128xf32, #tpu.memory_space<hbm>>) dst(%dma_wait3A_89 : memref<64x128xf32, #tpu.memory_space<vmem>>)
          %mul3A_96 = arith.constant 64 : i32
          %mul3A_97 = arith.muli %rem3A_86, %mul3A_96 : i32
          %dma_start3A = arith.constant 0 : i32
          %dma_start3A_98 = tpu.memref_slice %arg13[%mul3A_97, %dma_start3A] : memref<256x128xf32, #tpu.memory_space<vmem>> -> memref<64x128xf32, #tpu.memory_space<vmem>>
          %dma_start3A_99 = arith.constant 0 : i32
          %dma_start3A_100 = tpu.memref_slice %arg12[%sub3A_84, %dma_start3A_99] : memref<64x64xi32, #tpu.memory_space<vmem>> -> memref<1x64xi32, #tpu.memory_space<vmem>>
          %dma_start3A_101 = tpu.memref_squeeze %dma_start3A_100 : memref<1x64xi32, #tpu.memory_space<vmem>> -> memref<64xi32, #tpu.memory_space<vmem>>
          %dma_start3A_102 = arith.constant 0 : i32
          %dma_start3A_103 = arith.constant 0 : i32
          %dma_start3A_104 = tpu.memref_slice %arg10[%dma_start3A_102, %dma_start3A_103] : memref<10016x128xf32, #tpu.memory_space<vmem_shared>> -> memref<10016x128xf32, #tpu.memory_space<vmem_shared>>
          tpu.enqueue_indirect_dma source(%dma_start3A_98 : memref<64x128xf32, #tpu.memory_space<vmem>>) target(%dma_start3A_104 : memref<10016x128xf32, #tpu.memory_space<vmem_shared>>) offsets(%dma_start3A_101 : memref<64xi32, #tpu.memory_space<vmem>>) semaphore(%arg15 : memref<!tpu.dma_semaphore, #tpu.memory_space<semaphore_mem>>) {add = true}
        } else {
        }
      }
      %scan3A_26 = arith.constant 68 : i32
      "tpu.region"() ({
        %run_scoped3A = tpu.sem_alloc : memref<!tpu.dma_semaphore, #tpu.memory_space<semaphore_mem>>
        %dma_start3A = arith.constant 64 : i32
        %dma_start3A_60 = arith.constant 0 : i32
        %dma_start3A_61 = tpu.memref_slice %arg4[%arg1, %dma_start3A, %dma_start3A_60] : memref<16x320x64xi32, #tpu.memory_space<hbm>> -> memref<1x64x64xi32, #tpu.memory_space<hbm>>
        %dma_start3A_62 = tpu.memref_squeeze %dma_start3A_61 : memref<1x64x64xi32, #tpu.memory_space<hbm>> -> memref<64x64xi32, #tpu.memory_space<hbm>>
        %dma_start3A_63 = arith.constant 64 : i32
        %dma_start3A_64 = arith.constant 0 : i32
        %dma_start3A_65 = tpu.memref_slice %arg4[%arg1, %dma_start3A_63, %dma_start3A_64] : memref<16x320x64xi32, #tpu.memory_space<hbm>> -> memref<1x64x64xi32, #tpu.memory_space<hbm>>
        %dma_start3A_66 = tpu.memref_squeeze %dma_start3A_65 : memref<1x64x64xi32, #tpu.memory_space<hbm>> -> memref<64x64xi32, #tpu.memory_space<hbm>>
        tpu.enqueue_dma source(%dma_start3A_66 : memref<64x64xi32, #tpu.memory_space<hbm>>) target(%arg11 : memref<64x64xi32, #tpu.memory_space<vmem>>) target_semaphore(%run_scoped3A : memref<!tpu.dma_semaphore, #tpu.memory_space<semaphore_mem>>)
        %dma_wait3A = arith.constant 64 : i32
        %dma_wait3A_67 = arith.constant 0 : i32
        %dma_wait3A_68 = tpu.memref_slice %arg4[%arg1, %dma_wait3A, %dma_wait3A_67] : memref<16x320x64xi32, #tpu.memory_space<hbm>> -> memref<1x64x64xi32, #tpu.memory_space<hbm>>
        %dma_wait3A_69 = tpu.memref_squeeze %dma_wait3A_68 : memref<1x64x64xi32, #tpu.memory_space<hbm>> -> memref<64x64xi32, #tpu.memory_space<hbm>>
        %dma_wait3A_70 = arith.constant 64 : i32
        %dma_wait3A_71 = arith.constant 0 : i32
        %dma_wait3A_72 = tpu.memref_slice %arg4[%arg1, %dma_wait3A_70, %dma_wait3A_71] : memref<16x320x64xi32, #tpu.memory_space<hbm>> -> memref<1x64x64xi32, #tpu.memory_space<hbm>>
        %dma_wait3A_73 = tpu.memref_squeeze %dma_wait3A_72 : memref<1x64x64xi32, #tpu.memory_space<hbm>> -> memref<64x64xi32, #tpu.memory_space<hbm>>
        tpu.wait_dma2 semaphore(%run_scoped3A : memref<!tpu.dma_semaphore, #tpu.memory_space<semaphore_mem>>) src(%dma_wait3A_73 : memref<64x64xi32, #tpu.memory_space<hbm>>) dst(%arg11 : memref<64x64xi32, #tpu.memory_space<vmem>>)
        tpu.yield
      }) : () -> ()
      "tpu.region"() ({
        %run_scoped3A = tpu.sem_alloc : memref<!tpu.dma_semaphore, #tpu.memory_space<semaphore_mem>>
        %dma_start3A = arith.constant 64 : i32
        %dma_start3A_60 = arith.constant 0 : i32
        %dma_start3A_61 = tpu.memref_slice %arg5[%arg1, %dma_start3A, %dma_start3A_60] : memref<16x320x64xi32, #tpu.memory_space<hbm>> -> memref<1x64x64xi32, #tpu.memory_space<hbm>>
        %dma_start3A_62 = tpu.memref_squeeze %dma_start3A_61 : memref<1x64x64xi32, #tpu.memory_space<hbm>> -> memref<64x64xi32, #tpu.memory_space<hbm>>
        %dma_start3A_63 = arith.constant 64 : i32
        %dma_start3A_64 = arith.constant 0 : i32
        %dma_start3A_65 = tpu.memref_slice %arg5[%arg1, %dma_start3A_63, %dma_start3A_64] : memref<16x320x64xi32, #tpu.memory_space<hbm>> -> memref<1x64x64xi32, #tpu.memory_space<hbm>>
        %dma_start3A_66 = tpu.memref_squeeze %dma_start3A_65 : memref<1x64x64xi32, #tpu.memory_space<hbm>> -> memref<64x64xi32, #tpu.memory_space<hbm>>
        tpu.enqueue_dma source(%dma_start3A_66 : memref<64x64xi32, #tpu.memory_space<hbm>>) target(%arg12 : memref<64x64xi32, #tpu.memory_space<vmem>>) target_semaphore(%run_scoped3A : memref<!tpu.dma_semaphore, #tpu.memory_space<semaphore_mem>>)
        %dma_wait3A = arith.constant 64 : i32
        %dma_wait3A_67 = arith.constant 0 : i32
        %dma_wait3A_68 = tpu.memref_slice %arg5[%arg1, %dma_wait3A, %dma_wait3A_67] : memref<16x320x64xi32, #tpu.memory_space<hbm>> -> memref<1x64x64xi32, #tpu.memory_space<hbm>>
        %dma_wait3A_69 = tpu.memref_squeeze %dma_wait3A_68 : memref<1x64x64xi32, #tpu.memory_space<hbm>> -> memref<64x64xi32, #tpu.memory_space<hbm>>
        %dma_wait3A_70 = arith.constant 64 : i32
        %dma_wait3A_71 = arith.constant 0 : i32
        %dma_wait3A_72 = tpu.memref_slice %arg5[%arg1, %dma_wait3A_70, %dma_wait3A_71] : memref<16x320x64xi32, #tpu.memory_space<hbm>> -> memref<1x64x64xi32, #tpu.memory_space<hbm>>
        %dma_wait3A_73 = tpu.memref_squeeze %dma_wait3A_72 : memref<1x64x64xi32, #tpu.memory_space<hbm>> -> memref<64x64xi32, #tpu.memory_space<hbm>>
        tpu.wait_dma2 semaphore(%run_scoped3A : memref<!tpu.dma_semaphore, #tpu.memory_space<semaphore_mem>>) src(%dma_wait3A_73 : memref<64x64xi32, #tpu.memory_space<hbm>>) dst(%arg12 : memref<64x64xi32, #tpu.memory_space<vmem>>)
        tpu.yield
      }) : () -> ()
      %scan3A_27 = arith.constant 0 : i32
      %scan3A_28 = arith.constant 0 : i32
      %scan3A_29 = arith.constant 68 : i32
      %scan3A_30 = arith.addi %scan3A_28, %scan3A_29 : i32
      %scan3A_31 = arith.constant 1 : i32
      scf.for %scan3A_60 = %scan3A_28 to %scan3A_30 step %scan3A_31  : i32 {
        %rem3A = arith.constant 4 : i32
        %rem3A_61 = arith.remsi %scan3A_60, %rem3A : i32
        %ge3A = arith.constant 4 : i32
        %ge3A_62 = arith.cmpi sge, %scan3A_60, %ge3A : i32
        %sub3A = arith.constant 4 : i32
        %sub3A_63 = arith.subi %scan3A_60, %sub3A : i32
        %lt3A = arith.constant 64 : i32
        %lt3A_64 = arith.cmpi slt, %sub3A_63, %lt3A : i32
        %and3A = arith.andi %ge3A_62, %lt3A_64 : i1
        %convert_element_type3A_65 = arith.extui %and3A : i1 to i32
        %cond3A_66 = arith.constant 0 : i32
        %cond3A_67 = arith.cmpi ne, %convert_element_type3A_65, %cond3A_66 : i32
        scf.if %cond3A_67 {
          %dma_wait3A = arith.constant 0 : i32
          %dma_wait3A_83 = arith.constant 0 : i32
          %dma_wait3A_84 = arith.constant 0 : i32
          %dma_wait3A_85 = tpu.memref_slice %arg13[%dma_wait3A_83, %dma_wait3A_84] : memref<256x128xf32, #tpu.memory_space<vmem>> -> memref<64x128xf32, #tpu.memory_space<vmem>>
          %dma_wait3A_86 = arith.constant 0 : i32
          %dma_wait3A_87 = tpu.memref_slice %arg12[%dma_wait3A, %dma_wait3A_86] : memref<64x64xi32, #tpu.memory_space<vmem>> -> memref<1x64xi32, #tpu.memory_space<vmem>>
          %dma_wait3A_88 = tpu.memref_squeeze %dma_wait3A_87 : memref<1x64xi32, #tpu.memory_space<vmem>> -> memref<64xi32, #tpu.memory_space<vmem>>
          %dma_wait3A_89 = arith.constant 0 : i32
          %dma_wait3A_90 = arith.constant 0 : i32
          %dma_wait3A_91 = tpu.memref_slice %arg10[%dma_wait3A_89, %dma_wait3A_90] : memref<10016x128xf32, #tpu.memory_space<vmem_shared>> -> memref<10016x128xf32, #tpu.memory_space<vmem_shared>>
          tpu.wait_indirect_dma semaphore(%arg15 : memref<!tpu.dma_semaphore, #tpu.memory_space<semaphore_mem>>) src(%dma_wait3A_85 : memref<64x128xf32, #tpu.memory_space<vmem>>) dst(%dma_wait3A_91 : memref<10016x128xf32, #tpu.memory_space<vmem_shared>>)
        } else {
        }
        %lt3A_68 = arith.constant 64 : i32
        %lt3A_69 = arith.cmpi slt, %scan3A_60, %lt3A_68 : i32
        %convert_element_type3A_70 = arith.extui %lt3A_69 : i1 to i32
        %cond3A_71 = arith.constant 0 : i32
        %cond3A_72 = arith.cmpi ne, %convert_element_type3A_70, %cond3A_71 : i32
        scf.if %cond3A_72 {
          %mul3A_83 = arith.constant 64 : i32
          %mul3A_84 = arith.muli %rem3A_61, %mul3A_83 : i32
          %dma_start3A = arith.constant 0 : i32
          %dma_start3A_85 = tpu.memref_slice %arg13[%mul3A_84, %dma_start3A] : memref<256x128xf32, #tpu.memory_space<vmem>> -> memref<64x128xf32, #tpu.memory_space<vmem>>
          %dma_start3A_86 = arith.constant 0 : i32
          %dma_start3A_87 = tpu.memref_slice %arg11[%scan3A_60, %dma_start3A_86] : memref<64x64xi32, #tpu.memory_space<vmem>> -> memref<1x64xi32, #tpu.memory_space<vmem>>
          %dma_start3A_88 = tpu.memref_squeeze %dma_start3A_87 : memref<1x64xi32, #tpu.memory_space<vmem>> -> memref<64xi32, #tpu.memory_space<vmem>>
          %dma_start3A_89 = arith.constant 0 : i32
          %dma_start3A_90 = arith.constant 0 : i32
          %dma_start3A_91 = tpu.memref_slice %arg2[%dma_start3A_89, %dma_start3A_90] : memref<10000x128xf32, #tpu.memory_space<hbm>> -> memref<10000x128xf32, #tpu.memory_space<hbm>>
          tpu.enqueue_indirect_dma source(%dma_start3A_91 : memref<10000x128xf32, #tpu.memory_space<hbm>>) target(%dma_start3A_85 : memref<64x128xf32, #tpu.memory_space<vmem>>) offsets(%dma_start3A_88 : memref<64xi32, #tpu.memory_space<vmem>>) semaphore(%arg14 : memref<!tpu.dma_semaphore, #tpu.memory_space<semaphore_mem>>)
        } else {
        }
        %ge3A_73 = arith.constant 3 : i32
        %ge3A_74 = arith.cmpi sge, %scan3A_60, %ge3A_73 : i32
        %sub3A_75 = arith.constant 3 : i32
        %sub3A_76 = arith.subi %scan3A_60, %sub3A_75 : i32
        %lt3A_77 = arith.constant 64 : i32
        %lt3A_78 = arith.cmpi slt, %sub3A_76, %lt3A_77 : i32
        %and3A_79 = arith.andi %ge3A_74, %lt3A_78 : i1
        %convert_element_type3A_80 = arith.extui %and3A_79 : i1 to i32
        %cond3A_81 = arith.constant 0 : i32
        %cond3A_82 = arith.cmpi ne, %convert_element_type3A_80, %cond3A_81 : i32
        scf.if %cond3A_82 {
          %sub3A_83 = arith.constant 3 : i32
          %sub3A_84 = arith.subi %scan3A_60, %sub3A_83 : i32
          %rem3A_85 = arith.constant 4 : i32
          %rem3A_86 = arith.remsi %sub3A_84, %rem3A_85 : i32
          %dma_wait3A = arith.constant 0 : i32
          %dma_wait3A_87 = arith.constant 0 : i32
          %dma_wait3A_88 = arith.constant 0 : i32
          %dma_wait3A_89 = tpu.memref_slice %arg13[%dma_wait3A_87, %dma_wait3A_88] : memref<256x128xf32, #tpu.memory_space<vmem>> -> memref<64x128xf32, #tpu.memory_space<vmem>>
          %dma_wait3A_90 = arith.constant 0 : i32
          %dma_wait3A_91 = tpu.memref_slice %arg11[%dma_wait3A, %dma_wait3A_90] : memref<64x64xi32, #tpu.memory_space<vmem>> -> memref<1x64xi32, #tpu.memory_space<vmem>>
          %dma_wait3A_92 = tpu.memref_squeeze %dma_wait3A_91 : memref<1x64xi32, #tpu.memory_space<vmem>> -> memref<64xi32, #tpu.memory_space<vmem>>
          %dma_wait3A_93 = arith.constant 0 : i32
          %dma_wait3A_94 = arith.constant 0 : i32
          %dma_wait3A_95 = tpu.memref_slice %arg2[%dma_wait3A_93, %dma_wait3A_94] : memref<10000x128xf32, #tpu.memory_space<hbm>> -> memref<10000x128xf32, #tpu.memory_space<hbm>>
          tpu.wait_indirect_dma semaphore(%arg14 : memref<!tpu.dma_semaphore, #tpu.memory_space<semaphore_mem>>) src(%dma_wait3A_95 : memref<10000x128xf32, #tpu.memory_space<hbm>>) dst(%dma_wait3A_89 : memref<64x128xf32, #tpu.memory_space<vmem>>)
          %mul3A_96 = arith.constant 64 : i32
          %mul3A_97 = arith.muli %rem3A_86, %mul3A_96 : i32
          %dma_start3A = arith.constant 0 : i32
          %dma_start3A_98 = tpu.memref_slice %arg13[%mul3A_97, %dma_start3A] : memref<256x128xf32, #tpu.memory_space<vmem>> -> memref<64x128xf32, #tpu.memory_space<vmem>>
          %dma_start3A_99 = arith.constant 0 : i32
          %dma_start3A_100 = tpu.memref_slice %arg12[%sub3A_84, %dma_start3A_99] : memref<64x64xi32, #tpu.memory_space<vmem>> -> memref<1x64xi32, #tpu.memory_space<vmem>>
          %dma_start3A_101 = tpu.memref_squeeze %dma_start3A_100 : memref<1x64xi32, #tpu.memory_space<vmem>> -> memref<64xi32, #tpu.memory_space<vmem>>
          %dma_start3A_102 = arith.constant 0 : i32
          %dma_start3A_103 = arith.constant 0 : i32
          %dma_start3A_104 = tpu.memref_slice %arg10[%dma_start3A_102, %dma_start3A_103] : memref<10016x128xf32, #tpu.memory_space<vmem_shared>> -> memref<10016x128xf32, #tpu.memory_space<vmem_shared>>
          tpu.enqueue_indirect_dma source(%dma_start3A_98 : memref<64x128xf32, #tpu.memory_space<vmem>>) target(%dma_start3A_104 : memref<10016x128xf32, #tpu.memory_space<vmem_shared>>) offsets(%dma_start3A_101 : memref<64xi32, #tpu.memory_space<vmem>>) semaphore(%arg15 : memref<!tpu.dma_semaphore, #tpu.memory_space<semaphore_mem>>) {add = true}
        } else {
        }
      }
      %scan3A_32 = arith.constant 68 : i32
      "tpu.region"() ({
        %run_scoped3A = tpu.sem_alloc : memref<!tpu.dma_semaphore, #tpu.memory_space<semaphore_mem>>
        %dma_start3A = arith.constant 128 : i32
        %dma_start3A_60 = arith.constant 0 : i32
        %dma_start3A_61 = tpu.memref_slice %arg4[%arg1, %dma_start3A, %dma_start3A_60] : memref<16x320x64xi32, #tpu.memory_space<hbm>> -> memref<1x64x64xi32, #tpu.memory_space<hbm>>
        %dma_start3A_62 = tpu.memref_squeeze %dma_start3A_61 : memref<1x64x64xi32, #tpu.memory_space<hbm>> -> memref<64x64xi32, #tpu.memory_space<hbm>>
        %dma_start3A_63 = arith.constant 128 : i32
        %dma_start3A_64 = arith.constant 0 : i32
        %dma_start3A_65 = tpu.memref_slice %arg4[%arg1, %dma_start3A_63, %dma_start3A_64] : memref<16x320x64xi32, #tpu.memory_space<hbm>> -> memref<1x64x64xi32, #tpu.memory_space<hbm>>
        %dma_start3A_66 = tpu.memref_squeeze %dma_start3A_65 : memref<1x64x64xi32, #tpu.memory_space<hbm>> -> memref<64x64xi32, #tpu.memory_space<hbm>>
        tpu.enqueue_dma source(%dma_start3A_66 : memref<64x64xi32, #tpu.memory_space<hbm>>) target(%arg11 : memref<64x64xi32, #tpu.memory_space<vmem>>) target_semaphore(%run_scoped3A : memref<!tpu.dma_semaphore, #tpu.memory_space<semaphore_mem>>)
        %dma_wait3A = arith.constant 128 : i32
        %dma_wait3A_67 = arith.constant 0 : i32
        %dma_wait3A_68 = tpu.memref_slice %arg4[%arg1, %dma_wait3A, %dma_wait3A_67] : memref<16x320x64xi32, #tpu.memory_space<hbm>> -> memref<1x64x64xi32, #tpu.memory_space<hbm>>
        %dma_wait3A_69 = tpu.memref_squeeze %dma_wait3A_68 : memref<1x64x64xi32, #tpu.memory_space<hbm>> -> memref<64x64xi32, #tpu.memory_space<hbm>>
        %dma_wait3A_70 = arith.constant 128 : i32
        %dma_wait3A_71 = arith.constant 0 : i32
        %dma_wait3A_72 = tpu.memref_slice %arg4[%arg1, %dma_wait3A_70, %dma_wait3A_71] : memref<16x320x64xi32, #tpu.memory_space<hbm>> -> memref<1x64x64xi32, #tpu.memory_space<hbm>>
        %dma_wait3A_73 = tpu.memref_squeeze %dma_wait3A_72 : memref<1x64x64xi32, #tpu.memory_space<hbm>> -> memref<64x64xi32, #tpu.memory_space<hbm>>
        tpu.wait_dma2 semaphore(%run_scoped3A : memref<!tpu.dma_semaphore, #tpu.memory_space<semaphore_mem>>) src(%dma_wait3A_73 : memref<64x64xi32, #tpu.memory_space<hbm>>) dst(%arg11 : memref<64x64xi32, #tpu.memory_space<vmem>>)
        tpu.yield
      }) : () -> ()
      "tpu.region"() ({
        %run_scoped3A = tpu.sem_alloc : memref<!tpu.dma_semaphore, #tpu.memory_space<semaphore_mem>>
        %dma_start3A = arith.constant 128 : i32
        %dma_start3A_60 = arith.constant 0 : i32
        %dma_start3A_61 = tpu.memref_slice %arg5[%arg1, %dma_start3A, %dma_start3A_60] : memref<16x320x64xi32, #tpu.memory_space<hbm>> -> memref<1x64x64xi32, #tpu.memory_space<hbm>>
        %dma_start3A_62 = tpu.memref_squeeze %dma_start3A_61 : memref<1x64x64xi32, #tpu.memory_space<hbm>> -> memref<64x64xi32, #tpu.memory_space<hbm>>
        %dma_start3A_63 = arith.constant 128 : i32
        %dma_start3A_64 = arith.constant 0 : i32
        %dma_start3A_65 = tpu.memref_slice %arg5[%arg1, %dma_start3A_63, %dma_start3A_64] : memref<16x320x64xi32, #tpu.memory_space<hbm>> -> memref<1x64x64xi32, #tpu.memory_space<hbm>>
        %dma_start3A_66 = tpu.memref_squeeze %dma_start3A_65 : memref<1x64x64xi32, #tpu.memory_space<hbm>> -> memref<64x64xi32, #tpu.memory_space<hbm>>
        tpu.enqueue_dma source(%dma_start3A_66 : memref<64x64xi32, #tpu.memory_space<hbm>>) target(%arg12 : memref<64x64xi32, #tpu.memory_space<vmem>>) target_semaphore(%run_scoped3A : memref<!tpu.dma_semaphore, #tpu.memory_space<semaphore_mem>>)
        %dma_wait3A = arith.constant 128 : i32
        %dma_wait3A_67 = arith.constant 0 : i32
        %dma_wait3A_68 = tpu.memref_slice %arg5[%arg1, %dma_wait3A, %dma_wait3A_67] : memref<16x320x64xi32, #tpu.memory_space<hbm>> -> memref<1x64x64xi32, #tpu.memory_space<hbm>>
        %dma_wait3A_69 = tpu.memref_squeeze %dma_wait3A_68 : memref<1x64x64xi32, #tpu.memory_space<hbm>> -> memref<64x64xi32, #tpu.memory_space<hbm>>
        %dma_wait3A_70 = arith.constant 128 : i32
        %dma_wait3A_71 = arith.constant 0 : i32
        %dma_wait3A_72 = tpu.memref_slice %arg5[%arg1, %dma_wait3A_70, %dma_wait3A_71] : memref<16x320x64xi32, #tpu.memory_space<hbm>> -> memref<1x64x64xi32, #tpu.memory_space<hbm>>
        %dma_wait3A_73 = tpu.memref_squeeze %dma_wait3A_72 : memref<1x64x64xi32, #tpu.memory_space<hbm>> -> memref<64x64xi32, #tpu.memory_space<hbm>>
        tpu.wait_dma2 semaphore(%run_scoped3A : memref<!tpu.dma_semaphore, #tpu.memory_space<semaphore_mem>>) src(%dma_wait3A_73 : memref<64x64xi32, #tpu.memory_space<hbm>>) dst(%arg12 : memref<64x64xi32, #tpu.memory_space<vmem>>)
        tpu.yield
      }) : () -> ()
      %scan3A_33 = arith.constant 0 : i32
      %scan3A_34 = arith.constant 0 : i32
      %scan3A_35 = arith.constant 68 : i32
      %scan3A_36 = arith.addi %scan3A_34, %scan3A_35 : i32
      %scan3A_37 = arith.constant 1 : i32
      scf.for %scan3A_60 = %scan3A_34 to %scan3A_36 step %scan3A_37  : i32 {
        %rem3A = arith.constant 4 : i32
        %rem3A_61 = arith.remsi %scan3A_60, %rem3A : i32
        %ge3A = arith.constant 4 : i32
        %ge3A_62 = arith.cmpi sge, %scan3A_60, %ge3A : i32
        %sub3A = arith.constant 4 : i32
        %sub3A_63 = arith.subi %scan3A_60, %sub3A : i32
        %lt3A = arith.constant 64 : i32
        %lt3A_64 = arith.cmpi slt, %sub3A_63, %lt3A : i32
        %and3A = arith.andi %ge3A_62, %lt3A_64 : i1
        %convert_element_type3A_65 = arith.extui %and3A : i1 to i32
        %cond3A_66 = arith.constant 0 : i32
        %cond3A_67 = arith.cmpi ne, %convert_element_type3A_65, %cond3A_66 : i32
        scf.if %cond3A_67 {
          %dma_wait3A = arith.constant 0 : i32
          %dma_wait3A_83 = arith.constant 0 : i32
          %dma_wait3A_84 = arith.constant 0 : i32
          %dma_wait3A_85 = tpu.memref_slice %arg13[%dma_wait3A_83, %dma_wait3A_84] : memref<256x128xf32, #tpu.memory_space<vmem>> -> memref<64x128xf32, #tpu.memory_space<vmem>>
          %dma_wait3A_86 = arith.constant 0 : i32
          %dma_wait3A_87 = tpu.memref_slice %arg12[%dma_wait3A, %dma_wait3A_86] : memref<64x64xi32, #tpu.memory_space<vmem>> -> memref<1x64xi32, #tpu.memory_space<vmem>>
          %dma_wait3A_88 = tpu.memref_squeeze %dma_wait3A_87 : memref<1x64xi32, #tpu.memory_space<vmem>> -> memref<64xi32, #tpu.memory_space<vmem>>
          %dma_wait3A_89 = arith.constant 0 : i32
          %dma_wait3A_90 = arith.constant 0 : i32
          %dma_wait3A_91 = tpu.memref_slice %arg10[%dma_wait3A_89, %dma_wait3A_90] : memref<10016x128xf32, #tpu.memory_space<vmem_shared>> -> memref<10016x128xf32, #tpu.memory_space<vmem_shared>>
          tpu.wait_indirect_dma semaphore(%arg15 : memref<!tpu.dma_semaphore, #tpu.memory_space<semaphore_mem>>) src(%dma_wait3A_85 : memref<64x128xf32, #tpu.memory_space<vmem>>) dst(%dma_wait3A_91 : memref<10016x128xf32, #tpu.memory_space<vmem_shared>>)
        } else {
        }
        %lt3A_68 = arith.constant 64 : i32
        %lt3A_69 = arith.cmpi slt, %scan3A_60, %lt3A_68 : i32
        %convert_element_type3A_70 = arith.extui %lt3A_69 : i1 to i32
        %cond3A_71 = arith.constant 0 : i32
        %cond3A_72 = arith.cmpi ne, %convert_element_type3A_70, %cond3A_71 : i32
        scf.if %cond3A_72 {
          %mul3A_83 = arith.constant 64 : i32
          %mul3A_84 = arith.muli %rem3A_61, %mul3A_83 : i32
          %dma_start3A = arith.constant 0 : i32
          %dma_start3A_85 = tpu.memref_slice %arg13[%mul3A_84, %dma_start3A] : memref<256x128xf32, #tpu.memory_space<vmem>> -> memref<64x128xf32, #tpu.memory_space<vmem>>
          %dma_start3A_86 = arith.constant 0 : i32
          %dma_start3A_87 = tpu.memref_slice %arg11[%scan3A_60, %dma_start3A_86] : memref<64x64xi32, #tpu.memory_space<vmem>> -> memref<1x64xi32, #tpu.memory_space<vmem>>
          %dma_start3A_88 = tpu.memref_squeeze %dma_start3A_87 : memref<1x64xi32, #tpu.memory_space<vmem>> -> memref<64xi32, #tpu.memory_space<vmem>>
          %dma_start3A_89 = arith.constant 0 : i32
          %dma_start3A_90 = arith.constant 0 : i32
          %dma_start3A_91 = tpu.memref_slice %arg2[%dma_start3A_89, %dma_start3A_90] : memref<10000x128xf32, #tpu.memory_space<hbm>> -> memref<10000x128xf32, #tpu.memory_space<hbm>>
          tpu.enqueue_indirect_dma source(%dma_start3A_91 : memref<10000x128xf32, #tpu.memory_space<hbm>>) target(%dma_start3A_85 : memref<64x128xf32, #tpu.memory_space<vmem>>) offsets(%dma_start3A_88 : memref<64xi32, #tpu.memory_space<vmem>>) semaphore(%arg14 : memref<!tpu.dma_semaphore, #tpu.memory_space<semaphore_mem>>)
        } else {
        }
        %ge3A_73 = arith.constant 3 : i32
        %ge3A_74 = arith.cmpi sge, %scan3A_60, %ge3A_73 : i32
        %sub3A_75 = arith.constant 3 : i32
        %sub3A_76 = arith.subi %scan3A_60, %sub3A_75 : i32
        %lt3A_77 = arith.constant 64 : i32
        %lt3A_78 = arith.cmpi slt, %sub3A_76, %lt3A_77 : i32
        %and3A_79 = arith.andi %ge3A_74, %lt3A_78 : i1
        %convert_element_type3A_80 = arith.extui %and3A_79 : i1 to i32
        %cond3A_81 = arith.constant 0 : i32
        %cond3A_82 = arith.cmpi ne, %convert_element_type3A_80, %cond3A_81 : i32
        scf.if %cond3A_82 {
          %sub3A_83 = arith.constant 3 : i32
          %sub3A_84 = arith.subi %scan3A_60, %sub3A_83 : i32
          %rem3A_85 = arith.constant 4 : i32
          %rem3A_86 = arith.remsi %sub3A_84, %rem3A_85 : i32
          %dma_wait3A = arith.constant 0 : i32
          %dma_wait3A_87 = arith.constant 0 : i32
          %dma_wait3A_88 = arith.constant 0 : i32
          %dma_wait3A_89 = tpu.memref_slice %arg13[%dma_wait3A_87, %dma_wait3A_88] : memref<256x128xf32, #tpu.memory_space<vmem>> -> memref<64x128xf32, #tpu.memory_space<vmem>>
          %dma_wait3A_90 = arith.constant 0 : i32
          %dma_wait3A_91 = tpu.memref_slice %arg11[%dma_wait3A, %dma_wait3A_90] : memref<64x64xi32, #tpu.memory_space<vmem>> -> memref<1x64xi32, #tpu.memory_space<vmem>>
          %dma_wait3A_92 = tpu.memref_squeeze %dma_wait3A_91 : memref<1x64xi32, #tpu.memory_space<vmem>> -> memref<64xi32, #tpu.memory_space<vmem>>
          %dma_wait3A_93 = arith.constant 0 : i32
          %dma_wait3A_94 = arith.constant 0 : i32
          %dma_wait3A_95 = tpu.memref_slice %arg2[%dma_wait3A_93, %dma_wait3A_94] : memref<10000x128xf32, #tpu.memory_space<hbm>> -> memref<10000x128xf32, #tpu.memory_space<hbm>>
          tpu.wait_indirect_dma semaphore(%arg14 : memref<!tpu.dma_semaphore, #tpu.memory_space<semaphore_mem>>) src(%dma_wait3A_95 : memref<10000x128xf32, #tpu.memory_space<hbm>>) dst(%dma_wait3A_89 : memref<64x128xf32, #tpu.memory_space<vmem>>)
          %mul3A_96 = arith.constant 64 : i32
          %mul3A_97 = arith.muli %rem3A_86, %mul3A_96 : i32
          %dma_start3A = arith.constant 0 : i32
          %dma_start3A_98 = tpu.memref_slice %arg13[%mul3A_97, %dma_start3A] : memref<256x128xf32, #tpu.memory_space<vmem>> -> memref<64x128xf32, #tpu.memory_space<vmem>>
          %dma_start3A_99 = arith.constant 0 : i32
          %dma_start3A_100 = tpu.memref_slice %arg12[%sub3A_84, %dma_start3A_99] : memref<64x64xi32, #tpu.memory_space<vmem>> -> memref<1x64xi32, #tpu.memory_space<vmem>>
          %dma_start3A_101 = tpu.memref_squeeze %dma_start3A_100 : memref<1x64xi32, #tpu.memory_space<vmem>> -> memref<64xi32, #tpu.memory_space<vmem>>
          %dma_start3A_102 = arith.constant 0 : i32
          %dma_start3A_103 = arith.constant 0 : i32
          %dma_start3A_104 = tpu.memref_slice %arg10[%dma_start3A_102, %dma_start3A_103] : memref<10016x128xf32, #tpu.memory_space<vmem_shared>> -> memref<10016x128xf32, #tpu.memory_space<vmem_shared>>
          tpu.enqueue_indirect_dma source(%dma_start3A_98 : memref<64x128xf32, #tpu.memory_space<vmem>>) target(%dma_start3A_104 : memref<10016x128xf32, #tpu.memory_space<vmem_shared>>) offsets(%dma_start3A_101 : memref<64xi32, #tpu.memory_space<vmem>>) semaphore(%arg15 : memref<!tpu.dma_semaphore, #tpu.memory_space<semaphore_mem>>) {add = true}
        } else {
        }
      }
      %scan3A_38 = arith.constant 68 : i32
      "tpu.region"() ({
        %run_scoped3A = tpu.sem_alloc : memref<!tpu.dma_semaphore, #tpu.memory_space<semaphore_mem>>
        %dma_start3A = arith.constant 192 : i32
        %dma_start3A_60 = arith.constant 0 : i32
        %dma_start3A_61 = tpu.memref_slice %arg4[%arg1, %dma_start3A, %dma_start3A_60] : memref<16x320x64xi32, #tpu.memory_space<hbm>> -> memref<1x64x64xi32, #tpu.memory_space<hbm>>
        %dma_start3A_62 = tpu.memref_squeeze %dma_start3A_61 : memref<1x64x64xi32, #tpu.memory_space<hbm>> -> memref<64x64xi32, #tpu.memory_space<hbm>>
        %dma_start3A_63 = arith.constant 192 : i32
        %dma_start3A_64 = arith.constant 0 : i32
        %dma_start3A_65 = tpu.memref_slice %arg4[%arg1, %dma_start3A_63, %dma_start3A_64] : memref<16x320x64xi32, #tpu.memory_space<hbm>> -> memref<1x64x64xi32, #tpu.memory_space<hbm>>
        %dma_start3A_66 = tpu.memref_squeeze %dma_start3A_65 : memref<1x64x64xi32, #tpu.memory_space<hbm>> -> memref<64x64xi32, #tpu.memory_space<hbm>>
        tpu.enqueue_dma source(%dma_start3A_66 : memref<64x64xi32, #tpu.memory_space<hbm>>) target(%arg11 : memref<64x64xi32, #tpu.memory_space<vmem>>) target_semaphore(%run_scoped3A : memref<!tpu.dma_semaphore, #tpu.memory_space<semaphore_mem>>)
        %dma_wait3A = arith.constant 192 : i32
        %dma_wait3A_67 = arith.constant 0 : i32
        %dma_wait3A_68 = tpu.memref_slice %arg4[%arg1, %dma_wait3A, %dma_wait3A_67] : memref<16x320x64xi32, #tpu.memory_space<hbm>> -> memref<1x64x64xi32, #tpu.memory_space<hbm>>
        %dma_wait3A_69 = tpu.memref_squeeze %dma_wait3A_68 : memref<1x64x64xi32, #tpu.memory_space<hbm>> -> memref<64x64xi32, #tpu.memory_space<hbm>>
        %dma_wait3A_70 = arith.constant 192 : i32
        %dma_wait3A_71 = arith.constant 0 : i32
        %dma_wait3A_72 = tpu.memref_slice %arg4[%arg1, %dma_wait3A_70, %dma_wait3A_71] : memref<16x320x64xi32, #tpu.memory_space<hbm>> -> memref<1x64x64xi32, #tpu.memory_space<hbm>>
        %dma_wait3A_73 = tpu.memref_squeeze %dma_wait3A_72 : memref<1x64x64xi32, #tpu.memory_space<hbm>> -> memref<64x64xi32, #tpu.memory_space<hbm>>
        tpu.wait_dma2 semaphore(%run_scoped3A : memref<!tpu.dma_semaphore, #tpu.memory_space<semaphore_mem>>) src(%dma_wait3A_73 : memref<64x64xi32, #tpu.memory_space<hbm>>) dst(%arg11 : memref<64x64xi32, #tpu.memory_space<vmem>>)
        tpu.yield
      }) : () -> ()
      "tpu.region"() ({
        %run_scoped3A = tpu.sem_alloc : memref<!tpu.dma_semaphore, #tpu.memory_space<semaphore_mem>>
        %dma_start3A = arith.constant 192 : i32
        %dma_start3A_60 = arith.constant 0 : i32
        %dma_start3A_61 = tpu.memref_slice %arg5[%arg1, %dma_start3A, %dma_start3A_60] : memref<16x320x64xi32, #tpu.memory_space<hbm>> -> memref<1x64x64xi32, #tpu.memory_space<hbm>>
        %dma_start3A_62 = tpu.memref_squeeze %dma_start3A_61 : memref<1x64x64xi32, #tpu.memory_space<hbm>> -> memref<64x64xi32, #tpu.memory_space<hbm>>
        %dma_start3A_63 = arith.constant 192 : i32
        %dma_start3A_64 = arith.constant 0 : i32
        %dma_start3A_65 = tpu.memref_slice %arg5[%arg1, %dma_start3A_63, %dma_start3A_64] : memref<16x320x64xi32, #tpu.memory_space<hbm>> -> memref<1x64x64xi32, #tpu.memory_space<hbm>>
        %dma_start3A_66 = tpu.memref_squeeze %dma_start3A_65 : memref<1x64x64xi32, #tpu.memory_space<hbm>> -> memref<64x64xi32, #tpu.memory_space<hbm>>
        tpu.enqueue_dma source(%dma_start3A_66 : memref<64x64xi32, #tpu.memory_space<hbm>>) target(%arg12 : memref<64x64xi32, #tpu.memory_space<vmem>>) target_semaphore(%run_scoped3A : memref<!tpu.dma_semaphore, #tpu.memory_space<semaphore_mem>>)
        %dma_wait3A = arith.constant 192 : i32
        %dma_wait3A_67 = arith.constant 0 : i32
        %dma_wait3A_68 = tpu.memref_slice %arg5[%arg1, %dma_wait3A, %dma_wait3A_67] : memref<16x320x64xi32, #tpu.memory_space<hbm>> -> memref<1x64x64xi32, #tpu.memory_space<hbm>>
        %dma_wait3A_69 = tpu.memref_squeeze %dma_wait3A_68 : memref<1x64x64xi32, #tpu.memory_space<hbm>> -> memref<64x64xi32, #tpu.memory_space<hbm>>
        %dma_wait3A_70 = arith.constant 192 : i32
        %dma_wait3A_71 = arith.constant 0 : i32
        %dma_wait3A_72 = tpu.memref_slice %arg5[%arg1, %dma_wait3A_70, %dma_wait3A_71] : memref<16x320x64xi32, #tpu.memory_space<hbm>> -> memref<1x64x64xi32, #tpu.memory_space<hbm>>
        %dma_wait3A_73 = tpu.memref_squeeze %dma_wait3A_72 : memref<1x64x64xi32, #tpu.memory_space<hbm>> -> memref<64x64xi32, #tpu.memory_space<hbm>>
        tpu.wait_dma2 semaphore(%run_scoped3A : memref<!tpu.dma_semaphore, #tpu.memory_space<semaphore_mem>>) src(%dma_wait3A_73 : memref<64x64xi32, #tpu.memory_space<hbm>>) dst(%arg12 : memref<64x64xi32, #tpu.memory_space<vmem>>)
        tpu.yield
      }) : () -> ()
      %scan3A_39 = arith.constant 0 : i32
      %scan3A_40 = arith.constant 0 : i32
      %scan3A_41 = arith.constant 68 : i32
      %scan3A_42 = arith.addi %scan3A_40, %scan3A_41 : i32
      %scan3A_43 = arith.constant 1 : i32
      scf.for %scan3A_60 = %scan3A_40 to %scan3A_42 step %scan3A_43  : i32 {
        %rem3A = arith.constant 4 : i32
        %rem3A_61 = arith.remsi %scan3A_60, %rem3A : i32
        %ge3A = arith.constant 4 : i32
        %ge3A_62 = arith.cmpi sge, %scan3A_60, %ge3A : i32
        %sub3A = arith.constant 4 : i32
        %sub3A_63 = arith.subi %scan3A_60, %sub3A : i32
        %lt3A = arith.constant 64 : i32
        %lt3A_64 = arith.cmpi slt, %sub3A_63, %lt3A : i32
        %and3A = arith.andi %ge3A_62, %lt3A_64 : i1
        %convert_element_type3A_65 = arith.extui %and3A : i1 to i32
        %cond3A_66 = arith.constant 0 : i32
        %cond3A_67 = arith.cmpi ne, %convert_element_type3A_65, %cond3A_66 : i32
        scf.if %cond3A_67 {
          %dma_wait3A = arith.constant 0 : i32
          %dma_wait3A_83 = arith.constant 0 : i32
          %dma_wait3A_84 = arith.constant 0 : i32
          %dma_wait3A_85 = tpu.memref_slice %arg13[%dma_wait3A_83, %dma_wait3A_84] : memref<256x128xf32, #tpu.memory_space<vmem>> -> memref<64x128xf32, #tpu.memory_space<vmem>>
          %dma_wait3A_86 = arith.constant 0 : i32
          %dma_wait3A_87 = tpu.memref_slice %arg12[%dma_wait3A, %dma_wait3A_86] : memref<64x64xi32, #tpu.memory_space<vmem>> -> memref<1x64xi32, #tpu.memory_space<vmem>>
          %dma_wait3A_88 = tpu.memref_squeeze %dma_wait3A_87 : memref<1x64xi32, #tpu.memory_space<vmem>> -> memref<64xi32, #tpu.memory_space<vmem>>
          %dma_wait3A_89 = arith.constant 0 : i32
          %dma_wait3A_90 = arith.constant 0 : i32
          %dma_wait3A_91 = tpu.memref_slice %arg10[%dma_wait3A_89, %dma_wait3A_90] : memref<10016x128xf32, #tpu.memory_space<vmem_shared>> -> memref<10016x128xf32, #tpu.memory_space<vmem_shared>>
          tpu.wait_indirect_dma semaphore(%arg15 : memref<!tpu.dma_semaphore, #tpu.memory_space<semaphore_mem>>) src(%dma_wait3A_85 : memref<64x128xf32, #tpu.memory_space<vmem>>) dst(%dma_wait3A_91 : memref<10016x128xf32, #tpu.memory_space<vmem_shared>>)
        } else {
        }
        %lt3A_68 = arith.constant 64 : i32
        %lt3A_69 = arith.cmpi slt, %scan3A_60, %lt3A_68 : i32
        %convert_element_type3A_70 = arith.extui %lt3A_69 : i1 to i32
        %cond3A_71 = arith.constant 0 : i32
        %cond3A_72 = arith.cmpi ne, %convert_element_type3A_70, %cond3A_71 : i32
        scf.if %cond3A_72 {
          %mul3A_83 = arith.constant 64 : i32
          %mul3A_84 = arith.muli %rem3A_61, %mul3A_83 : i32
          %dma_start3A = arith.constant 0 : i32
          %dma_start3A_85 = tpu.memref_slice %arg13[%mul3A_84, %dma_start3A] : memref<256x128xf32, #tpu.memory_space<vmem>> -> memref<64x128xf32, #tpu.memory_space<vmem>>
          %dma_start3A_86 = arith.constant 0 : i32
          %dma_start3A_87 = tpu.memref_slice %arg11[%scan3A_60, %dma_start3A_86] : memref<64x64xi32, #tpu.memory_space<vmem>> -> memref<1x64xi32, #tpu.memory_space<vmem>>
          %dma_start3A_88 = tpu.memref_squeeze %dma_start3A_87 : memref<1x64xi32, #tpu.memory_space<vmem>> -> memref<64xi32, #tpu.memory_space<vmem>>
          %dma_start3A_89 = arith.constant 0 : i32
          %dma_start3A_90 = arith.constant 0 : i32
          %dma_start3A_91 = tpu.memref_slice %arg2[%dma_start3A_89, %dma_start3A_90] : memref<10000x128xf32, #tpu.memory_space<hbm>> -> memref<10000x128xf32, #tpu.memory_space<hbm>>
          tpu.enqueue_indirect_dma source(%dma_start3A_91 : memref<10000x128xf32, #tpu.memory_space<hbm>>) target(%dma_start3A_85 : memref<64x128xf32, #tpu.memory_space<vmem>>) offsets(%dma_start3A_88 : memref<64xi32, #tpu.memory_space<vmem>>) semaphore(%arg14 : memref<!tpu.dma_semaphore, #tpu.memory_space<semaphore_mem>>)
        } else {
        }
        %ge3A_73 = arith.constant 3 : i32
        %ge3A_74 = arith.cmpi sge, %scan3A_60, %ge3A_73 : i32
        %sub3A_75 = arith.constant 3 : i32
        %sub3A_76 = arith.subi %scan3A_60, %sub3A_75 : i32
        %lt3A_77 = arith.constant 64 : i32
        %lt3A_78 = arith.cmpi slt, %sub3A_76, %lt3A_77 : i32
        %and3A_79 = arith.andi %ge3A_74, %lt3A_78 : i1
        %convert_element_type3A_80 = arith.extui %and3A_79 : i1 to i32
        %cond3A_81 = arith.constant 0 : i32
        %cond3A_82 = arith.cmpi ne, %convert_element_type3A_80, %cond3A_81 : i32
        scf.if %cond3A_82 {
          %sub3A_83 = arith.constant 3 : i32
          %sub3A_84 = arith.subi %scan3A_60, %sub3A_83 : i32
          %rem3A_85 = arith.constant 4 : i32
          %rem3A_86 = arith.remsi %sub3A_84, %rem3A_85 : i32
          %dma_wait3A = arith.constant 0 : i32
          %dma_wait3A_87 = arith.constant 0 : i32
          %dma_wait3A_88 = arith.constant 0 : i32
          %dma_wait3A_89 = tpu.memref_slice %arg13[%dma_wait3A_87, %dma_wait3A_88] : memref<256x128xf32, #tpu.memory_space<vmem>> -> memref<64x128xf32, #tpu.memory_space<vmem>>
          %dma_wait3A_90 = arith.constant 0 : i32
          %dma_wait3A_91 = tpu.memref_slice %arg11[%dma_wait3A, %dma_wait3A_90] : memref<64x64xi32, #tpu.memory_space<vmem>> -> memref<1x64xi32, #tpu.memory_space<vmem>>
          %dma_wait3A_92 = tpu.memref_squeeze %dma_wait3A_91 : memref<1x64xi32, #tpu.memory_space<vmem>> -> memref<64xi32, #tpu.memory_space<vmem>>
          %dma_wait3A_93 = arith.constant 0 : i32
          %dma_wait3A_94 = arith.constant 0 : i32
          %dma_wait3A_95 = tpu.memref_slice %arg2[%dma_wait3A_93, %dma_wait3A_94] : memref<10000x128xf32, #tpu.memory_space<hbm>> -> memref<10000x128xf32, #tpu.memory_space<hbm>>
          tpu.wait_indirect_dma semaphore(%arg14 : memref<!tpu.dma_semaphore, #tpu.memory_space<semaphore_mem>>) src(%dma_wait3A_95 : memref<10000x128xf32, #tpu.memory_space<hbm>>) dst(%dma_wait3A_89 : memref<64x128xf32, #tpu.memory_space<vmem>>)
          %mul3A_96 = arith.constant 64 : i32
          %mul3A_97 = arith.muli %rem3A_86, %mul3A_96 : i32
          %dma_start3A = arith.constant 0 : i32
          %dma_start3A_98 = tpu.memref_slice %arg13[%mul3A_97, %dma_start3A] : memref<256x128xf32, #tpu.memory_space<vmem>> -> memref<64x128xf32, #tpu.memory_space<vmem>>
          %dma_start3A_99 = arith.constant 0 : i32
          %dma_start3A_100 = tpu.memref_slice %arg12[%sub3A_84, %dma_start3A_99] : memref<64x64xi32, #tpu.memory_space<vmem>> -> memref<1x64xi32, #tpu.memory_space<vmem>>
          %dma_start3A_101 = tpu.memref_squeeze %dma_start3A_100 : memref<1x64xi32, #tpu.memory_space<vmem>> -> memref<64xi32, #tpu.memory_space<vmem>>
          %dma_start3A_102 = arith.constant 0 : i32
          %dma_start3A_103 = arith.constant 0 : i32
          %dma_start3A_104 = tpu.memref_slice %arg10[%dma_start3A_102, %dma_start3A_103] : memref<10016x128xf32, #tpu.memory_space<vmem_shared>> -> memref<10016x128xf32, #tpu.memory_space<vmem_shared>>
          tpu.enqueue_indirect_dma source(%dma_start3A_98 : memref<64x128xf32, #tpu.memory_space<vmem>>) target(%dma_start3A_104 : memref<10016x128xf32, #tpu.memory_space<vmem_shared>>) offsets(%dma_start3A_101 : memref<64xi32, #tpu.memory_space<vmem>>) semaphore(%arg15 : memref<!tpu.dma_semaphore, #tpu.memory_space<semaphore_mem>>) {add = true}
        } else {
        }
      }
      %scan3A_44 = arith.constant 68 : i32
      "tpu.region"() ({
        %run_scoped3A = tpu.sem_alloc : memref<!tpu.dma_semaphore, #tpu.memory_space<semaphore_mem>>
        %dma_start3A = arith.constant 256 : i32
        %dma_start3A_60 = arith.constant 0 : i32
        %dma_start3A_61 = tpu.memref_slice %arg4[%arg1, %dma_start3A, %dma_start3A_60] : memref<16x320x64xi32, #tpu.memory_space<hbm>> -> memref<1x64x64xi32, #tpu.memory_space<hbm>>
        %dma_start3A_62 = tpu.memref_squeeze %dma_start3A_61 : memref<1x64x64xi32, #tpu.memory_space<hbm>> -> memref<64x64xi32, #tpu.memory_space<hbm>>
        %dma_start3A_63 = arith.constant 256 : i32
        %dma_start3A_64 = arith.constant 0 : i32
        %dma_start3A_65 = tpu.memref_slice %arg4[%arg1, %dma_start3A_63, %dma_start3A_64] : memref<16x320x64xi32, #tpu.memory_space<hbm>> -> memref<1x64x64xi32, #tpu.memory_space<hbm>>
        %dma_start3A_66 = tpu.memref_squeeze %dma_start3A_65 : memref<1x64x64xi32, #tpu.memory_space<hbm>> -> memref<64x64xi32, #tpu.memory_space<hbm>>
        tpu.enqueue_dma source(%dma_start3A_66 : memref<64x64xi32, #tpu.memory_space<hbm>>) target(%arg11 : memref<64x64xi32, #tpu.memory_space<vmem>>) target_semaphore(%run_scoped3A : memref<!tpu.dma_semaphore, #tpu.memory_space<semaphore_mem>>)
        %dma_wait3A = arith.constant 256 : i32
        %dma_wait3A_67 = arith.constant 0 : i32
        %dma_wait3A_68 = tpu.memref_slice %arg4[%arg1, %dma_wait3A, %dma_wait3A_67] : memref<16x320x64xi32, #tpu.memory_space<hbm>> -> memref<1x64x64xi32, #tpu.memory_space<hbm>>
        %dma_wait3A_69 = tpu.memref_squeeze %dma_wait3A_68 : memref<1x64x64xi32, #tpu.memory_space<hbm>> -> memref<64x64xi32, #tpu.memory_space<hbm>>
        %dma_wait3A_70 = arith.constant 256 : i32
        %dma_wait3A_71 = arith.constant 0 : i32
        %dma_wait3A_72 = tpu.memref_slice %arg4[%arg1, %dma_wait3A_70, %dma_wait3A_71] : memref<16x320x64xi32, #tpu.memory_space<hbm>> -> memref<1x64x64xi32, #tpu.memory_space<hbm>>
        %dma_wait3A_73 = tpu.memref_squeeze %dma_wait3A_72 : memref<1x64x64xi32, #tpu.memory_space<hbm>> -> memref<64x64xi32, #tpu.memory_space<hbm>>
        tpu.wait_dma2 semaphore(%run_scoped3A : memref<!tpu.dma_semaphore, #tpu.memory_space<semaphore_mem>>) src(%dma_wait3A_73 : memref<64x64xi32, #tpu.memory_space<hbm>>) dst(%arg11 : memref<64x64xi32, #tpu.memory_space<vmem>>)
        tpu.yield
      }) : () -> ()
      "tpu.region"() ({
        %run_scoped3A = tpu.sem_alloc : memref<!tpu.dma_semaphore, #tpu.memory_space<semaphore_mem>>
        %dma_start3A = arith.constant 256 : i32
        %dma_start3A_60 = arith.constant 0 : i32
        %dma_start3A_61 = tpu.memref_slice %arg5[%arg1, %dma_start3A, %dma_start3A_60] : memref<16x320x64xi32, #tpu.memory_space<hbm>> -> memref<1x64x64xi32, #tpu.memory_space<hbm>>
        %dma_start3A_62 = tpu.memref_squeeze %dma_start3A_61 : memref<1x64x64xi32, #tpu.memory_space<hbm>> -> memref<64x64xi32, #tpu.memory_space<hbm>>
        %dma_start3A_63 = arith.constant 256 : i32
        %dma_start3A_64 = arith.constant 0 : i32
        %dma_start3A_65 = tpu.memref_slice %arg5[%arg1, %dma_start3A_63, %dma_start3A_64] : memref<16x320x64xi32, #tpu.memory_space<hbm>> -> memref<1x64x64xi32, #tpu.memory_space<hbm>>
        %dma_start3A_66 = tpu.memref_squeeze %dma_start3A_65 : memref<1x64x64xi32, #tpu.memory_space<hbm>> -> memref<64x64xi32, #tpu.memory_space<hbm>>
        tpu.enqueue_dma source(%dma_start3A_66 : memref<64x64xi32, #tpu.memory_space<hbm>>) target(%arg12 : memref<64x64xi32, #tpu.memory_space<vmem>>) target_semaphore(%run_scoped3A : memref<!tpu.dma_semaphore, #tpu.memory_space<semaphore_mem>>)
        %dma_wait3A = arith.constant 256 : i32
        %dma_wait3A_67 = arith.constant 0 : i32
        %dma_wait3A_68 = tpu.memref_slice %arg5[%arg1, %dma_wait3A, %dma_wait3A_67] : memref<16x320x64xi32, #tpu.memory_space<hbm>> -> memref<1x64x64xi32, #tpu.memory_space<hbm>>
        %dma_wait3A_69 = tpu.memref_squeeze %dma_wait3A_68 : memref<1x64x64xi32, #tpu.memory_space<hbm>> -> memref<64x64xi32, #tpu.memory_space<hbm>>
        %dma_wait3A_70 = arith.constant 256 : i32
        %dma_wait3A_71 = arith.constant 0 : i32
        %dma_wait3A_72 = tpu.memref_slice %arg5[%arg1, %dma_wait3A_70, %dma_wait3A_71] : memref<16x320x64xi32, #tpu.memory_space<hbm>> -> memref<1x64x64xi32, #tpu.memory_space<hbm>>
        %dma_wait3A_73 = tpu.memref_squeeze %dma_wait3A_72 : memref<1x64x64xi32, #tpu.memory_space<hbm>> -> memref<64x64xi32, #tpu.memory_space<hbm>>
        tpu.wait_dma2 semaphore(%run_scoped3A : memref<!tpu.dma_semaphore, #tpu.memory_space<semaphore_mem>>) src(%dma_wait3A_73 : memref<64x64xi32, #tpu.memory_space<hbm>>) dst(%arg12 : memref<64x64xi32, #tpu.memory_space<vmem>>)
        tpu.yield
      }) : () -> ()
      %scan3A_45 = arith.constant 0 : i32
      %scan3A_46 = arith.constant 0 : i32
      %scan3A_47 = arith.constant 68 : i32
      %scan3A_48 = arith.addi %scan3A_46, %scan3A_47 : i32
      %scan3A_49 = arith.constant 1 : i32
      scf.for %scan3A_60 = %scan3A_46 to %scan3A_48 step %scan3A_49  : i32 {
        %rem3A = arith.constant 4 : i32
        %rem3A_61 = arith.remsi %scan3A_60, %rem3A : i32
        %ge3A = arith.constant 4 : i32
        %ge3A_62 = arith.cmpi sge, %scan3A_60, %ge3A : i32
        %sub3A = arith.constant 4 : i32
        %sub3A_63 = arith.subi %scan3A_60, %sub3A : i32
        %lt3A = arith.constant 64 : i32
        %lt3A_64 = arith.cmpi slt, %sub3A_63, %lt3A : i32
        %and3A = arith.andi %ge3A_62, %lt3A_64 : i1
        %convert_element_type3A_65 = arith.extui %and3A : i1 to i32
        %cond3A_66 = arith.constant 0 : i32
        %cond3A_67 = arith.cmpi ne, %convert_element_type3A_65, %cond3A_66 : i32
        scf.if %cond3A_67 {
          %dma_wait3A = arith.constant 0 : i32
          %dma_wait3A_83 = arith.constant 0 : i32
          %dma_wait3A_84 = arith.constant 0 : i32
          %dma_wait3A_85 = tpu.memref_slice %arg13[%dma_wait3A_83, %dma_wait3A_84] : memref<256x128xf32, #tpu.memory_space<vmem>> -> memref<64x128xf32, #tpu.memory_space<vmem>>
          %dma_wait3A_86 = arith.constant 0 : i32
          %dma_wait3A_87 = tpu.memref_slice %arg12[%dma_wait3A, %dma_wait3A_86] : memref<64x64xi32, #tpu.memory_space<vmem>> -> memref<1x64xi32, #tpu.memory_space<vmem>>
          %dma_wait3A_88 = tpu.memref_squeeze %dma_wait3A_87 : memref<1x64xi32, #tpu.memory_space<vmem>> -> memref<64xi32, #tpu.memory_space<vmem>>
          %dma_wait3A_89 = arith.constant 0 : i32
          %dma_wait3A_90 = arith.constant 0 : i32
          %dma_wait3A_91 = tpu.memref_slice %arg10[%dma_wait3A_89, %dma_wait3A_90] : memref<10016x128xf32, #tpu.memory_space<vmem_shared>> -> memref<10016x128xf32, #tpu.memory_space<vmem_shared>>
          tpu.wait_indirect_dma semaphore(%arg15 : memref<!tpu.dma_semaphore, #tpu.memory_space<semaphore_mem>>) src(%dma_wait3A_85 : memref<64x128xf32, #tpu.memory_space<vmem>>) dst(%dma_wait3A_91 : memref<10016x128xf32, #tpu.memory_space<vmem_shared>>)
        } else {
        }
        %lt3A_68 = arith.constant 64 : i32
        %lt3A_69 = arith.cmpi slt, %scan3A_60, %lt3A_68 : i32
        %convert_element_type3A_70 = arith.extui %lt3A_69 : i1 to i32
        %cond3A_71 = arith.constant 0 : i32
        %cond3A_72 = arith.cmpi ne, %convert_element_type3A_70, %cond3A_71 : i32
        scf.if %cond3A_72 {
          %mul3A_83 = arith.constant 64 : i32
          %mul3A_84 = arith.muli %rem3A_61, %mul3A_83 : i32
          %dma_start3A = arith.constant 0 : i32
          %dma_start3A_85 = tpu.memref_slice %arg13[%mul3A_84, %dma_start3A] : memref<256x128xf32, #tpu.memory_space<vmem>> -> memref<64x128xf32, #tpu.memory_space<vmem>>
          %dma_start3A_86 = arith.constant 0 : i32
          %dma_start3A_87 = tpu.memref_slice %arg11[%scan3A_60, %dma_start3A_86] : memref<64x64xi32, #tpu.memory_space<vmem>> -> memref<1x64xi32, #tpu.memory_space<vmem>>
          %dma_start3A_88 = tpu.memref_squeeze %dma_start3A_87 : memref<1x64xi32, #tpu.memory_space<vmem>> -> memref<64xi32, #tpu.memory_space<vmem>>
          %dma_start3A_89 = arith.constant 0 : i32
          %dma_start3A_90 = arith.constant 0 : i32
          %dma_start3A_91 = tpu.memref_slice %arg2[%dma_start3A_89, %dma_start3A_90] : memref<10000x128xf32, #tpu.memory_space<hbm>> -> memref<10000x128xf32, #tpu.memory_space<hbm>>
          tpu.enqueue_indirect_dma source(%dma_start3A_91 : memref<10000x128xf32, #tpu.memory_space<hbm>>) target(%dma_start3A_85 : memref<64x128xf32, #tpu.memory_space<vmem>>) offsets(%dma_start3A_88 : memref<64xi32, #tpu.memory_space<vmem>>) semaphore(%arg14 : memref<!tpu.dma_semaphore, #tpu.memory_space<semaphore_mem>>)
        } else {
        }
        %ge3A_73 = arith.constant 3 : i32
        %ge3A_74 = arith.cmpi sge, %scan3A_60, %ge3A_73 : i32
        %sub3A_75 = arith.constant 3 : i32
        %sub3A_76 = arith.subi %scan3A_60, %sub3A_75 : i32
        %lt3A_77 = arith.constant 64 : i32
        %lt3A_78 = arith.cmpi slt, %sub3A_76, %lt3A_77 : i32
        %and3A_79 = arith.andi %ge3A_74, %lt3A_78 : i1
        %convert_element_type3A_80 = arith.extui %and3A_79 : i1 to i32
        %cond3A_81 = arith.constant 0 : i32
        %cond3A_82 = arith.cmpi ne, %convert_element_type3A_80, %cond3A_81 : i32
        scf.if %cond3A_82 {
          %sub3A_83 = arith.constant 3 : i32
          %sub3A_84 = arith.subi %scan3A_60, %sub3A_83 : i32
          %rem3A_85 = arith.constant 4 : i32
          %rem3A_86 = arith.remsi %sub3A_84, %rem3A_85 : i32
          %dma_wait3A = arith.constant 0 : i32
          %dma_wait3A_87 = arith.constant 0 : i32
          %dma_wait3A_88 = arith.constant 0 : i32
          %dma_wait3A_89 = tpu.memref_slice %arg13[%dma_wait3A_87, %dma_wait3A_88] : memref<256x128xf32, #tpu.memory_space<vmem>> -> memref<64x128xf32, #tpu.memory_space<vmem>>
          %dma_wait3A_90 = arith.constant 0 : i32
          %dma_wait3A_91 = tpu.memref_slice %arg11[%dma_wait3A, %dma_wait3A_90] : memref<64x64xi32, #tpu.memory_space<vmem>> -> memref<1x64xi32, #tpu.memory_space<vmem>>
          %dma_wait3A_92 = tpu.memref_squeeze %dma_wait3A_91 : memref<1x64xi32, #tpu.memory_space<vmem>> -> memref<64xi32, #tpu.memory_space<vmem>>
          %dma_wait3A_93 = arith.constant 0 : i32
          %dma_wait3A_94 = arith.constant 0 : i32
          %dma_wait3A_95 = tpu.memref_slice %arg2[%dma_wait3A_93, %dma_wait3A_94] : memref<10000x128xf32, #tpu.memory_space<hbm>> -> memref<10000x128xf32, #tpu.memory_space<hbm>>
          tpu.wait_indirect_dma semaphore(%arg14 : memref<!tpu.dma_semaphore, #tpu.memory_space<semaphore_mem>>) src(%dma_wait3A_95 : memref<10000x128xf32, #tpu.memory_space<hbm>>) dst(%dma_wait3A_89 : memref<64x128xf32, #tpu.memory_space<vmem>>)
          %mul3A_96 = arith.constant 64 : i32
          %mul3A_97 = arith.muli %rem3A_86, %mul3A_96 : i32
          %dma_start3A = arith.constant 0 : i32
          %dma_start3A_98 = tpu.memref_slice %arg13[%mul3A_97, %dma_start3A] : memref<256x128xf32, #tpu.memory_space<vmem>> -> memref<64x128xf32, #tpu.memory_space<vmem>>
          %dma_start3A_99 = arith.constant 0 : i32
          %dma_start3A_100 = tpu.memref_slice %arg12[%sub3A_84, %dma_start3A_99] : memref<64x64xi32, #tpu.memory_space<vmem>> -> memref<1x64xi32, #tpu.memory_space<vmem>>
          %dma_start3A_101 = tpu.memref_squeeze %dma_start3A_100 : memref<1x64xi32, #tpu.memory_space<vmem>> -> memref<64xi32, #tpu.memory_space<vmem>>
          %dma_start3A_102 = arith.constant 0 : i32
          %dma_start3A_103 = arith.constant 0 : i32
          %dma_start3A_104 = tpu.memref_slice %arg10[%dma_start3A_102, %dma_start3A_103] : memref<10016x128xf32, #tpu.memory_space<vmem_shared>> -> memref<10016x128xf32, #tpu.memory_space<vmem_shared>>
          tpu.enqueue_indirect_dma source(%dma_start3A_98 : memref<64x128xf32, #tpu.memory_space<vmem>>) target(%dma_start3A_104 : memref<10016x128xf32, #tpu.memory_space<vmem_shared>>) offsets(%dma_start3A_101 : memref<64xi32, #tpu.memory_space<vmem>>) semaphore(%arg15 : memref<!tpu.dma_semaphore, #tpu.memory_space<semaphore_mem>>) {add = true}
        } else {
        }
      }
      %scan3A_50 = arith.constant 68 : i32
      %barrier3A_51 = arith.constant 0 : index
      tpu.barrier barrier_id(%barrier3A_51)
      %mul3A_52 = arith.constant 624 : i32
      %mul3A_53 = arith.muli %arg1, %mul3A_52 : i32
      %multiple_of3A_54 = tpu.assume_multiple %mul3A_53, 8 : i32
      "tpu.region"() ({
        %run_scoped3A = tpu.sem_alloc : memref<!tpu.dma_semaphore, #tpu.memory_space<semaphore_mem>>
        %dma_start3A = arith.constant 0 : i32
        %dma_start3A_60 = tpu.memref_slice %arg8[%multiple_of3A_54, %dma_start3A] : memref<10000x128xf32, #tpu.memory_space<hbm>> -> memref<624x128xf32, #tpu.memory_space<hbm>>
        %dma_start3A_61 = arith.constant 0 : i32
        %dma_start3A_62 = tpu.memref_slice %arg10[%multiple_of3A_54, %dma_start3A_61] : memref<10016x128xf32, #tpu.memory_space<vmem_shared>> -> memref<624x128xf32, #tpu.memory_space<vmem_shared>>
        tpu.enqueue_dma source(%dma_start3A_62 : memref<624x128xf32, #tpu.memory_space<vmem_shared>>) target(%dma_start3A_60 : memref<624x128xf32, #tpu.memory_space<hbm>>) target_semaphore(%run_scoped3A : memref<!tpu.dma_semaphore, #tpu.memory_space<semaphore_mem>>)
        %dma_wait3A = arith.constant 0 : i32
        %dma_wait3A_63 = tpu.memref_slice %arg8[%multiple_of3A_54, %dma_wait3A] : memref<10000x128xf32, #tpu.memory_space<hbm>> -> memref<624x128xf32, #tpu.memory_space<hbm>>
        %dma_wait3A_64 = arith.constant 0 : i32
        %dma_wait3A_65 = tpu.memref_slice %arg10[%multiple_of3A_54, %dma_wait3A_64] : memref<10016x128xf32, #tpu.memory_space<vmem_shared>> -> memref<624x128xf32, #tpu.memory_space<vmem_shared>>
        tpu.wait_dma2 semaphore(%run_scoped3A : memref<!tpu.dma_semaphore, #tpu.memory_space<semaphore_mem>>) src(%dma_wait3A_65 : memref<624x128xf32, #tpu.memory_space<vmem_shared>>) dst(%dma_wait3A_63 : memref<624x128xf32, #tpu.memory_space<hbm>>)
        tpu.yield
      }) : () -> ()
      %eq3A_55 = arith.constant 15 : i32
      %eq3A_56 = arith.cmpi eq, %arg1, %eq3A_55 : i32
      %convert_element_type3A_57 = arith.extui %eq3A_56 : i1 to i32
      %cond3A_58 = arith.constant 0 : i32
      %cond3A_59 = arith.cmpi ne, %convert_element_type3A_57, %cond3A_58 : i32
      scf.if %cond3A_59 {
        "tpu.region"() ({
          %run_scoped3A = tpu.sem_alloc : memref<!tpu.dma_semaphore, #tpu.memory_space<semaphore_mem>>
          %dma_start3A = arith.constant 9984 : i32
          %dma_start3A_60 = arith.constant 0 : i32
          %dma_start3A_61 = tpu.memref_slice %arg8[%dma_start3A, %dma_start3A_60] : memref<10000x128xf32, #tpu.memory_space<hbm>> -> memref<16x128xf32, #tpu.memory_space<hbm>>
          %dma_start3A_62 = arith.constant 9984 : i32
          %dma_start3A_63 = arith.constant 0 : i32
          %dma_start3A_64 = tpu.memref_slice %arg10[%dma_start3A_62, %dma_start3A_63] : memref<10016x128xf32, #tpu.memory_space<vmem_shared>> -> memref<16x128xf32, #tpu.memory_space<vmem_shared>>
          tpu.enqueue_dma source(%dma_start3A_64 : memref<16x128xf32, #tpu.memory_space<vmem_shared>>) target(%dma_start3A_61 : memref<16x128xf32, #tpu.memory_space<hbm>>) target_semaphore(%run_scoped3A : memref<!tpu.dma_semaphore, #tpu.memory_space<semaphore_mem>>)
          %dma_wait3A = arith.constant 9984 : i32
          %dma_wait3A_65 = arith.constant 0 : i32
          %dma_wait3A_66 = tpu.memref_slice %arg8[%dma_wait3A, %dma_wait3A_65] : memref<10000x128xf32, #tpu.memory_space<hbm>> -> memref<16x128xf32, #tpu.memory_space<hbm>>
          %dma_wait3A_67 = arith.constant 9984 : i32
          %dma_wait3A_68 = arith.constant 0 : i32
          %dma_wait3A_69 = tpu.memref_slice %arg10[%dma_wait3A_67, %dma_wait3A_68] : memref<10016x128xf32, #tpu.memory_space<vmem_shared>> -> memref<16x128xf32, #tpu.memory_space<vmem_shared>>
          tpu.wait_dma2 semaphore(%run_scoped3A : memref<!tpu.dma_semaphore, #tpu.memory_space<semaphore_mem>>) src(%dma_wait3A_69 : memref<16x128xf32, #tpu.memory_space<vmem_shared>>) dst(%dma_wait3A_66 : memref<16x128xf32, #tpu.memory_space<hbm>>)
          tpu.yield
        }) : () -> ()
      } else {
      }
    } else {
    }
    %eq3A_2 = arith.constant 1 : i32
    %eq3A_3 = arith.cmpi eq, %arg0, %eq3A_2 : i32
    %convert_element_type3A_4 = arith.extui %eq3A_3 : i1 to i32
    %cond3A_5 = arith.constant 0 : i32
    %cond3A_6 = arith.cmpi ne, %convert_element_type3A_4, %cond3A_5 : i32
    scf.if %cond3A_6 {
      %broadcast_in_dim3A = arith.constant 0.000000e+00 : f32
      %broadcast_in_dim3A_7 = vector.broadcast %broadcast_in_dim3A : f32 to vector<16xf32>
      %scan3A = arith.constant 0 : i32
      %scan3A_8 = arith.constant 0 : i32
      %scan3A_9 = arith.constant 64 : i32
      %scan3A_10 = arith.addi %scan3A_8, %scan3A_9 : i32
      %scan3A_11 = arith.constant 1 : i32
      scf.for %scan3A_60 = %scan3A_8 to %scan3A_10 step %scan3A_11  : i32 {
        %swap3A = arith.constant 0 : i32
        %swap3A_61 = arith.constant 0 : i32
        %swap3A_62 = tpu.memref_slice %arg13[%swap3A, %swap3A_61] : memref<256x128xf32, #tpu.memory_space<vmem>> -> memref<64x128xf32, #tpu.memory_space<vmem>>
        %swap3A_63 = arith.index_cast %scan3A_60 : i32 to index
        %swap3A_64 = arith.constant 0 : index
        %swap3A_65 = tpu.vector_load %swap3A_62[%swap3A_63, %swap3A_64] {strides = array<i32>} : memref<64x128xf32, #tpu.memory_space<vmem>>, vector<1x16xf32>,
        %swap3A_66 = vector.shape_cast %swap3A_65 : vector<1x16xf32> to vector<16xf32>
        %swap3A_67 = vector.shape_cast %broadcast_in_dim3A_7 : vector<16xf32> to vector<1x16xf32>
        tpu.vector_store %swap3A_62[%swap3A_63, %swap3A_64], %swap3A_67 {strides = array<i32>} : memref<64x128xf32, #tpu.memory_space<vmem>>, vector<1x16xf32>,
        %swap3A_68 = arith.constant 0 : i32
        %swap3A_69 = arith.constant 0 : i32
        %swap3A_70 = tpu.memref_slice %arg13[%swap3A_68, %swap3A_69] : memref<256x128xf32, #tpu.memory_space<vmem>> -> memref<64x128xf32, #tpu.memory_space<vmem>>
        %swap3A_71 = arith.index_cast %scan3A_60 : i32 to index
        %swap3A_72 = arith.constant 16 : index
        %swap3A_73 = tpu.vector_load %swap3A_70[%swap3A_71, %swap3A_72] {strides = array<i32>} : memref<64x128xf32, #tpu.memory_space<vmem>>, vector<1x16xf32>,
        %swap3A_74 = vector.shape_cast %swap3A_73 : vector<1x16xf32> to vector<16xf32>
        %swap3A_75 = vector.shape_cast %broadcast_in_dim3A_7 : vector<16xf32> to vector<1x16xf32>
        tpu.vector_store %swap3A_70[%swap3A_71, %swap3A_72], %swap3A_75 {strides = array<i32>} : memref<64x128xf32, #tpu.memory_space<vmem>>, vector<1x16xf32>,
        %swap3A_76 = arith.constant 0 : i32
        %swap3A_77 = arith.constant 0 : i32
        %swap3A_78 = tpu.memref_slice %arg13[%swap3A_76, %swap3A_77] : memref<256x128xf32, #tpu.memory_space<vmem>> -> memref<64x128xf32, #tpu.memory_space<vmem>>
        %swap3A_79 = arith.index_cast %scan3A_60 : i32 to index
        %swap3A_80 = arith.constant 32 : index
        %swap3A_81 = tpu.vector_load %swap3A_78[%swap3A_79, %swap3A_80] {strides = array<i32>} : memref<64x128xf32, #tpu.memory_space<vmem>>, vector<1x16xf32>,
        %swap3A_82 = vector.shape_cast %swap3A_81 : vector<1x16xf32> to vector<16xf32>
        %swap3A_83 = vector.shape_cast %broadcast_in_dim3A_7 : vector<16xf32> to vector<1x16xf32>
        tpu.vector_store %swap3A_78[%swap3A_79, %swap3A_80], %swap3A_83 {strides = array<i32>} : memref<64x128xf32, #tpu.memory_space<vmem>>, vector<1x16xf32>,
        %swap3A_84 = arith.constant 0 : i32
        %swap3A_85 = arith.constant 0 : i32
        %swap3A_86 = tpu.memref_slice %arg13[%swap3A_84, %swap3A_85] : memref<256x128xf32, #tpu.memory_space<vmem>> -> memref<64x128xf32, #tpu.memory_space<vmem>>
        %swap3A_87 = arith.index_cast %scan3A_60 : i32 to index
        %swap3A_88 = arith.constant 48 : index
        %swap3A_89 = tpu.vector_load %swap3A_86[%swap3A_87, %swap3A_88] {strides = array<i32>} : memref<64x128xf32, #tpu.memory_space<vmem>>, vector<1x16xf32>,
        %swap3A_90 = vector.shape_cast %swap3A_89 : vector<1x16xf32> to vector<16xf32>
        %swap3A_91 = vector.shape_cast %broadcast_in_dim3A_7 : vector<16xf32> to vector<1x16xf32>
        tpu.vector_store %swap3A_86[%swap3A_87, %swap3A_88], %swap3A_91 {strides = array<i32>} : memref<64x128xf32, #tpu.memory_space<vmem>>, vector<1x16xf32>,
        %swap3A_92 = arith.constant 0 : i32
        %swap3A_93 = arith.constant 0 : i32
        %swap3A_94 = tpu.memref_slice %arg13[%swap3A_92, %swap3A_93] : memref<256x128xf32, #tpu.memory_space<vmem>> -> memref<64x128xf32, #tpu.memory_space<vmem>>
        %swap3A_95 = arith.index_cast %scan3A_60 : i32 to index
        %swap3A_96 = arith.constant 64 : index
        %swap3A_97 = tpu.vector_load %swap3A_94[%swap3A_95, %swap3A_96] {strides = array<i32>} : memref<64x128xf32, #tpu.memory_space<vmem>>, vector<1x16xf32>,
        %swap3A_98 = vector.shape_cast %swap3A_97 : vector<1x16xf32> to vector<16xf32>
        %swap3A_99 = vector.shape_cast %broadcast_in_dim3A_7 : vector<16xf32> to vector<1x16xf32>
        tpu.vector_store %swap3A_94[%swap3A_95, %swap3A_96], %swap3A_99 {strides = array<i32>} : memref<64x128xf32, #tpu.memory_space<vmem>>, vector<1x16xf32>,
        %swap3A_100 = arith.constant 0 : i32
        %swap3A_101 = arith.constant 0 : i32
        %swap3A_102 = tpu.memref_slice %arg13[%swap3A_100, %swap3A_101] : memref<256x128xf32, #tpu.memory_space<vmem>> -> memref<64x128xf32, #tpu.memory_space<vmem>>
        %swap3A_103 = arith.index_cast %scan3A_60 : i32 to index
        %swap3A_104 = arith.constant 80 : index
        %swap3A_105 = tpu.vector_load %swap3A_102[%swap3A_103, %swap3A_104] {strides = array<i32>} : memref<64x128xf32, #tpu.memory_space<vmem>>, vector<1x16xf32>,
        %swap3A_106 = vector.shape_cast %swap3A_105 : vector<1x16xf32> to vector<16xf32>
        %swap3A_107 = vector.shape_cast %broadcast_in_dim3A_7 : vector<16xf32> to vector<1x16xf32>
        tpu.vector_store %swap3A_102[%swap3A_103, %swap3A_104], %swap3A_107 {strides = array<i32>} : memref<64x128xf32, #tpu.memory_space<vmem>>, vector<1x16xf32>,
        %swap3A_108 = arith.constant 0 : i32
        %swap3A_109 = arith.constant 0 : i32
        %swap3A_110 = tpu.memref_slice %arg13[%swap3A_108, %swap3A_109] : memref<256x128xf32, #tpu.memory_space<vmem>> -> memref<64x128xf32, #tpu.memory_space<vmem>>
        %swap3A_111 = arith.index_cast %scan3A_60 : i32 to index
        %swap3A_112 = arith.constant 96 : index
        %swap3A_113 = tpu.vector_load %swap3A_110[%swap3A_111, %swap3A_112] {strides = array<i32>} : memref<64x128xf32, #tpu.memory_space<vmem>>, vector<1x16xf32>,
        %swap3A_114 = vector.shape_cast %swap3A_113 : vector<1x16xf32> to vector<16xf32>
        %swap3A_115 = vector.shape_cast %broadcast_in_dim3A_7 : vector<16xf32> to vector<1x16xf32>
        tpu.vector_store %swap3A_110[%swap3A_111, %swap3A_112], %swap3A_115 {strides = array<i32>} : memref<64x128xf32, #tpu.memory_space<vmem>>, vector<1x16xf32>,
        %swap3A_116 = arith.constant 0 : i32
        %swap3A_117 = arith.constant 0 : i32
        %swap3A_118 = tpu.memref_slice %arg13[%swap3A_116, %swap3A_117] : memref<256x128xf32, #tpu.memory_space<vmem>> -> memref<64x128xf32, #tpu.memory_space<vmem>>
        %swap3A_119 = arith.index_cast %scan3A_60 : i32 to index
        %swap3A_120 = arith.constant 112 : index
        %swap3A_121 = tpu.vector_load %swap3A_118[%swap3A_119, %swap3A_120] {strides = array<i32>} : memref<64x128xf32, #tpu.memory_space<vmem>>, vector<1x16xf32>,
        %swap3A_122 = vector.shape_cast %swap3A_121 : vector<1x16xf32> to vector<16xf32>
        %swap3A_123 = vector.shape_cast %broadcast_in_dim3A_7 : vector<16xf32> to vector<1x16xf32>
        tpu.vector_store %swap3A_118[%swap3A_119, %swap3A_120], %swap3A_123 {strides = array<i32>} : memref<64x128xf32, #tpu.memory_space<vmem>>, vector<1x16xf32>,
      }
      %scan3A_12 = arith.constant 64 : i32
      %mul3A = arith.constant 626 : i32
      %mul3A_13 = arith.muli %arg1, %mul3A : i32
      %scan3A_14 = arith.constant 0 : i32
      %scan3A_15 = arith.constant 0 : i32
      %scan3A_16 = arith.constant 9 : i32
      %scan3A_17 = arith.addi %scan3A_15, %scan3A_16 : i32
      %scan3A_18 = arith.constant 1 : i32
      scf.for %scan3A_60 = %scan3A_15 to %scan3A_17 step %scan3A_18  : i32 {
        %mul3A_61 = arith.constant 64 : i32
        %mul3A_62 = arith.muli %scan3A_60, %mul3A_61 : i32
        %add3A_63 = arith.addi %mul3A_13, %mul3A_62 : i32
        %multiple_of3A_64 = tpu.assume_multiple %add3A_63, 8 : i32
        "tpu.region"() ({
          %run_scoped3A = tpu.sem_alloc : memref<!tpu.dma_semaphore, #tpu.memory_space<semaphore_mem>>
          %dma_start3A = arith.constant 0 : i32
          %dma_start3A_65 = arith.constant 0 : i32
          %dma_start3A_66 = tpu.memref_slice %arg13[%dma_start3A, %dma_start3A_65] : memref<256x128xf32, #tpu.memory_space<vmem>> -> memref<64x128xf32, #tpu.memory_space<vmem>>
          %dma_start3A_67 = arith.constant 0 : i32
          %dma_start3A_68 = tpu.memref_slice %arg10[%multiple_of3A_64, %dma_start3A_67] : memref<10016x128xf32, #tpu.memory_space<vmem_shared>> -> memref<64x128xf32, #tpu.memory_space<vmem_shared>>
          %dma_start3A_69 = arith.constant 0 : i32
          %dma_start3A_70 = tpu.memref_slice %arg10[%multiple_of3A_64, %dma_start3A_69] : memref<10016x128xf32, #tpu.memory_space<vmem_shared>> -> memref<64x128xf32, #tpu.memory_space<vmem_shared>>
          %dma_start3A_71 = arith.constant 0 : i32
          %dma_start3A_72 = arith.constant 0 : i32
          %dma_start3A_73 = tpu.memref_slice %arg13[%dma_start3A_71, %dma_start3A_72] : memref<256x128xf32, #tpu.memory_space<vmem>> -> memref<64x128xf32, #tpu.memory_space<vmem>>
          tpu.enqueue_dma source(%dma_start3A_73 : memref<64x128xf32, #tpu.memory_space<vmem>>) target(%dma_start3A_70 : memref<64x128xf32, #tpu.memory_space<vmem_shared>>) target_semaphore(%run_scoped3A : memref<!tpu.dma_semaphore, #tpu.memory_space<semaphore_mem>>)
          %dma_wait3A = arith.constant 0 : i32
          %dma_wait3A_74 = arith.constant 0 : i32
          %dma_wait3A_75 = tpu.memref_slice %arg13[%dma_wait3A, %dma_wait3A_74] : memref<256x128xf32, #tpu.memory_space<vmem>> -> memref<64x128xf32, #tpu.memory_space<vmem>>
          %dma_wait3A_76 = arith.constant 0 : i32
          %dma_wait3A_77 = tpu.memref_slice %arg10[%multiple_of3A_64, %dma_wait3A_76] : memref<10016x128xf32, #tpu.memory_space<vmem_shared>> -> memref<64x128xf32, #tpu.memory_space<vmem_shared>>
          %dma_wait3A_78 = arith.constant 0 : i32
          %dma_wait3A_79 = tpu.memref_slice %arg10[%multiple_of3A_64, %dma_wait3A_78] : memref<10016x128xf32, #tpu.memory_space<vmem_shared>> -> memref<64x128xf32, #tpu.memory_space<vmem_shared>>
          %dma_wait3A_80 = arith.constant 0 : i32
          %dma_wait3A_81 = arith.constant 0 : i32
          %dma_wait3A_82 = tpu.memref_slice %arg13[%dma_wait3A_80, %dma_wait3A_81] : memref<256x128xf32, #tpu.memory_space<vmem>> -> memref<64x128xf32, #tpu.memory_space<vmem>>
          tpu.wait_dma2 semaphore(%run_scoped3A : memref<!tpu.dma_semaphore, #tpu.memory_space<semaphore_mem>>) src(%dma_wait3A_82 : memref<64x128xf32, #tpu.memory_space<vmem>>) dst(%dma_wait3A_79 : memref<64x128xf32, #tpu.memory_space<vmem_shared>>)
          tpu.yield
        }) : () -> ()
      }
      %scan3A_19 = arith.constant 9 : i32
      %add3A = arith.constant 576 : i32
      %add3A_20 = arith.addi %mul3A_13, %add3A : i32
      %multiple_of3A = tpu.assume_multiple %add3A_20, 8 : i32
      "tpu.region"() ({
        %run_scoped3A = tpu.sem_alloc : memref<!tpu.dma_semaphore, #tpu.memory_space<semaphore_mem>>
        %dma_start3A = arith.constant 0 : i32
        %dma_start3A_60 = arith.constant 0 : i32
        %dma_start3A_61 = tpu.memref_slice %arg13[%dma_start3A, %dma_start3A_60] : memref<256x128xf32, #tpu.memory_space<vmem>> -> memref<64x128xf32, #tpu.memory_space<vmem>>
        %dma_start3A_62 = arith.constant 0 : i32
        %dma_start3A_63 = arith.constant 0 : i32
        %dma_start3A_64 = tpu.memref_slice %dma_start3A_61[%dma_start3A_62, %dma_start3A_63] : memref<64x128xf32, #tpu.memory_space<vmem>> -> memref<50x128xf32, #tpu.memory_space<vmem>>
        %dma_start3A_65 = arith.constant 0 : i32
        %dma_start3A_66 = tpu.memref_slice %arg10[%multiple_of3A, %dma_start3A_65] : memref<10016x128xf32, #tpu.memory_space<vmem_shared>> -> memref<50x128xf32, #tpu.memory_space<vmem_shared>>
        %dma_start3A_67 = arith.constant 0 : i32
        %dma_start3A_68 = tpu.memref_slice %arg10[%multiple_of3A, %dma_start3A_67] : memref<10016x128xf32, #tpu.memory_space<vmem_shared>> -> memref<50x128xf32, #tpu.memory_space<vmem_shared>>
        %dma_start3A_69 = arith.constant 0 : i32
        %dma_start3A_70 = arith.constant 0 : i32
        %dma_start3A_71 = tpu.memref_slice %arg13[%dma_start3A_69, %dma_start3A_70] : memref<256x128xf32, #tpu.memory_space<vmem>> -> memref<64x128xf32, #tpu.memory_space<vmem>>
        %dma_start3A_72 = arith.constant 0 : i32
        %dma_start3A_73 = arith.constant 0 : i32
        %dma_start3A_74 = tpu.memref_slice %dma_start3A_71[%dma_start3A_72, %dma_start3A_73] : memref<64x128xf32, #tpu.memory_space<vmem>> -> memref<50x128xf32, #tpu.memory_space<vmem>>
        tpu.enqueue_dma source(%dma_start3A_74 : memref<50x128xf32, #tpu.memory_space<vmem>>) target(%dma_start3A_68 : memref<50x128xf32, #tpu.memory_space<vmem_shared>>) target_semaphore(%run_scoped3A : memref<!tpu.dma_semaphore, #tpu.memory_space<semaphore_mem>>)
        %dma_wait3A = arith.constant 0 : i32
        %dma_wait3A_75 = arith.constant 0 : i32
        %dma_wait3A_76 = tpu.memref_slice %arg13[%dma_wait3A, %dma_wait3A_75] : memref<256x128xf32, #tpu.memory_space<vmem>> -> memref<64x128xf32, #tpu.memory_space<vmem>>
        %dma_wait3A_77 = arith.constant 0 : i32
        %dma_wait3A_78 = arith.constant 0 : i32
        %dma_wait3A_79 = tpu.memref_slice %dma_wait3A_76[%dma_wait3A_77, %dma_wait3A_78] : memref<64x128xf32, #tpu.memory_space<vmem>> -> memref<50x128xf32, #tpu.memory_space<vmem>>
        %dma_wait3A_80 = arith.constant 0 : i32
        %dma_wait3A_81 = tpu.memref_slice %arg10[%multiple_of3A, %dma_wait3A_80] : memref<10016x128xf32, #tpu.memory_space<vmem_shared>> -> memref<50x128xf32, #tpu.memory_space<vmem_shared>>
        %dma_wait3A_82 = arith.constant 0 : i32
        %dma_wait3A_83 = tpu.memref_slice %arg10[%multiple_of3A, %dma_wait3A_82] : memref<10016x128xf32, #tpu.memory_space<vmem_shared>> -> memref<50x128xf32, #tpu.memory_space<vmem_shared>>
        %dma_wait3A_84 = arith.constant 0 : i32
        %dma_wait3A_85 = arith.constant 0 : i32
        %dma_wait3A_86 = tpu.memref_slice %arg13[%dma_wait3A_84, %dma_wait3A_85] : memref<256x128xf32, #tpu.memory_space<vmem>> -> memref<64x128xf32, #tpu.memory_space<vmem>>
        %dma_wait3A_87 = arith.constant 0 : i32
        %dma_wait3A_88 = arith.constant 0 : i32
        %dma_wait3A_89 = tpu.memref_slice %dma_wait3A_86[%dma_wait3A_87, %dma_wait3A_88] : memref<64x128xf32, #tpu.memory_space<vmem>> -> memref<50x128xf32, #tpu.memory_space<vmem>>
        tpu.wait_dma2 semaphore(%run_scoped3A : memref<!tpu.dma_semaphore, #tpu.memory_space<semaphore_mem>>) src(%dma_wait3A_89 : memref<50x128xf32, #tpu.memory_space<vmem>>) dst(%dma_wait3A_83 : memref<50x128xf32, #tpu.memory_space<vmem_shared>>)
        tpu.yield
      }) : () -> ()
      %barrier3A = arith.constant 0 : index
      tpu.barrier barrier_id(%barrier3A)
      "tpu.region"() ({
        %run_scoped3A = tpu.sem_alloc : memref<!tpu.dma_semaphore, #tpu.memory_space<semaphore_mem>>
        %dma_start3A = arith.constant 0 : i32
        %dma_start3A_60 = arith.constant 0 : i32
        %dma_start3A_61 = tpu.memref_slice %arg6[%arg1, %dma_start3A, %dma_start3A_60] : memref<16x320x64xi32, #tpu.memory_space<hbm>> -> memref<1x64x64xi32, #tpu.memory_space<hbm>>
        %dma_start3A_62 = tpu.memref_squeeze %dma_start3A_61 : memref<1x64x64xi32, #tpu.memory_space<hbm>> -> memref<64x64xi32, #tpu.memory_space<hbm>>
        %dma_start3A_63 = arith.constant 0 : i32
        %dma_start3A_64 = arith.constant 0 : i32
        %dma_start3A_65 = tpu.memref_slice %arg6[%arg1, %dma_start3A_63, %dma_start3A_64] : memref<16x320x64xi32, #tpu.memory_space<hbm>> -> memref<1x64x64xi32, #tpu.memory_space<hbm>>
        %dma_start3A_66 = tpu.memref_squeeze %dma_start3A_65 : memref<1x64x64xi32, #tpu.memory_space<hbm>> -> memref<64x64xi32, #tpu.memory_space<hbm>>
        tpu.enqueue_dma source(%dma_start3A_66 : memref<64x64xi32, #tpu.memory_space<hbm>>) target(%arg11 : memref<64x64xi32, #tpu.memory_space<vmem>>) target_semaphore(%run_scoped3A : memref<!tpu.dma_semaphore, #tpu.memory_space<semaphore_mem>>)
        %dma_wait3A = arith.constant 0 : i32
        %dma_wait3A_67 = arith.constant 0 : i32
        %dma_wait3A_68 = tpu.memref_slice %arg6[%arg1, %dma_wait3A, %dma_wait3A_67] : memref<16x320x64xi32, #tpu.memory_space<hbm>> -> memref<1x64x64xi32, #tpu.memory_space<hbm>>
        %dma_wait3A_69 = tpu.memref_squeeze %dma_wait3A_68 : memref<1x64x64xi32, #tpu.memory_space<hbm>> -> memref<64x64xi32, #tpu.memory_space<hbm>>
        %dma_wait3A_70 = arith.constant 0 : i32
        %dma_wait3A_71 = arith.constant 0 : i32
        %dma_wait3A_72 = tpu.memref_slice %arg6[%arg1, %dma_wait3A_70, %dma_wait3A_71] : memref<16x320x64xi32, #tpu.memory_space<hbm>> -> memref<1x64x64xi32, #tpu.memory_space<hbm>>
        %dma_wait3A_73 = tpu.memref_squeeze %dma_wait3A_72 : memref<1x64x64xi32, #tpu.memory_space<hbm>> -> memref<64x64xi32, #tpu.memory_space<hbm>>
        tpu.wait_dma2 semaphore(%run_scoped3A : memref<!tpu.dma_semaphore, #tpu.memory_space<semaphore_mem>>) src(%dma_wait3A_73 : memref<64x64xi32, #tpu.memory_space<hbm>>) dst(%arg11 : memref<64x64xi32, #tpu.memory_space<vmem>>)
        tpu.yield
      }) : () -> ()
      "tpu.region"() ({
        %run_scoped3A = tpu.sem_alloc : memref<!tpu.dma_semaphore, #tpu.memory_space<semaphore_mem>>
        %dma_start3A = arith.constant 0 : i32
        %dma_start3A_60 = arith.constant 0 : i32
        %dma_start3A_61 = tpu.memref_slice %arg7[%arg1, %dma_start3A, %dma_start3A_60] : memref<16x320x64xi32, #tpu.memory_space<hbm>> -> memref<1x64x64xi32, #tpu.memory_space<hbm>>
        %dma_start3A_62 = tpu.memref_squeeze %dma_start3A_61 : memref<1x64x64xi32, #tpu.memory_space<hbm>> -> memref<64x64xi32, #tpu.memory_space<hbm>>
        %dma_start3A_63 = arith.constant 0 : i32
        %dma_start3A_64 = arith.constant 0 : i32
        %dma_start3A_65 = tpu.memref_slice %arg7[%arg1, %dma_start3A_63, %dma_start3A_64] : memref<16x320x64xi32, #tpu.memory_space<hbm>> -> memref<1x64x64xi32, #tpu.memory_space<hbm>>
        %dma_start3A_66 = tpu.memref_squeeze %dma_start3A_65 : memref<1x64x64xi32, #tpu.memory_space<hbm>> -> memref<64x64xi32, #tpu.memory_space<hbm>>
        tpu.enqueue_dma source(%dma_start3A_66 : memref<64x64xi32, #tpu.memory_space<hbm>>) target(%arg12 : memref<64x64xi32, #tpu.memory_space<vmem>>) target_semaphore(%run_scoped3A : memref<!tpu.dma_semaphore, #tpu.memory_space<semaphore_mem>>)
        %dma_wait3A = arith.constant 0 : i32
        %dma_wait3A_67 = arith.constant 0 : i32
        %dma_wait3A_68 = tpu.memref_slice %arg7[%arg1, %dma_wait3A, %dma_wait3A_67] : memref<16x320x64xi32, #tpu.memory_space<hbm>> -> memref<1x64x64xi32, #tpu.memory_space<hbm>>
        %dma_wait3A_69 = tpu.memref_squeeze %dma_wait3A_68 : memref<1x64x64xi32, #tpu.memory_space<hbm>> -> memref<64x64xi32, #tpu.memory_space<hbm>>
        %dma_wait3A_70 = arith.constant 0 : i32
        %dma_wait3A_71 = arith.constant 0 : i32
        %dma_wait3A_72 = tpu.memref_slice %arg7[%arg1, %dma_wait3A_70, %dma_wait3A_71] : memref<16x320x64xi32, #tpu.memory_space<hbm>> -> memref<1x64x64xi32, #tpu.memory_space<hbm>>
        %dma_wait3A_73 = tpu.memref_squeeze %dma_wait3A_72 : memref<1x64x64xi32, #tpu.memory_space<hbm>> -> memref<64x64xi32, #tpu.memory_space<hbm>>
        tpu.wait_dma2 semaphore(%run_scoped3A : memref<!tpu.dma_semaphore, #tpu.memory_space<semaphore_mem>>) src(%dma_wait3A_73 : memref<64x64xi32, #tpu.memory_space<hbm>>) dst(%arg12 : memref<64x64xi32, #tpu.memory_space<vmem>>)
        tpu.yield
      }) : () -> ()
      %scan3A_21 = arith.constant 0 : i32
      %scan3A_22 = arith.constant 0 : i32
      %scan3A_23 = arith.constant 68 : i32
      %scan3A_24 = arith.addi %scan3A_22, %scan3A_23 : i32
      %scan3A_25 = arith.constant 1 : i32
      scf.for %scan3A_60 = %scan3A_22 to %scan3A_24 step %scan3A_25  : i32 {
        %rem3A = arith.constant 4 : i32
        %rem3A_61 = arith.remsi %scan3A_60, %rem3A : i32
        %ge3A = arith.constant 4 : i32
        %ge3A_62 = arith.cmpi sge, %scan3A_60, %ge3A : i32
        %sub3A = arith.constant 4 : i32
        %sub3A_63 = arith.subi %scan3A_60, %sub3A : i32
        %lt3A = arith.constant 64 : i32
        %lt3A_64 = arith.cmpi slt, %sub3A_63, %lt3A : i32
        %and3A = arith.andi %ge3A_62, %lt3A_64 : i1
        %convert_element_type3A_65 = arith.extui %and3A : i1 to i32
        %cond3A_66 = arith.constant 0 : i32
        %cond3A_67 = arith.cmpi ne, %convert_element_type3A_65, %cond3A_66 : i32
        scf.if %cond3A_67 {
          %dma_wait3A = arith.constant 0 : i32
          %dma_wait3A_83 = arith.constant 0 : i32
          %dma_wait3A_84 = arith.constant 0 : i32
          %dma_wait3A_85 = tpu.memref_slice %arg13[%dma_wait3A_83, %dma_wait3A_84] : memref<256x128xf32, #tpu.memory_space<vmem>> -> memref<64x128xf32, #tpu.memory_space<vmem>>
          %dma_wait3A_86 = arith.constant 0 : i32
          %dma_wait3A_87 = tpu.memref_slice %arg12[%dma_wait3A, %dma_wait3A_86] : memref<64x64xi32, #tpu.memory_space<vmem>> -> memref<1x64xi32, #tpu.memory_space<vmem>>
          %dma_wait3A_88 = tpu.memref_squeeze %dma_wait3A_87 : memref<1x64xi32, #tpu.memory_space<vmem>> -> memref<64xi32, #tpu.memory_space<vmem>>
          %dma_wait3A_89 = arith.constant 0 : i32
          %dma_wait3A_90 = arith.constant 0 : i32
          %dma_wait3A_91 = tpu.memref_slice %arg10[%dma_wait3A_89, %dma_wait3A_90] : memref<10016x128xf32, #tpu.memory_space<vmem_shared>> -> memref<10016x128xf32, #tpu.memory_space<vmem_shared>>
          tpu.wait_indirect_dma semaphore(%arg15 : memref<!tpu.dma_semaphore, #tpu.memory_space<semaphore_mem>>) src(%dma_wait3A_85 : memref<64x128xf32, #tpu.memory_space<vmem>>) dst(%dma_wait3A_91 : memref<10016x128xf32, #tpu.memory_space<vmem_shared>>)
        } else {
        }
        %lt3A_68 = arith.constant 64 : i32
        %lt3A_69 = arith.cmpi slt, %scan3A_60, %lt3A_68 : i32
        %convert_element_type3A_70 = arith.extui %lt3A_69 : i1 to i32
        %cond3A_71 = arith.constant 0 : i32
        %cond3A_72 = arith.cmpi ne, %convert_element_type3A_70, %cond3A_71 : i32
        scf.if %cond3A_72 {
          %mul3A_83 = arith.constant 64 : i32
          %mul3A_84 = arith.muli %rem3A_61, %mul3A_83 : i32
          %dma_start3A = arith.constant 0 : i32
          %dma_start3A_85 = tpu.memref_slice %arg13[%mul3A_84, %dma_start3A] : memref<256x128xf32, #tpu.memory_space<vmem>> -> memref<64x128xf32, #tpu.memory_space<vmem>>
          %dma_start3A_86 = arith.constant 0 : i32
          %dma_start3A_87 = tpu.memref_slice %arg11[%scan3A_60, %dma_start3A_86] : memref<64x64xi32, #tpu.memory_space<vmem>> -> memref<1x64xi32, #tpu.memory_space<vmem>>
          %dma_start3A_88 = tpu.memref_squeeze %dma_start3A_87 : memref<1x64xi32, #tpu.memory_space<vmem>> -> memref<64xi32, #tpu.memory_space<vmem>>
          %dma_start3A_89 = arith.constant 0 : i32
          %dma_start3A_90 = arith.constant 0 : i32
          %dma_start3A_91 = tpu.memref_slice %arg3[%dma_start3A_89, %dma_start3A_90] : memref<10000x128xf32, #tpu.memory_space<hbm>> -> memref<10000x128xf32, #tpu.memory_space<hbm>>
          tpu.enqueue_indirect_dma source(%dma_start3A_91 : memref<10000x128xf32, #tpu.memory_space<hbm>>) target(%dma_start3A_85 : memref<64x128xf32, #tpu.memory_space<vmem>>) offsets(%dma_start3A_88 : memref<64xi32, #tpu.memory_space<vmem>>) semaphore(%arg14 : memref<!tpu.dma_semaphore, #tpu.memory_space<semaphore_mem>>)
        } else {
        }
        %ge3A_73 = arith.constant 3 : i32
        %ge3A_74 = arith.cmpi sge, %scan3A_60, %ge3A_73 : i32
        %sub3A_75 = arith.constant 3 : i32
        %sub3A_76 = arith.subi %scan3A_60, %sub3A_75 : i32
        %lt3A_77 = arith.constant 64 : i32
        %lt3A_78 = arith.cmpi slt, %sub3A_76, %lt3A_77 : i32
        %and3A_79 = arith.andi %ge3A_74, %lt3A_78 : i1
        %convert_element_type3A_80 = arith.extui %and3A_79 : i1 to i32
        %cond3A_81 = arith.constant 0 : i32
        %cond3A_82 = arith.cmpi ne, %convert_element_type3A_80, %cond3A_81 : i32
        scf.if %cond3A_82 {
          %sub3A_83 = arith.constant 3 : i32
          %sub3A_84 = arith.subi %scan3A_60, %sub3A_83 : i32
          %rem3A_85 = arith.constant 4 : i32
          %rem3A_86 = arith.remsi %sub3A_84, %rem3A_85 : i32
          %dma_wait3A = arith.constant 0 : i32
          %dma_wait3A_87 = arith.constant 0 : i32
          %dma_wait3A_88 = arith.constant 0 : i32
          %dma_wait3A_89 = tpu.memref_slice %arg13[%dma_wait3A_87, %dma_wait3A_88] : memref<256x128xf32, #tpu.memory_space<vmem>> -> memref<64x128xf32, #tpu.memory_space<vmem>>
          %dma_wait3A_90 = arith.constant 0 : i32
          %dma_wait3A_91 = tpu.memref_slice %arg11[%dma_wait3A, %dma_wait3A_90] : memref<64x64xi32, #tpu.memory_space<vmem>> -> memref<1x64xi32, #tpu.memory_space<vmem>>
          %dma_wait3A_92 = tpu.memref_squeeze %dma_wait3A_91 : memref<1x64xi32, #tpu.memory_space<vmem>> -> memref<64xi32, #tpu.memory_space<vmem>>
          %dma_wait3A_93 = arith.constant 0 : i32
          %dma_wait3A_94 = arith.constant 0 : i32
          %dma_wait3A_95 = tpu.memref_slice %arg3[%dma_wait3A_93, %dma_wait3A_94] : memref<10000x128xf32, #tpu.memory_space<hbm>> -> memref<10000x128xf32, #tpu.memory_space<hbm>>
          tpu.wait_indirect_dma semaphore(%arg14 : memref<!tpu.dma_semaphore, #tpu.memory_space<semaphore_mem>>) src(%dma_wait3A_95 : memref<10000x128xf32, #tpu.memory_space<hbm>>) dst(%dma_wait3A_89 : memref<64x128xf32, #tpu.memory_space<vmem>>)
          %mul3A_96 = arith.constant 64 : i32
          %mul3A_97 = arith.muli %rem3A_86, %mul3A_96 : i32
          %dma_start3A = arith.constant 0 : i32
          %dma_start3A_98 = tpu.memref_slice %arg13[%mul3A_97, %dma_start3A] : memref<256x128xf32, #tpu.memory_space<vmem>> -> memref<64x128xf32, #tpu.memory_space<vmem>>
          %dma_start3A_99 = arith.constant 0 : i32
          %dma_start3A_100 = tpu.memref_slice %arg12[%sub3A_84, %dma_start3A_99] : memref<64x64xi32, #tpu.memory_space<vmem>> -> memref<1x64xi32, #tpu.memory_space<vmem>>
          %dma_start3A_101 = tpu.memref_squeeze %dma_start3A_100 : memref<1x64xi32, #tpu.memory_space<vmem>> -> memref<64xi32, #tpu.memory_space<vmem>>
          %dma_start3A_102 = arith.constant 0 : i32
          %dma_start3A_103 = arith.constant 0 : i32
          %dma_start3A_104 = tpu.memref_slice %arg10[%dma_start3A_102, %dma_start3A_103] : memref<10016x128xf32, #tpu.memory_space<vmem_shared>> -> memref<10016x128xf32, #tpu.memory_space<vmem_shared>>
          tpu.enqueue_indirect_dma source(%dma_start3A_98 : memref<64x128xf32, #tpu.memory_space<vmem>>) target(%dma_start3A_104 : memref<10016x128xf32, #tpu.memory_space<vmem_shared>>) offsets(%dma_start3A_101 : memref<64xi32, #tpu.memory_space<vmem>>) semaphore(%arg15 : memref<!tpu.dma_semaphore, #tpu.memory_space<semaphore_mem>>) {add = true}
        } else {
        }
      }
      %scan3A_26 = arith.constant 68 : i32
      "tpu.region"() ({
        %run_scoped3A = tpu.sem_alloc : memref<!tpu.dma_semaphore, #tpu.memory_space<semaphore_mem>>
        %dma_start3A = arith.constant 64 : i32
        %dma_start3A_60 = arith.constant 0 : i32
        %dma_start3A_61 = tpu.memref_slice %arg6[%arg1, %dma_start3A, %dma_start3A_60] : memref<16x320x64xi32, #tpu.memory_space<hbm>> -> memref<1x64x64xi32, #tpu.memory_space<hbm>>
        %dma_start3A_62 = tpu.memref_squeeze %dma_start3A_61 : memref<1x64x64xi32, #tpu.memory_space<hbm>> -> memref<64x64xi32, #tpu.memory_space<hbm>>
        %dma_start3A_63 = arith.constant 64 : i32
        %dma_start3A_64 = arith.constant 0 : i32
        %dma_start3A_65 = tpu.memref_slice %arg6[%arg1, %dma_start3A_63, %dma_start3A_64] : memref<16x320x64xi32, #tpu.memory_space<hbm>> -> memref<1x64x64xi32, #tpu.memory_space<hbm>>
        %dma_start3A_66 = tpu.memref_squeeze %dma_start3A_65 : memref<1x64x64xi32, #tpu.memory_space<hbm>> -> memref<64x64xi32, #tpu.memory_space<hbm>>
        tpu.enqueue_dma source(%dma_start3A_66 : memref<64x64xi32, #tpu.memory_space<hbm>>) target(%arg11 : memref<64x64xi32, #tpu.memory_space<vmem>>) target_semaphore(%run_scoped3A : memref<!tpu.dma_semaphore, #tpu.memory_space<semaphore_mem>>)
        %dma_wait3A = arith.constant 64 : i32
        %dma_wait3A_67 = arith.constant 0 : i32
        %dma_wait3A_68 = tpu.memref_slice %arg6[%arg1, %dma_wait3A, %dma_wait3A_67] : memref<16x320x64xi32, #tpu.memory_space<hbm>> -> memref<1x64x64xi32, #tpu.memory_space<hbm>>
        %dma_wait3A_69 = tpu.memref_squeeze %dma_wait3A_68 : memref<1x64x64xi32, #tpu.memory_space<hbm>> -> memref<64x64xi32, #tpu.memory_space<hbm>>
        %dma_wait3A_70 = arith.constant 64 : i32
        %dma_wait3A_71 = arith.constant 0 : i32
        %dma_wait3A_72 = tpu.memref_slice %arg6[%arg1, %dma_wait3A_70, %dma_wait3A_71] : memref<16x320x64xi32, #tpu.memory_space<hbm>> -> memref<1x64x64xi32, #tpu.memory_space<hbm>>
        %dma_wait3A_73 = tpu.memref_squeeze %dma_wait3A_72 : memref<1x64x64xi32, #tpu.memory_space<hbm>> -> memref<64x64xi32, #tpu.memory_space<hbm>>
        tpu.wait_dma2 semaphore(%run_scoped3A : memref<!tpu.dma_semaphore, #tpu.memory_space<semaphore_mem>>) src(%dma_wait3A_73 : memref<64x64xi32, #tpu.memory_space<hbm>>) dst(%arg11 : memref<64x64xi32, #tpu.memory_space<vmem>>)
        tpu.yield
      }) : () -> ()
      "tpu.region"() ({
        %run_scoped3A = tpu.sem_alloc : memref<!tpu.dma_semaphore, #tpu.memory_space<semaphore_mem>>
        %dma_start3A = arith.constant 64 : i32
        %dma_start3A_60 = arith.constant 0 : i32
        %dma_start3A_61 = tpu.memref_slice %arg7[%arg1, %dma_start3A, %dma_start3A_60] : memref<16x320x64xi32, #tpu.memory_space<hbm>> -> memref<1x64x64xi32, #tpu.memory_space<hbm>>
        %dma_start3A_62 = tpu.memref_squeeze %dma_start3A_61 : memref<1x64x64xi32, #tpu.memory_space<hbm>> -> memref<64x64xi32, #tpu.memory_space<hbm>>
        %dma_start3A_63 = arith.constant 64 : i32
        %dma_start3A_64 = arith.constant 0 : i32
        %dma_start3A_65 = tpu.memref_slice %arg7[%arg1, %dma_start3A_63, %dma_start3A_64] : memref<16x320x64xi32, #tpu.memory_space<hbm>> -> memref<1x64x64xi32, #tpu.memory_space<hbm>>
        %dma_start3A_66 = tpu.memref_squeeze %dma_start3A_65 : memref<1x64x64xi32, #tpu.memory_space<hbm>> -> memref<64x64xi32, #tpu.memory_space<hbm>>
        tpu.enqueue_dma source(%dma_start3A_66 : memref<64x64xi32, #tpu.memory_space<hbm>>) target(%arg12 : memref<64x64xi32, #tpu.memory_space<vmem>>) target_semaphore(%run_scoped3A : memref<!tpu.dma_semaphore, #tpu.memory_space<semaphore_mem>>)
        %dma_wait3A = arith.constant 64 : i32
        %dma_wait3A_67 = arith.constant 0 : i32
        %dma_wait3A_68 = tpu.memref_slice %arg7[%arg1, %dma_wait3A, %dma_wait3A_67] : memref<16x320x64xi32, #tpu.memory_space<hbm>> -> memref<1x64x64xi32, #tpu.memory_space<hbm>>
        %dma_wait3A_69 = tpu.memref_squeeze %dma_wait3A_68 : memref<1x64x64xi32, #tpu.memory_space<hbm>> -> memref<64x64xi32, #tpu.memory_space<hbm>>
        %dma_wait3A_70 = arith.constant 64 : i32
        %dma_wait3A_71 = arith.constant 0 : i32
        %dma_wait3A_72 = tpu.memref_slice %arg7[%arg1, %dma_wait3A_70, %dma_wait3A_71] : memref<16x320x64xi32, #tpu.memory_space<hbm>> -> memref<1x64x64xi32, #tpu.memory_space<hbm>>
        %dma_wait3A_73 = tpu.memref_squeeze %dma_wait3A_72 : memref<1x64x64xi32, #tpu.memory_space<hbm>> -> memref<64x64xi32, #tpu.memory_space<hbm>>
        tpu.wait_dma2 semaphore(%run_scoped3A : memref<!tpu.dma_semaphore, #tpu.memory_space<semaphore_mem>>) src(%dma_wait3A_73 : memref<64x64xi32, #tpu.memory_space<hbm>>) dst(%arg12 : memref<64x64xi32, #tpu.memory_space<vmem>>)
        tpu.yield
      }) : () -> ()
      %scan3A_27 = arith.constant 0 : i32
      %scan3A_28 = arith.constant 0 : i32
      %scan3A_29 = arith.constant 68 : i32
      %scan3A_30 = arith.addi %scan3A_28, %scan3A_29 : i32
      %scan3A_31 = arith.constant 1 : i32
      scf.for %scan3A_60 = %scan3A_28 to %scan3A_30 step %scan3A_31  : i32 {
        %rem3A = arith.constant 4 : i32
        %rem3A_61 = arith.remsi %scan3A_60, %rem3A : i32
        %ge3A = arith.constant 4 : i32
        %ge3A_62 = arith.cmpi sge, %scan3A_60, %ge3A : i32
        %sub3A = arith.constant 4 : i32
        %sub3A_63 = arith.subi %scan3A_60, %sub3A : i32
        %lt3A = arith.constant 64 : i32
        %lt3A_64 = arith.cmpi slt, %sub3A_63, %lt3A : i32
        %and3A = arith.andi %ge3A_62, %lt3A_64 : i1
        %convert_element_type3A_65 = arith.extui %and3A : i1 to i32
        %cond3A_66 = arith.constant 0 : i32
        %cond3A_67 = arith.cmpi ne, %convert_element_type3A_65, %cond3A_66 : i32
        scf.if %cond3A_67 {
          %dma_wait3A = arith.constant 0 : i32
          %dma_wait3A_83 = arith.constant 0 : i32
          %dma_wait3A_84 = arith.constant 0 : i32
          %dma_wait3A_85 = tpu.memref_slice %arg13[%dma_wait3A_83, %dma_wait3A_84] : memref<256x128xf32, #tpu.memory_space<vmem>> -> memref<64x128xf32, #tpu.memory_space<vmem>>
          %dma_wait3A_86 = arith.constant 0 : i32
          %dma_wait3A_87 = tpu.memref_slice %arg12[%dma_wait3A, %dma_wait3A_86] : memref<64x64xi32, #tpu.memory_space<vmem>> -> memref<1x64xi32, #tpu.memory_space<vmem>>
          %dma_wait3A_88 = tpu.memref_squeeze %dma_wait3A_87 : memref<1x64xi32, #tpu.memory_space<vmem>> -> memref<64xi32, #tpu.memory_space<vmem>>
          %dma_wait3A_89 = arith.constant 0 : i32
          %dma_wait3A_90 = arith.constant 0 : i32
          %dma_wait3A_91 = tpu.memref_slice %arg10[%dma_wait3A_89, %dma_wait3A_90] : memref<10016x128xf32, #tpu.memory_space<vmem_shared>> -> memref<10016x128xf32, #tpu.memory_space<vmem_shared>>
          tpu.wait_indirect_dma semaphore(%arg15 : memref<!tpu.dma_semaphore, #tpu.memory_space<semaphore_mem>>) src(%dma_wait3A_85 : memref<64x128xf32, #tpu.memory_space<vmem>>) dst(%dma_wait3A_91 : memref<10016x128xf32, #tpu.memory_space<vmem_shared>>)
        } else {
        }
        %lt3A_68 = arith.constant 64 : i32
        %lt3A_69 = arith.cmpi slt, %scan3A_60, %lt3A_68 : i32
        %convert_element_type3A_70 = arith.extui %lt3A_69 : i1 to i32
        %cond3A_71 = arith.constant 0 : i32
        %cond3A_72 = arith.cmpi ne, %convert_element_type3A_70, %cond3A_71 : i32
        scf.if %cond3A_72 {
          %mul3A_83 = arith.constant 64 : i32
          %mul3A_84 = arith.muli %rem3A_61, %mul3A_83 : i32
          %dma_start3A = arith.constant 0 : i32
          %dma_start3A_85 = tpu.memref_slice %arg13[%mul3A_84, %dma_start3A] : memref<256x128xf32, #tpu.memory_space<vmem>> -> memref<64x128xf32, #tpu.memory_space<vmem>>
          %dma_start3A_86 = arith.constant 0 : i32
          %dma_start3A_87 = tpu.memref_slice %arg11[%scan3A_60, %dma_start3A_86] : memref<64x64xi32, #tpu.memory_space<vmem>> -> memref<1x64xi32, #tpu.memory_space<vmem>>
          %dma_start3A_88 = tpu.memref_squeeze %dma_start3A_87 : memref<1x64xi32, #tpu.memory_space<vmem>> -> memref<64xi32, #tpu.memory_space<vmem>>
          %dma_start3A_89 = arith.constant 0 : i32
          %dma_start3A_90 = arith.constant 0 : i32
          %dma_start3A_91 = tpu.memref_slice %arg3[%dma_start3A_89, %dma_start3A_90] : memref<10000x128xf32, #tpu.memory_space<hbm>> -> memref<10000x128xf32, #tpu.memory_space<hbm>>
          tpu.enqueue_indirect_dma source(%dma_start3A_91 : memref<10000x128xf32, #tpu.memory_space<hbm>>) target(%dma_start3A_85 : memref<64x128xf32, #tpu.memory_space<vmem>>) offsets(%dma_start3A_88 : memref<64xi32, #tpu.memory_space<vmem>>) semaphore(%arg14 : memref<!tpu.dma_semaphore, #tpu.memory_space<semaphore_mem>>)
        } else {
        }
        %ge3A_73 = arith.constant 3 : i32
        %ge3A_74 = arith.cmpi sge, %scan3A_60, %ge3A_73 : i32
        %sub3A_75 = arith.constant 3 : i32
        %sub3A_76 = arith.subi %scan3A_60, %sub3A_75 : i32
        %lt3A_77 = arith.constant 64 : i32
        %lt3A_78 = arith.cmpi slt, %sub3A_76, %lt3A_77 : i32
        %and3A_79 = arith.andi %ge3A_74, %lt3A_78 : i1
        %convert_element_type3A_80 = arith.extui %and3A_79 : i1 to i32
        %cond3A_81 = arith.constant 0 : i32
        %cond3A_82 = arith.cmpi ne, %convert_element_type3A_80, %cond3A_81 : i32
        scf.if %cond3A_82 {
          %sub3A_83 = arith.constant 3 : i32
          %sub3A_84 = arith.subi %scan3A_60, %sub3A_83 : i32
          %rem3A_85 = arith.constant 4 : i32
          %rem3A_86 = arith.remsi %sub3A_84, %rem3A_85 : i32
          %dma_wait3A = arith.constant 0 : i32
          %dma_wait3A_87 = arith.constant 0 : i32
          %dma_wait3A_88 = arith.constant 0 : i32
          %dma_wait3A_89 = tpu.memref_slice %arg13[%dma_wait3A_87, %dma_wait3A_88] : memref<256x128xf32, #tpu.memory_space<vmem>> -> memref<64x128xf32, #tpu.memory_space<vmem>>
          %dma_wait3A_90 = arith.constant 0 : i32
          %dma_wait3A_91 = tpu.memref_slice %arg11[%dma_wait3A, %dma_wait3A_90] : memref<64x64xi32, #tpu.memory_space<vmem>> -> memref<1x64xi32, #tpu.memory_space<vmem>>
          %dma_wait3A_92 = tpu.memref_squeeze %dma_wait3A_91 : memref<1x64xi32, #tpu.memory_space<vmem>> -> memref<64xi32, #tpu.memory_space<vmem>>
          %dma_wait3A_93 = arith.constant 0 : i32
          %dma_wait3A_94 = arith.constant 0 : i32
          %dma_wait3A_95 = tpu.memref_slice %arg3[%dma_wait3A_93, %dma_wait3A_94] : memref<10000x128xf32, #tpu.memory_space<hbm>> -> memref<10000x128xf32, #tpu.memory_space<hbm>>
          tpu.wait_indirect_dma semaphore(%arg14 : memref<!tpu.dma_semaphore, #tpu.memory_space<semaphore_mem>>) src(%dma_wait3A_95 : memref<10000x128xf32, #tpu.memory_space<hbm>>) dst(%dma_wait3A_89 : memref<64x128xf32, #tpu.memory_space<vmem>>)
          %mul3A_96 = arith.constant 64 : i32
          %mul3A_97 = arith.muli %rem3A_86, %mul3A_96 : i32
          %dma_start3A = arith.constant 0 : i32
          %dma_start3A_98 = tpu.memref_slice %arg13[%mul3A_97, %dma_start3A] : memref<256x128xf32, #tpu.memory_space<vmem>> -> memref<64x128xf32, #tpu.memory_space<vmem>>
          %dma_start3A_99 = arith.constant 0 : i32
          %dma_start3A_100 = tpu.memref_slice %arg12[%sub3A_84, %dma_start3A_99] : memref<64x64xi32, #tpu.memory_space<vmem>> -> memref<1x64xi32, #tpu.memory_space<vmem>>
          %dma_start3A_101 = tpu.memref_squeeze %dma_start3A_100 : memref<1x64xi32, #tpu.memory_space<vmem>> -> memref<64xi32, #tpu.memory_space<vmem>>
          %dma_start3A_102 = arith.constant 0 : i32
          %dma_start3A_103 = arith.constant 0 : i32
          %dma_start3A_104 = tpu.memref_slice %arg10[%dma_start3A_102, %dma_start3A_103] : memref<10016x128xf32, #tpu.memory_space<vmem_shared>> -> memref<10016x128xf32, #tpu.memory_space<vmem_shared>>
          tpu.enqueue_indirect_dma source(%dma_start3A_98 : memref<64x128xf32, #tpu.memory_space<vmem>>) target(%dma_start3A_104 : memref<10016x128xf32, #tpu.memory_space<vmem_shared>>) offsets(%dma_start3A_101 : memref<64xi32, #tpu.memory_space<vmem>>) semaphore(%arg15 : memref<!tpu.dma_semaphore, #tpu.memory_space<semaphore_mem>>) {add = true}
        } else {
        }
      }
      %scan3A_32 = arith.constant 68 : i32
      "tpu.region"() ({
        %run_scoped3A = tpu.sem_alloc : memref<!tpu.dma_semaphore, #tpu.memory_space<semaphore_mem>>
        %dma_start3A = arith.constant 128 : i32
        %dma_start3A_60 = arith.constant 0 : i32
        %dma_start3A_61 = tpu.memref_slice %arg6[%arg1, %dma_start3A, %dma_start3A_60] : memref<16x320x64xi32, #tpu.memory_space<hbm>> -> memref<1x64x64xi32, #tpu.memory_space<hbm>>
        %dma_start3A_62 = tpu.memref_squeeze %dma_start3A_61 : memref<1x64x64xi32, #tpu.memory_space<hbm>> -> memref<64x64xi32, #tpu.memory_space<hbm>>
        %dma_start3A_63 = arith.constant 128 : i32
        %dma_start3A_64 = arith.constant 0 : i32
        %dma_start3A_65 = tpu.memref_slice %arg6[%arg1, %dma_start3A_63, %dma_start3A_64] : memref<16x320x64xi32, #tpu.memory_space<hbm>> -> memref<1x64x64xi32, #tpu.memory_space<hbm>>
        %dma_start3A_66 = tpu.memref_squeeze %dma_start3A_65 : memref<1x64x64xi32, #tpu.memory_space<hbm>> -> memref<64x64xi32, #tpu.memory_space<hbm>>
        tpu.enqueue_dma source(%dma_start3A_66 : memref<64x64xi32, #tpu.memory_space<hbm>>) target(%arg11 : memref<64x64xi32, #tpu.memory_space<vmem>>) target_semaphore(%run_scoped3A : memref<!tpu.dma_semaphore, #tpu.memory_space<semaphore_mem>>)
        %dma_wait3A = arith.constant 128 : i32
        %dma_wait3A_67 = arith.constant 0 : i32
        %dma_wait3A_68 = tpu.memref_slice %arg6[%arg1, %dma_wait3A, %dma_wait3A_67] : memref<16x320x64xi32, #tpu.memory_space<hbm>> -> memref<1x64x64xi32, #tpu.memory_space<hbm>>
        %dma_wait3A_69 = tpu.memref_squeeze %dma_wait3A_68 : memref<1x64x64xi32, #tpu.memory_space<hbm>> -> memref<64x64xi32, #tpu.memory_space<hbm>>
        %dma_wait3A_70 = arith.constant 128 : i32
        %dma_wait3A_71 = arith.constant 0 : i32
        %dma_wait3A_72 = tpu.memref_slice %arg6[%arg1, %dma_wait3A_70, %dma_wait3A_71] : memref<16x320x64xi32, #tpu.memory_space<hbm>> -> memref<1x64x64xi32, #tpu.memory_space<hbm>>
        %dma_wait3A_73 = tpu.memref_squeeze %dma_wait3A_72 : memref<1x64x64xi32, #tpu.memory_space<hbm>> -> memref<64x64xi32, #tpu.memory_space<hbm>>
        tpu.wait_dma2 semaphore(%run_scoped3A : memref<!tpu.dma_semaphore, #tpu.memory_space<semaphore_mem>>) src(%dma_wait3A_73 : memref<64x64xi32, #tpu.memory_space<hbm>>) dst(%arg11 : memref<64x64xi32, #tpu.memory_space<vmem>>)
        tpu.yield
      }) : () -> ()
      "tpu.region"() ({
        %run_scoped3A = tpu.sem_alloc : memref<!tpu.dma_semaphore, #tpu.memory_space<semaphore_mem>>
        %dma_start3A = arith.constant 128 : i32
        %dma_start3A_60 = arith.constant 0 : i32
        %dma_start3A_61 = tpu.memref_slice %arg7[%arg1, %dma_start3A, %dma_start3A_60] : memref<16x320x64xi32, #tpu.memory_space<hbm>> -> memref<1x64x64xi32, #tpu.memory_space<hbm>>
        %dma_start3A_62 = tpu.memref_squeeze %dma_start3A_61 : memref<1x64x64xi32, #tpu.memory_space<hbm>> -> memref<64x64xi32, #tpu.memory_space<hbm>>
        %dma_start3A_63 = arith.constant 128 : i32
        %dma_start3A_64 = arith.constant 0 : i32
        %dma_start3A_65 = tpu.memref_slice %arg7[%arg1, %dma_start3A_63, %dma_start3A_64] : memref<16x320x64xi32, #tpu.memory_space<hbm>> -> memref<1x64x64xi32, #tpu.memory_space<hbm>>
        %dma_start3A_66 = tpu.memref_squeeze %dma_start3A_65 : memref<1x64x64xi32, #tpu.memory_space<hbm>> -> memref<64x64xi32, #tpu.memory_space<hbm>>
        tpu.enqueue_dma source(%dma_start3A_66 : memref<64x64xi32, #tpu.memory_space<hbm>>) target(%arg12 : memref<64x64xi32, #tpu.memory_space<vmem>>) target_semaphore(%run_scoped3A : memref<!tpu.dma_semaphore, #tpu.memory_space<semaphore_mem>>)
        %dma_wait3A = arith.constant 128 : i32
        %dma_wait3A_67 = arith.constant 0 : i32
        %dma_wait3A_68 = tpu.memref_slice %arg7[%arg1, %dma_wait3A, %dma_wait3A_67] : memref<16x320x64xi32, #tpu.memory_space<hbm>> -> memref<1x64x64xi32, #tpu.memory_space<hbm>>
        %dma_wait3A_69 = tpu.memref_squeeze %dma_wait3A_68 : memref<1x64x64xi32, #tpu.memory_space<hbm>> -> memref<64x64xi32, #tpu.memory_space<hbm>>
        %dma_wait3A_70 = arith.constant 128 : i32
        %dma_wait3A_71 = arith.constant 0 : i32
        %dma_wait3A_72 = tpu.memref_slice %arg7[%arg1, %dma_wait3A_70, %dma_wait3A_71] : memref<16x320x64xi32, #tpu.memory_space<hbm>> -> memref<1x64x64xi32, #tpu.memory_space<hbm>>
        %dma_wait3A_73 = tpu.memref_squeeze %dma_wait3A_72 : memref<1x64x64xi32, #tpu.memory_space<hbm>> -> memref<64x64xi32, #tpu.memory_space<hbm>>
        tpu.wait_dma2 semaphore(%run_scoped3A : memref<!tpu.dma_semaphore, #tpu.memory_space<semaphore_mem>>) src(%dma_wait3A_73 : memref<64x64xi32, #tpu.memory_space<hbm>>) dst(%arg12 : memref<64x64xi32, #tpu.memory_space<vmem>>)
        tpu.yield
      }) : () -> ()
      %scan3A_33 = arith.constant 0 : i32
      %scan3A_34 = arith.constant 0 : i32
      %scan3A_35 = arith.constant 68 : i32
      %scan3A_36 = arith.addi %scan3A_34, %scan3A_35 : i32
      %scan3A_37 = arith.constant 1 : i32
      scf.for %scan3A_60 = %scan3A_34 to %scan3A_36 step %scan3A_37  : i32 {
        %rem3A = arith.constant 4 : i32
        %rem3A_61 = arith.remsi %scan3A_60, %rem3A : i32
        %ge3A = arith.constant 4 : i32
        %ge3A_62 = arith.cmpi sge, %scan3A_60, %ge3A : i32
        %sub3A = arith.constant 4 : i32
        %sub3A_63 = arith.subi %scan3A_60, %sub3A : i32
        %lt3A = arith.constant 64 : i32
        %lt3A_64 = arith.cmpi slt, %sub3A_63, %lt3A : i32
        %and3A = arith.andi %ge3A_62, %lt3A_64 : i1
        %convert_element_type3A_65 = arith.extui %and3A : i1 to i32
        %cond3A_66 = arith.constant 0 : i32
        %cond3A_67 = arith.cmpi ne, %convert_element_type3A_65, %cond3A_66 : i32
        scf.if %cond3A_67 {
          %dma_wait3A = arith.constant 0 : i32
          %dma_wait3A_83 = arith.constant 0 : i32
          %dma_wait3A_84 = arith.constant 0 : i32
          %dma_wait3A_85 = tpu.memref_slice %arg13[%dma_wait3A_83, %dma_wait3A_84] : memref<256x128xf32, #tpu.memory_space<vmem>> -> memref<64x128xf32, #tpu.memory_space<vmem>>
          %dma_wait3A_86 = arith.constant 0 : i32
          %dma_wait3A_87 = tpu.memref_slice %arg12[%dma_wait3A, %dma_wait3A_86] : memref<64x64xi32, #tpu.memory_space<vmem>> -> memref<1x64xi32, #tpu.memory_space<vmem>>
          %dma_wait3A_88 = tpu.memref_squeeze %dma_wait3A_87 : memref<1x64xi32, #tpu.memory_space<vmem>> -> memref<64xi32, #tpu.memory_space<vmem>>
          %dma_wait3A_89 = arith.constant 0 : i32
          %dma_wait3A_90 = arith.constant 0 : i32
          %dma_wait3A_91 = tpu.memref_slice %arg10[%dma_wait3A_89, %dma_wait3A_90] : memref<10016x128xf32, #tpu.memory_space<vmem_shared>> -> memref<10016x128xf32, #tpu.memory_space<vmem_shared>>
          tpu.wait_indirect_dma semaphore(%arg15 : memref<!tpu.dma_semaphore, #tpu.memory_space<semaphore_mem>>) src(%dma_wait3A_85 : memref<64x128xf32, #tpu.memory_space<vmem>>) dst(%dma_wait3A_91 : memref<10016x128xf32, #tpu.memory_space<vmem_shared>>)
        } else {
        }
        %lt3A_68 = arith.constant 64 : i32
        %lt3A_69 = arith.cmpi slt, %scan3A_60, %lt3A_68 : i32
        %convert_element_type3A_70 = arith.extui %lt3A_69 : i1 to i32
        %cond3A_71 = arith.constant 0 : i32
        %cond3A_72 = arith.cmpi ne, %convert_element_type3A_70, %cond3A_71 : i32
        scf.if %cond3A_72 {
          %mul3A_83 = arith.constant 64 : i32
          %mul3A_84 = arith.muli %rem3A_61, %mul3A_83 : i32
          %dma_start3A = arith.constant 0 : i32
          %dma_start3A_85 = tpu.memref_slice %arg13[%mul3A_84, %dma_start3A] : memref<256x128xf32, #tpu.memory_space<vmem>> -> memref<64x128xf32, #tpu.memory_space<vmem>>
          %dma_start3A_86 = arith.constant 0 : i32
          %dma_start3A_87 = tpu.memref_slice %arg11[%scan3A_60, %dma_start3A_86] : memref<64x64xi32, #tpu.memory_space<vmem>> -> memref<1x64xi32, #tpu.memory_space<vmem>>
          %dma_start3A_88 = tpu.memref_squeeze %dma_start3A_87 : memref<1x64xi32, #tpu.memory_space<vmem>> -> memref<64xi32, #tpu.memory_space<vmem>>
          %dma_start3A_89 = arith.constant 0 : i32
          %dma_start3A_90 = arith.constant 0 : i32
          %dma_start3A_91 = tpu.memref_slice %arg3[%dma_start3A_89, %dma_start3A_90] : memref<10000x128xf32, #tpu.memory_space<hbm>> -> memref<10000x128xf32, #tpu.memory_space<hbm>>
          tpu.enqueue_indirect_dma source(%dma_start3A_91 : memref<10000x128xf32, #tpu.memory_space<hbm>>) target(%dma_start3A_85 : memref<64x128xf32, #tpu.memory_space<vmem>>) offsets(%dma_start3A_88 : memref<64xi32, #tpu.memory_space<vmem>>) semaphore(%arg14 : memref<!tpu.dma_semaphore, #tpu.memory_space<semaphore_mem>>)
        } else {
        }
        %ge3A_73 = arith.constant 3 : i32
        %ge3A_74 = arith.cmpi sge, %scan3A_60, %ge3A_73 : i32
        %sub3A_75 = arith.constant 3 : i32
        %sub3A_76 = arith.subi %scan3A_60, %sub3A_75 : i32
        %lt3A_77 = arith.constant 64 : i32
        %lt3A_78 = arith.cmpi slt, %sub3A_76, %lt3A_77 : i32
        %and3A_79 = arith.andi %ge3A_74, %lt3A_78 : i1
        %convert_element_type3A_80 = arith.extui %and3A_79 : i1 to i32
        %cond3A_81 = arith.constant 0 : i32
        %cond3A_82 = arith.cmpi ne, %convert_element_type3A_80, %cond3A_81 : i32
        scf.if %cond3A_82 {
          %sub3A_83 = arith.constant 3 : i32
          %sub3A_84 = arith.subi %scan3A_60, %sub3A_83 : i32
          %rem3A_85 = arith.constant 4 : i32
          %rem3A_86 = arith.remsi %sub3A_84, %rem3A_85 : i32
          %dma_wait3A = arith.constant 0 : i32
          %dma_wait3A_87 = arith.constant 0 : i32
          %dma_wait3A_88 = arith.constant 0 : i32
          %dma_wait3A_89 = tpu.memref_slice %arg13[%dma_wait3A_87, %dma_wait3A_88] : memref<256x128xf32, #tpu.memory_space<vmem>> -> memref<64x128xf32, #tpu.memory_space<vmem>>
          %dma_wait3A_90 = arith.constant 0 : i32
          %dma_wait3A_91 = tpu.memref_slice %arg11[%dma_wait3A, %dma_wait3A_90] : memref<64x64xi32, #tpu.memory_space<vmem>> -> memref<1x64xi32, #tpu.memory_space<vmem>>
          %dma_wait3A_92 = tpu.memref_squeeze %dma_wait3A_91 : memref<1x64xi32, #tpu.memory_space<vmem>> -> memref<64xi32, #tpu.memory_space<vmem>>
          %dma_wait3A_93 = arith.constant 0 : i32
          %dma_wait3A_94 = arith.constant 0 : i32
          %dma_wait3A_95 = tpu.memref_slice %arg3[%dma_wait3A_93, %dma_wait3A_94] : memref<10000x128xf32, #tpu.memory_space<hbm>> -> memref<10000x128xf32, #tpu.memory_space<hbm>>
          tpu.wait_indirect_dma semaphore(%arg14 : memref<!tpu.dma_semaphore, #tpu.memory_space<semaphore_mem>>) src(%dma_wait3A_95 : memref<10000x128xf32, #tpu.memory_space<hbm>>) dst(%dma_wait3A_89 : memref<64x128xf32, #tpu.memory_space<vmem>>)
          %mul3A_96 = arith.constant 64 : i32
          %mul3A_97 = arith.muli %rem3A_86, %mul3A_96 : i32
          %dma_start3A = arith.constant 0 : i32
          %dma_start3A_98 = tpu.memref_slice %arg13[%mul3A_97, %dma_start3A] : memref<256x128xf32, #tpu.memory_space<vmem>> -> memref<64x128xf32, #tpu.memory_space<vmem>>
          %dma_start3A_99 = arith.constant 0 : i32
          %dma_start3A_100 = tpu.memref_slice %arg12[%sub3A_84, %dma_start3A_99] : memref<64x64xi32, #tpu.memory_space<vmem>> -> memref<1x64xi32, #tpu.memory_space<vmem>>
          %dma_start3A_101 = tpu.memref_squeeze %dma_start3A_100 : memref<1x64xi32, #tpu.memory_space<vmem>> -> memref<64xi32, #tpu.memory_space<vmem>>
          %dma_start3A_102 = arith.constant 0 : i32
          %dma_start3A_103 = arith.constant 0 : i32
          %dma_start3A_104 = tpu.memref_slice %arg10[%dma_start3A_102, %dma_start3A_103] : memref<10016x128xf32, #tpu.memory_space<vmem_shared>> -> memref<10016x128xf32, #tpu.memory_space<vmem_shared>>
          tpu.enqueue_indirect_dma source(%dma_start3A_98 : memref<64x128xf32, #tpu.memory_space<vmem>>) target(%dma_start3A_104 : memref<10016x128xf32, #tpu.memory_space<vmem_shared>>) offsets(%dma_start3A_101 : memref<64xi32, #tpu.memory_space<vmem>>) semaphore(%arg15 : memref<!tpu.dma_semaphore, #tpu.memory_space<semaphore_mem>>) {add = true}
        } else {
        }
      }
      %scan3A_38 = arith.constant 68 : i32
      "tpu.region"() ({
        %run_scoped3A = tpu.sem_alloc : memref<!tpu.dma_semaphore, #tpu.memory_space<semaphore_mem>>
        %dma_start3A = arith.constant 192 : i32
        %dma_start3A_60 = arith.constant 0 : i32
        %dma_start3A_61 = tpu.memref_slice %arg6[%arg1, %dma_start3A, %dma_start3A_60] : memref<16x320x64xi32, #tpu.memory_space<hbm>> -> memref<1x64x64xi32, #tpu.memory_space<hbm>>
        %dma_start3A_62 = tpu.memref_squeeze %dma_start3A_61 : memref<1x64x64xi32, #tpu.memory_space<hbm>> -> memref<64x64xi32, #tpu.memory_space<hbm>>
        %dma_start3A_63 = arith.constant 192 : i32
        %dma_start3A_64 = arith.constant 0 : i32
        %dma_start3A_65 = tpu.memref_slice %arg6[%arg1, %dma_start3A_63, %dma_start3A_64] : memref<16x320x64xi32, #tpu.memory_space<hbm>> -> memref<1x64x64xi32, #tpu.memory_space<hbm>>
        %dma_start3A_66 = tpu.memref_squeeze %dma_start3A_65 : memref<1x64x64xi32, #tpu.memory_space<hbm>> -> memref<64x64xi32, #tpu.memory_space<hbm>>
        tpu.enqueue_dma source(%dma_start3A_66 : memref<64x64xi32, #tpu.memory_space<hbm>>) target(%arg11 : memref<64x64xi32, #tpu.memory_space<vmem>>) target_semaphore(%run_scoped3A : memref<!tpu.dma_semaphore, #tpu.memory_space<semaphore_mem>>)
        %dma_wait3A = arith.constant 192 : i32
        %dma_wait3A_67 = arith.constant 0 : i32
        %dma_wait3A_68 = tpu.memref_slice %arg6[%arg1, %dma_wait3A, %dma_wait3A_67] : memref<16x320x64xi32, #tpu.memory_space<hbm>> -> memref<1x64x64xi32, #tpu.memory_space<hbm>>
        %dma_wait3A_69 = tpu.memref_squeeze %dma_wait3A_68 : memref<1x64x64xi32, #tpu.memory_space<hbm>> -> memref<64x64xi32, #tpu.memory_space<hbm>>
        %dma_wait3A_70 = arith.constant 192 : i32
        %dma_wait3A_71 = arith.constant 0 : i32
        %dma_wait3A_72 = tpu.memref_slice %arg6[%arg1, %dma_wait3A_70, %dma_wait3A_71] : memref<16x320x64xi32, #tpu.memory_space<hbm>> -> memref<1x64x64xi32, #tpu.memory_space<hbm>>
        %dma_wait3A_73 = tpu.memref_squeeze %dma_wait3A_72 : memref<1x64x64xi32, #tpu.memory_space<hbm>> -> memref<64x64xi32, #tpu.memory_space<hbm>>
        tpu.wait_dma2 semaphore(%run_scoped3A : memref<!tpu.dma_semaphore, #tpu.memory_space<semaphore_mem>>) src(%dma_wait3A_73 : memref<64x64xi32, #tpu.memory_space<hbm>>) dst(%arg11 : memref<64x64xi32, #tpu.memory_space<vmem>>)
        tpu.yield
      }) : () -> ()
      "tpu.region"() ({
        %run_scoped3A = tpu.sem_alloc : memref<!tpu.dma_semaphore, #tpu.memory_space<semaphore_mem>>
        %dma_start3A = arith.constant 192 : i32
        %dma_start3A_60 = arith.constant 0 : i32
        %dma_start3A_61 = tpu.memref_slice %arg7[%arg1, %dma_start3A, %dma_start3A_60] : memref<16x320x64xi32, #tpu.memory_space<hbm>> -> memref<1x64x64xi32, #tpu.memory_space<hbm>>
        %dma_start3A_62 = tpu.memref_squeeze %dma_start3A_61 : memref<1x64x64xi32, #tpu.memory_space<hbm>> -> memref<64x64xi32, #tpu.memory_space<hbm>>
        %dma_start3A_63 = arith.constant 192 : i32
        %dma_start3A_64 = arith.constant 0 : i32
        %dma_start3A_65 = tpu.memref_slice %arg7[%arg1, %dma_start3A_63, %dma_start3A_64] : memref<16x320x64xi32, #tpu.memory_space<hbm>> -> memref<1x64x64xi32, #tpu.memory_space<hbm>>
        %dma_start3A_66 = tpu.memref_squeeze %dma_start3A_65 : memref<1x64x64xi32, #tpu.memory_space<hbm>> -> memref<64x64xi32, #tpu.memory_space<hbm>>
        tpu.enqueue_dma source(%dma_start3A_66 : memref<64x64xi32, #tpu.memory_space<hbm>>) target(%arg12 : memref<64x64xi32, #tpu.memory_space<vmem>>) target_semaphore(%run_scoped3A : memref<!tpu.dma_semaphore, #tpu.memory_space<semaphore_mem>>)
        %dma_wait3A = arith.constant 192 : i32
        %dma_wait3A_67 = arith.constant 0 : i32
        %dma_wait3A_68 = tpu.memref_slice %arg7[%arg1, %dma_wait3A, %dma_wait3A_67] : memref<16x320x64xi32, #tpu.memory_space<hbm>> -> memref<1x64x64xi32, #tpu.memory_space<hbm>>
        %dma_wait3A_69 = tpu.memref_squeeze %dma_wait3A_68 : memref<1x64x64xi32, #tpu.memory_space<hbm>> -> memref<64x64xi32, #tpu.memory_space<hbm>>
        %dma_wait3A_70 = arith.constant 192 : i32
        %dma_wait3A_71 = arith.constant 0 : i32
        %dma_wait3A_72 = tpu.memref_slice %arg7[%arg1, %dma_wait3A_70, %dma_wait3A_71] : memref<16x320x64xi32, #tpu.memory_space<hbm>> -> memref<1x64x64xi32, #tpu.memory_space<hbm>>
        %dma_wait3A_73 = tpu.memref_squeeze %dma_wait3A_72 : memref<1x64x64xi32, #tpu.memory_space<hbm>> -> memref<64x64xi32, #tpu.memory_space<hbm>>
        tpu.wait_dma2 semaphore(%run_scoped3A : memref<!tpu.dma_semaphore, #tpu.memory_space<semaphore_mem>>) src(%dma_wait3A_73 : memref<64x64xi32, #tpu.memory_space<hbm>>) dst(%arg12 : memref<64x64xi32, #tpu.memory_space<vmem>>)
        tpu.yield
      }) : () -> ()
      %scan3A_39 = arith.constant 0 : i32
      %scan3A_40 = arith.constant 0 : i32
      %scan3A_41 = arith.constant 68 : i32
      %scan3A_42 = arith.addi %scan3A_40, %scan3A_41 : i32
      %scan3A_43 = arith.constant 1 : i32
      scf.for %scan3A_60 = %scan3A_40 to %scan3A_42 step %scan3A_43  : i32 {
        %rem3A = arith.constant 4 : i32
        %rem3A_61 = arith.remsi %scan3A_60, %rem3A : i32
        %ge3A = arith.constant 4 : i32
        %ge3A_62 = arith.cmpi sge, %scan3A_60, %ge3A : i32
        %sub3A = arith.constant 4 : i32
        %sub3A_63 = arith.subi %scan3A_60, %sub3A : i32
        %lt3A = arith.constant 64 : i32
        %lt3A_64 = arith.cmpi slt, %sub3A_63, %lt3A : i32
        %and3A = arith.andi %ge3A_62, %lt3A_64 : i1
        %convert_element_type3A_65 = arith.extui %and3A : i1 to i32
        %cond3A_66 = arith.constant 0 : i32
        %cond3A_67 = arith.cmpi ne, %convert_element_type3A_65, %cond3A_66 : i32
        scf.if %cond3A_67 {
          %dma_wait3A = arith.constant 0 : i32
          %dma_wait3A_83 = arith.constant 0 : i32
          %dma_wait3A_84 = arith.constant 0 : i32
          %dma_wait3A_85 = tpu.memref_slice %arg13[%dma_wait3A_83, %dma_wait3A_84] : memref<256x128xf32, #tpu.memory_space<vmem>> -> memref<64x128xf32, #tpu.memory_space<vmem>>
          %dma_wait3A_86 = arith.constant 0 : i32
          %dma_wait3A_87 = tpu.memref_slice %arg12[%dma_wait3A, %dma_wait3A_86] : memref<64x64xi32, #tpu.memory_space<vmem>> -> memref<1x64xi32, #tpu.memory_space<vmem>>
          %dma_wait3A_88 = tpu.memref_squeeze %dma_wait3A_87 : memref<1x64xi32, #tpu.memory_space<vmem>> -> memref<64xi32, #tpu.memory_space<vmem>>
          %dma_wait3A_89 = arith.constant 0 : i32
          %dma_wait3A_90 = arith.constant 0 : i32
          %dma_wait3A_91 = tpu.memref_slice %arg10[%dma_wait3A_89, %dma_wait3A_90] : memref<10016x128xf32, #tpu.memory_space<vmem_shared>> -> memref<10016x128xf32, #tpu.memory_space<vmem_shared>>
          tpu.wait_indirect_dma semaphore(%arg15 : memref<!tpu.dma_semaphore, #tpu.memory_space<semaphore_mem>>) src(%dma_wait3A_85 : memref<64x128xf32, #tpu.memory_space<vmem>>) dst(%dma_wait3A_91 : memref<10016x128xf32, #tpu.memory_space<vmem_shared>>)
        } else {
        }
        %lt3A_68 = arith.constant 64 : i32
        %lt3A_69 = arith.cmpi slt, %scan3A_60, %lt3A_68 : i32
        %convert_element_type3A_70 = arith.extui %lt3A_69 : i1 to i32
        %cond3A_71 = arith.constant 0 : i32
        %cond3A_72 = arith.cmpi ne, %convert_element_type3A_70, %cond3A_71 : i32
        scf.if %cond3A_72 {
          %mul3A_83 = arith.constant 64 : i32
          %mul3A_84 = arith.muli %rem3A_61, %mul3A_83 : i32
          %dma_start3A = arith.constant 0 : i32
          %dma_start3A_85 = tpu.memref_slice %arg13[%mul3A_84, %dma_start3A] : memref<256x128xf32, #tpu.memory_space<vmem>> -> memref<64x128xf32, #tpu.memory_space<vmem>>
          %dma_start3A_86 = arith.constant 0 : i32
          %dma_start3A_87 = tpu.memref_slice %arg11[%scan3A_60, %dma_start3A_86] : memref<64x64xi32, #tpu.memory_space<vmem>> -> memref<1x64xi32, #tpu.memory_space<vmem>>
          %dma_start3A_88 = tpu.memref_squeeze %dma_start3A_87 : memref<1x64xi32, #tpu.memory_space<vmem>> -> memref<64xi32, #tpu.memory_space<vmem>>
          %dma_start3A_89 = arith.constant 0 : i32
          %dma_start3A_90 = arith.constant 0 : i32
          %dma_start3A_91 = tpu.memref_slice %arg3[%dma_start3A_89, %dma_start3A_90] : memref<10000x128xf32, #tpu.memory_space<hbm>> -> memref<10000x128xf32, #tpu.memory_space<hbm>>
          tpu.enqueue_indirect_dma source(%dma_start3A_91 : memref<10000x128xf32, #tpu.memory_space<hbm>>) target(%dma_start3A_85 : memref<64x128xf32, #tpu.memory_space<vmem>>) offsets(%dma_start3A_88 : memref<64xi32, #tpu.memory_space<vmem>>) semaphore(%arg14 : memref<!tpu.dma_semaphore, #tpu.memory_space<semaphore_mem>>)
        } else {
        }
        %ge3A_73 = arith.constant 3 : i32
        %ge3A_74 = arith.cmpi sge, %scan3A_60, %ge3A_73 : i32
        %sub3A_75 = arith.constant 3 : i32
        %sub3A_76 = arith.subi %scan3A_60, %sub3A_75 : i32
        %lt3A_77 = arith.constant 64 : i32
        %lt3A_78 = arith.cmpi slt, %sub3A_76, %lt3A_77 : i32
        %and3A_79 = arith.andi %ge3A_74, %lt3A_78 : i1
        %convert_element_type3A_80 = arith.extui %and3A_79 : i1 to i32
        %cond3A_81 = arith.constant 0 : i32
        %cond3A_82 = arith.cmpi ne, %convert_element_type3A_80, %cond3A_81 : i32
        scf.if %cond3A_82 {
          %sub3A_83 = arith.constant 3 : i32
          %sub3A_84 = arith.subi %scan3A_60, %sub3A_83 : i32
          %rem3A_85 = arith.constant 4 : i32
          %rem3A_86 = arith.remsi %sub3A_84, %rem3A_85 : i32
          %dma_wait3A = arith.constant 0 : i32
          %dma_wait3A_87 = arith.constant 0 : i32
          %dma_wait3A_88 = arith.constant 0 : i32
          %dma_wait3A_89 = tpu.memref_slice %arg13[%dma_wait3A_87, %dma_wait3A_88] : memref<256x128xf32, #tpu.memory_space<vmem>> -> memref<64x128xf32, #tpu.memory_space<vmem>>
          %dma_wait3A_90 = arith.constant 0 : i32
          %dma_wait3A_91 = tpu.memref_slice %arg11[%dma_wait3A, %dma_wait3A_90] : memref<64x64xi32, #tpu.memory_space<vmem>> -> memref<1x64xi32, #tpu.memory_space<vmem>>
          %dma_wait3A_92 = tpu.memref_squeeze %dma_wait3A_91 : memref<1x64xi32, #tpu.memory_space<vmem>> -> memref<64xi32, #tpu.memory_space<vmem>>
          %dma_wait3A_93 = arith.constant 0 : i32
          %dma_wait3A_94 = arith.constant 0 : i32
          %dma_wait3A_95 = tpu.memref_slice %arg3[%dma_wait3A_93, %dma_wait3A_94] : memref<10000x128xf32, #tpu.memory_space<hbm>> -> memref<10000x128xf32, #tpu.memory_space<hbm>>
          tpu.wait_indirect_dma semaphore(%arg14 : memref<!tpu.dma_semaphore, #tpu.memory_space<semaphore_mem>>) src(%dma_wait3A_95 : memref<10000x128xf32, #tpu.memory_space<hbm>>) dst(%dma_wait3A_89 : memref<64x128xf32, #tpu.memory_space<vmem>>)
          %mul3A_96 = arith.constant 64 : i32
          %mul3A_97 = arith.muli %rem3A_86, %mul3A_96 : i32
          %dma_start3A = arith.constant 0 : i32
          %dma_start3A_98 = tpu.memref_slice %arg13[%mul3A_97, %dma_start3A] : memref<256x128xf32, #tpu.memory_space<vmem>> -> memref<64x128xf32, #tpu.memory_space<vmem>>
          %dma_start3A_99 = arith.constant 0 : i32
          %dma_start3A_100 = tpu.memref_slice %arg12[%sub3A_84, %dma_start3A_99] : memref<64x64xi32, #tpu.memory_space<vmem>> -> memref<1x64xi32, #tpu.memory_space<vmem>>
          %dma_start3A_101 = tpu.memref_squeeze %dma_start3A_100 : memref<1x64xi32, #tpu.memory_space<vmem>> -> memref<64xi32, #tpu.memory_space<vmem>>
          %dma_start3A_102 = arith.constant 0 : i32
          %dma_start3A_103 = arith.constant 0 : i32
          %dma_start3A_104 = tpu.memref_slice %arg10[%dma_start3A_102, %dma_start3A_103] : memref<10016x128xf32, #tpu.memory_space<vmem_shared>> -> memref<10016x128xf32, #tpu.memory_space<vmem_shared>>
          tpu.enqueue_indirect_dma source(%dma_start3A_98 : memref<64x128xf32, #tpu.memory_space<vmem>>) target(%dma_start3A_104 : memref<10016x128xf32, #tpu.memory_space<vmem_shared>>) offsets(%dma_start3A_101 : memref<64xi32, #tpu.memory_space<vmem>>) semaphore(%arg15 : memref<!tpu.dma_semaphore, #tpu.memory_space<semaphore_mem>>) {add = true}
        } else {
        }
      }
      %scan3A_44 = arith.constant 68 : i32
      "tpu.region"() ({
        %run_scoped3A = tpu.sem_alloc : memref<!tpu.dma_semaphore, #tpu.memory_space<semaphore_mem>>
        %dma_start3A = arith.constant 256 : i32
        %dma_start3A_60 = arith.constant 0 : i32
        %dma_start3A_61 = tpu.memref_slice %arg6[%arg1, %dma_start3A, %dma_start3A_60] : memref<16x320x64xi32, #tpu.memory_space<hbm>> -> memref<1x64x64xi32, #tpu.memory_space<hbm>>
        %dma_start3A_62 = tpu.memref_squeeze %dma_start3A_61 : memref<1x64x64xi32, #tpu.memory_space<hbm>> -> memref<64x64xi32, #tpu.memory_space<hbm>>
        %dma_start3A_63 = arith.constant 256 : i32
        %dma_start3A_64 = arith.constant 0 : i32
        %dma_start3A_65 = tpu.memref_slice %arg6[%arg1, %dma_start3A_63, %dma_start3A_64] : memref<16x320x64xi32, #tpu.memory_space<hbm>> -> memref<1x64x64xi32, #tpu.memory_space<hbm>>
        %dma_start3A_66 = tpu.memref_squeeze %dma_start3A_65 : memref<1x64x64xi32, #tpu.memory_space<hbm>> -> memref<64x64xi32, #tpu.memory_space<hbm>>
        tpu.enqueue_dma source(%dma_start3A_66 : memref<64x64xi32, #tpu.memory_space<hbm>>) target(%arg11 : memref<64x64xi32, #tpu.memory_space<vmem>>) target_semaphore(%run_scoped3A : memref<!tpu.dma_semaphore, #tpu.memory_space<semaphore_mem>>)
        %dma_wait3A = arith.constant 256 : i32
        %dma_wait3A_67 = arith.constant 0 : i32
        %dma_wait3A_68 = tpu.memref_slice %arg6[%arg1, %dma_wait3A, %dma_wait3A_67] : memref<16x320x64xi32, #tpu.memory_space<hbm>> -> memref<1x64x64xi32, #tpu.memory_space<hbm>>
        %dma_wait3A_69 = tpu.memref_squeeze %dma_wait3A_68 : memref<1x64x64xi32, #tpu.memory_space<hbm>> -> memref<64x64xi32, #tpu.memory_space<hbm>>
        %dma_wait3A_70 = arith.constant 256 : i32
        %dma_wait3A_71 = arith.constant 0 : i32
        %dma_wait3A_72 = tpu.memref_slice %arg6[%arg1, %dma_wait3A_70, %dma_wait3A_71] : memref<16x320x64xi32, #tpu.memory_space<hbm>> -> memref<1x64x64xi32, #tpu.memory_space<hbm>>
        %dma_wait3A_73 = tpu.memref_squeeze %dma_wait3A_72 : memref<1x64x64xi32, #tpu.memory_space<hbm>> -> memref<64x64xi32, #tpu.memory_space<hbm>>
        tpu.wait_dma2 semaphore(%run_scoped3A : memref<!tpu.dma_semaphore, #tpu.memory_space<semaphore_mem>>) src(%dma_wait3A_73 : memref<64x64xi32, #tpu.memory_space<hbm>>) dst(%arg11 : memref<64x64xi32, #tpu.memory_space<vmem>>)
        tpu.yield
      }) : () -> ()
      "tpu.region"() ({
        %run_scoped3A = tpu.sem_alloc : memref<!tpu.dma_semaphore, #tpu.memory_space<semaphore_mem>>
        %dma_start3A = arith.constant 256 : i32
        %dma_start3A_60 = arith.constant 0 : i32
        %dma_start3A_61 = tpu.memref_slice %arg7[%arg1, %dma_start3A, %dma_start3A_60] : memref<16x320x64xi32, #tpu.memory_space<hbm>> -> memref<1x64x64xi32, #tpu.memory_space<hbm>>
        %dma_start3A_62 = tpu.memref_squeeze %dma_start3A_61 : memref<1x64x64xi32, #tpu.memory_space<hbm>> -> memref<64x64xi32, #tpu.memory_space<hbm>>
        %dma_start3A_63 = arith.constant 256 : i32
        %dma_start3A_64 = arith.constant 0 : i32
        %dma_start3A_65 = tpu.memref_slice %arg7[%arg1, %dma_start3A_63, %dma_start3A_64] : memref<16x320x64xi32, #tpu.memory_space<hbm>> -> memref<1x64x64xi32, #tpu.memory_space<hbm>>
        %dma_start3A_66 = tpu.memref_squeeze %dma_start3A_65 : memref<1x64x64xi32, #tpu.memory_space<hbm>> -> memref<64x64xi32, #tpu.memory_space<hbm>>
        tpu.enqueue_dma source(%dma_start3A_66 : memref<64x64xi32, #tpu.memory_space<hbm>>) target(%arg12 : memref<64x64xi32, #tpu.memory_space<vmem>>) target_semaphore(%run_scoped3A : memref<!tpu.dma_semaphore, #tpu.memory_space<semaphore_mem>>)
        %dma_wait3A = arith.constant 256 : i32
        %dma_wait3A_67 = arith.constant 0 : i32
        %dma_wait3A_68 = tpu.memref_slice %arg7[%arg1, %dma_wait3A, %dma_wait3A_67] : memref<16x320x64xi32, #tpu.memory_space<hbm>> -> memref<1x64x64xi32, #tpu.memory_space<hbm>>
        %dma_wait3A_69 = tpu.memref_squeeze %dma_wait3A_68 : memref<1x64x64xi32, #tpu.memory_space<hbm>> -> memref<64x64xi32, #tpu.memory_space<hbm>>
        %dma_wait3A_70 = arith.constant 256 : i32
        %dma_wait3A_71 = arith.constant 0 : i32
        %dma_wait3A_72 = tpu.memref_slice %arg7[%arg1, %dma_wait3A_70, %dma_wait3A_71] : memref<16x320x64xi32, #tpu.memory_space<hbm>> -> memref<1x64x64xi32, #tpu.memory_space<hbm>>
        %dma_wait3A_73 = tpu.memref_squeeze %dma_wait3A_72 : memref<1x64x64xi32, #tpu.memory_space<hbm>> -> memref<64x64xi32, #tpu.memory_space<hbm>>
        tpu.wait_dma2 semaphore(%run_scoped3A : memref<!tpu.dma_semaphore, #tpu.memory_space<semaphore_mem>>) src(%dma_wait3A_73 : memref<64x64xi32, #tpu.memory_space<hbm>>) dst(%arg12 : memref<64x64xi32, #tpu.memory_space<vmem>>)
        tpu.yield
      }) : () -> ()
      %scan3A_45 = arith.constant 0 : i32
      %scan3A_46 = arith.constant 0 : i32
      %scan3A_47 = arith.constant 68 : i32
      %scan3A_48 = arith.addi %scan3A_46, %scan3A_47 : i32
      %scan3A_49 = arith.constant 1 : i32
      scf.for %scan3A_60 = %scan3A_46 to %scan3A_48 step %scan3A_49  : i32 {
        %rem3A = arith.constant 4 : i32
        %rem3A_61 = arith.remsi %scan3A_60, %rem3A : i32
        %ge3A = arith.constant 4 : i32
        %ge3A_62 = arith.cmpi sge, %scan3A_60, %ge3A : i32
        %sub3A = arith.constant 4 : i32
        %sub3A_63 = arith.subi %scan3A_60, %sub3A : i32
        %lt3A = arith.constant 64 : i32
        %lt3A_64 = arith.cmpi slt, %sub3A_63, %lt3A : i32
        %and3A = arith.andi %ge3A_62, %lt3A_64 : i1
        %convert_element_type3A_65 = arith.extui %and3A : i1 to i32
        %cond3A_66 = arith.constant 0 : i32
        %cond3A_67 = arith.cmpi ne, %convert_element_type3A_65, %cond3A_66 : i32
        scf.if %cond3A_67 {
          %dma_wait3A = arith.constant 0 : i32
          %dma_wait3A_83 = arith.constant 0 : i32
          %dma_wait3A_84 = arith.constant 0 : i32
          %dma_wait3A_85 = tpu.memref_slice %arg13[%dma_wait3A_83, %dma_wait3A_84] : memref<256x128xf32, #tpu.memory_space<vmem>> -> memref<64x128xf32, #tpu.memory_space<vmem>>
          %dma_wait3A_86 = arith.constant 0 : i32
          %dma_wait3A_87 = tpu.memref_slice %arg12[%dma_wait3A, %dma_wait3A_86] : memref<64x64xi32, #tpu.memory_space<vmem>> -> memref<1x64xi32, #tpu.memory_space<vmem>>
          %dma_wait3A_88 = tpu.memref_squeeze %dma_wait3A_87 : memref<1x64xi32, #tpu.memory_space<vmem>> -> memref<64xi32, #tpu.memory_space<vmem>>
          %dma_wait3A_89 = arith.constant 0 : i32
          %dma_wait3A_90 = arith.constant 0 : i32
          %dma_wait3A_91 = tpu.memref_slice %arg10[%dma_wait3A_89, %dma_wait3A_90] : memref<10016x128xf32, #tpu.memory_space<vmem_shared>> -> memref<10016x128xf32, #tpu.memory_space<vmem_shared>>
          tpu.wait_indirect_dma semaphore(%arg15 : memref<!tpu.dma_semaphore, #tpu.memory_space<semaphore_mem>>) src(%dma_wait3A_85 : memref<64x128xf32, #tpu.memory_space<vmem>>) dst(%dma_wait3A_91 : memref<10016x128xf32, #tpu.memory_space<vmem_shared>>)
        } else {
        }
        %lt3A_68 = arith.constant 64 : i32
        %lt3A_69 = arith.cmpi slt, %scan3A_60, %lt3A_68 : i32
        %convert_element_type3A_70 = arith.extui %lt3A_69 : i1 to i32
        %cond3A_71 = arith.constant 0 : i32
        %cond3A_72 = arith.cmpi ne, %convert_element_type3A_70, %cond3A_71 : i32
        scf.if %cond3A_72 {
          %mul3A_83 = arith.constant 64 : i32
          %mul3A_84 = arith.muli %rem3A_61, %mul3A_83 : i32
          %dma_start3A = arith.constant 0 : i32
          %dma_start3A_85 = tpu.memref_slice %arg13[%mul3A_84, %dma_start3A] : memref<256x128xf32, #tpu.memory_space<vmem>> -> memref<64x128xf32, #tpu.memory_space<vmem>>
          %dma_start3A_86 = arith.constant 0 : i32
          %dma_start3A_87 = tpu.memref_slice %arg11[%scan3A_60, %dma_start3A_86] : memref<64x64xi32, #tpu.memory_space<vmem>> -> memref<1x64xi32, #tpu.memory_space<vmem>>
          %dma_start3A_88 = tpu.memref_squeeze %dma_start3A_87 : memref<1x64xi32, #tpu.memory_space<vmem>> -> memref<64xi32, #tpu.memory_space<vmem>>
          %dma_start3A_89 = arith.constant 0 : i32
          %dma_start3A_90 = arith.constant 0 : i32
          %dma_start3A_91 = tpu.memref_slice %arg3[%dma_start3A_89, %dma_start3A_90] : memref<10000x128xf32, #tpu.memory_space<hbm>> -> memref<10000x128xf32, #tpu.memory_space<hbm>>
          tpu.enqueue_indirect_dma source(%dma_start3A_91 : memref<10000x128xf32, #tpu.memory_space<hbm>>) target(%dma_start3A_85 : memref<64x128xf32, #tpu.memory_space<vmem>>) offsets(%dma_start3A_88 : memref<64xi32, #tpu.memory_space<vmem>>) semaphore(%arg14 : memref<!tpu.dma_semaphore, #tpu.memory_space<semaphore_mem>>)
        } else {
        }
        %ge3A_73 = arith.constant 3 : i32
        %ge3A_74 = arith.cmpi sge, %scan3A_60, %ge3A_73 : i32
        %sub3A_75 = arith.constant 3 : i32
        %sub3A_76 = arith.subi %scan3A_60, %sub3A_75 : i32
        %lt3A_77 = arith.constant 64 : i32
        %lt3A_78 = arith.cmpi slt, %sub3A_76, %lt3A_77 : i32
        %and3A_79 = arith.andi %ge3A_74, %lt3A_78 : i1
        %convert_element_type3A_80 = arith.extui %and3A_79 : i1 to i32
        %cond3A_81 = arith.constant 0 : i32
        %cond3A_82 = arith.cmpi ne, %convert_element_type3A_80, %cond3A_81 : i32
        scf.if %cond3A_82 {
          %sub3A_83 = arith.constant 3 : i32
          %sub3A_84 = arith.subi %scan3A_60, %sub3A_83 : i32
          %rem3A_85 = arith.constant 4 : i32
          %rem3A_86 = arith.remsi %sub3A_84, %rem3A_85 : i32
          %dma_wait3A = arith.constant 0 : i32
          %dma_wait3A_87 = arith.constant 0 : i32
          %dma_wait3A_88 = arith.constant 0 : i32
          %dma_wait3A_89 = tpu.memref_slice %arg13[%dma_wait3A_87, %dma_wait3A_88] : memref<256x128xf32, #tpu.memory_space<vmem>> -> memref<64x128xf32, #tpu.memory_space<vmem>>
          %dma_wait3A_90 = arith.constant 0 : i32
          %dma_wait3A_91 = tpu.memref_slice %arg11[%dma_wait3A, %dma_wait3A_90] : memref<64x64xi32, #tpu.memory_space<vmem>> -> memref<1x64xi32, #tpu.memory_space<vmem>>
          %dma_wait3A_92 = tpu.memref_squeeze %dma_wait3A_91 : memref<1x64xi32, #tpu.memory_space<vmem>> -> memref<64xi32, #tpu.memory_space<vmem>>
          %dma_wait3A_93 = arith.constant 0 : i32
          %dma_wait3A_94 = arith.constant 0 : i32
          %dma_wait3A_95 = tpu.memref_slice %arg3[%dma_wait3A_93, %dma_wait3A_94] : memref<10000x128xf32, #tpu.memory_space<hbm>> -> memref<10000x128xf32, #tpu.memory_space<hbm>>
          tpu.wait_indirect_dma semaphore(%arg14 : memref<!tpu.dma_semaphore, #tpu.memory_space<semaphore_mem>>) src(%dma_wait3A_95 : memref<10000x128xf32, #tpu.memory_space<hbm>>) dst(%dma_wait3A_89 : memref<64x128xf32, #tpu.memory_space<vmem>>)
          %mul3A_96 = arith.constant 64 : i32
          %mul3A_97 = arith.muli %rem3A_86, %mul3A_96 : i32
          %dma_start3A = arith.constant 0 : i32
          %dma_start3A_98 = tpu.memref_slice %arg13[%mul3A_97, %dma_start3A] : memref<256x128xf32, #tpu.memory_space<vmem>> -> memref<64x128xf32, #tpu.memory_space<vmem>>
          %dma_start3A_99 = arith.constant 0 : i32
          %dma_start3A_100 = tpu.memref_slice %arg12[%sub3A_84, %dma_start3A_99] : memref<64x64xi32, #tpu.memory_space<vmem>> -> memref<1x64xi32, #tpu.memory_space<vmem>>
          %dma_start3A_101 = tpu.memref_squeeze %dma_start3A_100 : memref<1x64xi32, #tpu.memory_space<vmem>> -> memref<64xi32, #tpu.memory_space<vmem>>
          %dma_start3A_102 = arith.constant 0 : i32
          %dma_start3A_103 = arith.constant 0 : i32
          %dma_start3A_104 = tpu.memref_slice %arg10[%dma_start3A_102, %dma_start3A_103] : memref<10016x128xf32, #tpu.memory_space<vmem_shared>> -> memref<10016x128xf32, #tpu.memory_space<vmem_shared>>
          tpu.enqueue_indirect_dma source(%dma_start3A_98 : memref<64x128xf32, #tpu.memory_space<vmem>>) target(%dma_start3A_104 : memref<10016x128xf32, #tpu.memory_space<vmem_shared>>) offsets(%dma_start3A_101 : memref<64xi32, #tpu.memory_space<vmem>>) semaphore(%arg15 : memref<!tpu.dma_semaphore, #tpu.memory_space<semaphore_mem>>) {add = true}
        } else {
        }
      }
      %scan3A_50 = arith.constant 68 : i32
      %barrier3A_51 = arith.constant 0 : index
      tpu.barrier barrier_id(%barrier3A_51)
      %mul3A_52 = arith.constant 624 : i32
      %mul3A_53 = arith.muli %arg1, %mul3A_52 : i32
      %multiple_of3A_54 = tpu.assume_multiple %mul3A_53, 8 : i32
      "tpu.region"() ({
        %run_scoped3A = tpu.sem_alloc : memref<!tpu.dma_semaphore, #tpu.memory_space<semaphore_mem>>
        %dma_start3A = arith.constant 0 : i32
        %dma_start3A_60 = tpu.memref_slice %arg9[%multiple_of3A_54, %dma_start3A] : memref<10000x128xf32, #tpu.memory_space<hbm>> -> memref<624x128xf32, #tpu.memory_space<hbm>>
        %dma_start3A_61 = arith.constant 0 : i32
        %dma_start3A_62 = tpu.memref_slice %arg10[%multiple_of3A_54, %dma_start3A_61] : memref<10016x128xf32, #tpu.memory_space<vmem_shared>> -> memref<624x128xf32, #tpu.memory_space<vmem_shared>>
        tpu.enqueue_dma source(%dma_start3A_62 : memref<624x128xf32, #tpu.memory_space<vmem_shared>>) target(%dma_start3A_60 : memref<624x128xf32, #tpu.memory_space<hbm>>) target_semaphore(%run_scoped3A : memref<!tpu.dma_semaphore, #tpu.memory_space<semaphore_mem>>)
        %dma_wait3A = arith.constant 0 : i32
        %dma_wait3A_63 = tpu.memref_slice %arg9[%multiple_of3A_54, %dma_wait3A] : memref<10000x128xf32, #tpu.memory_space<hbm>> -> memref<624x128xf32, #tpu.memory_space<hbm>>
        %dma_wait3A_64 = arith.constant 0 : i32
        %dma_wait3A_65 = tpu.memref_slice %arg10[%multiple_of3A_54, %dma_wait3A_64] : memref<10016x128xf32, #tpu.memory_space<vmem_shared>> -> memref<624x128xf32, #tpu.memory_space<vmem_shared>>
        tpu.wait_dma2 semaphore(%run_scoped3A : memref<!tpu.dma_semaphore, #tpu.memory_space<semaphore_mem>>) src(%dma_wait3A_65 : memref<624x128xf32, #tpu.memory_space<vmem_shared>>) dst(%dma_wait3A_63 : memref<624x128xf32, #tpu.memory_space<hbm>>)
        tpu.yield
      }) : () -> ()
      %eq3A_55 = arith.constant 15 : i32
      %eq3A_56 = arith.cmpi eq, %arg1, %eq3A_55 : i32
      %convert_element_type3A_57 = arith.extui %eq3A_56 : i1 to i32
      %cond3A_58 = arith.constant 0 : i32
      %cond3A_59 = arith.cmpi ne, %convert_element_type3A_57, %cond3A_58 : i32
      scf.if %cond3A_59 {
        "tpu.region"() ({
          %run_scoped3A = tpu.sem_alloc : memref<!tpu.dma_semaphore, #tpu.memory_space<semaphore_mem>>
          %dma_start3A = arith.constant 9984 : i32
          %dma_start3A_60 = arith.constant 0 : i32
          %dma_start3A_61 = tpu.memref_slice %arg9[%dma_start3A, %dma_start3A_60] : memref<10000x128xf32, #tpu.memory_space<hbm>> -> memref<16x128xf32, #tpu.memory_space<hbm>>
          %dma_start3A_62 = arith.constant 9984 : i32
          %dma_start3A_63 = arith.constant 0 : i32
          %dma_start3A_64 = tpu.memref_slice %arg10[%dma_start3A_62, %dma_start3A_63] : memref<10016x128xf32, #tpu.memory_space<vmem_shared>> -> memref<16x128xf32, #tpu.memory_space<vmem_shared>>
          tpu.enqueue_dma source(%dma_start3A_64 : memref<16x128xf32, #tpu.memory_space<vmem_shared>>) target(%dma_start3A_61 : memref<16x128xf32, #tpu.memory_space<hbm>>) target_semaphore(%run_scoped3A : memref<!tpu.dma_semaphore, #tpu.memory_space<semaphore_mem>>)
          %dma_wait3A = arith.constant 9984 : i32
          %dma_wait3A_65 = arith.constant 0 : i32
          %dma_wait3A_66 = tpu.memref_slice %arg9[%dma_wait3A, %dma_wait3A_65] : memref<10000x128xf32, #tpu.memory_space<hbm>> -> memref<16x128xf32, #tpu.memory_space<hbm>>
          %dma_wait3A_67 = arith.constant 9984 : i32
          %dma_wait3A_68 = arith.constant 0 : i32
          %dma_wait3A_69 = tpu.memref_slice %arg10[%dma_wait3A_67, %dma_wait3A_68] : memref<10016x128xf32, #tpu.memory_space<vmem_shared>> -> memref<16x128xf32, #tpu.memory_space<vmem_shared>>
          tpu.wait_dma2 semaphore(%run_scoped3A : memref<!tpu.dma_semaphore, #tpu.memory_space<semaphore_mem>>) src(%dma_wait3A_69 : memref<16x128xf32, #tpu.memory_space<vmem_shared>>) dst(%dma_wait3A_66 : memref<16x128xf32, #tpu.memory_space<hbm>>)
          tpu.yield
        }) : () -> ()
      } else {
      }
    } else {
    }
    return
  }
}

module attributes {stable_mosaic.version = 14 : i64} {
  func.func @_self_body(%arg0: i32, %arg1: memref<2000x128xf32, #tpu.memory_space<vmem>>, %arg2: memref<2000x128xf32, #tpu.memory_space<vmem>>, %arg3: memref<128x128xf32, #tpu.memory_space<vmem>>, %arg4: memref<128x128xf32, #tpu.memory_space<vmem>>, %arg5: memref<2000x128xf32, #tpu.memory_space<vmem>>, %arg6: memref<2000x128xf32, #tpu.memory_space<vmem>>) attributes {dimension_semantics = [#tpu.dimension_semantics<arbitrary>], iteration_bounds = array<i64: 5>, scalar_prefetch = 0 : i64, scratch_operands = 0 : i64, tpu.core_type = #tpu.core_type<tc>, window_params = [{transform_indices = @transform_0, window_bounds = array<i64: 2000, 128>}, {transform_indices = @transform_1, window_bounds = array<i64: 2000, 128>}, {pipeline_mode = #tpu.pipeline_mode<synchronous>, transform_indices = @transform_2, window_bounds = array<i64: 128, 128>}, {pipeline_mode = #tpu.pipeline_mode<synchronous>, transform_indices = @transform_3, window_bounds = array<i64: 128, 128>}, {transform_indices = @transform_4, window_bounds = array<i64: 2000, 128>}, {transform_indices = @transform_5, window_bounds = array<i64: 2000, 128>}]} {
    %get3A = arith.constant 0 : index
    %get3A_0 = arith.constant 0 : index
    %get3A_1 = vector.load %arg1[%get3A, %get3A_0] : memref<2000x128xf32, #tpu.memory_space<vmem>>, vector<2000x128xf32>
    %get3A_2 = arith.constant 0 : index
    %get3A_3 = arith.constant 0 : index
    %get3A_4 = vector.load %arg3[%get3A_2, %get3A_3] : memref<128x128xf32, #tpu.memory_space<vmem>>, vector<128x128xf32>
    %dot_general3A = arith.constant dense<0.000000e+00> : vector<2000x128xf32>
    %dot_general3A_5 = tpu.matmul %get3A_1, %get3A_4, %dot_general3A {dimension_numbers = #tpu.dot_dimension_numbers<[1], [0], [0], [1], [0, 0, 1, 1], [], []>, transpose_lhs_hint = false} : vector<2000x128xf32>, vector<128x128xf32>, vector<2000x128xf32> -> vector<2000x128xf32>
    %swap3A = arith.constant 0 : index
    %swap3A_6 = arith.constant 0 : index
    %swap3A_7 = vector.load %arg5[%swap3A, %swap3A_6] : memref<2000x128xf32, #tpu.memory_space<vmem>>, vector<2000x128xf32>
    tpu.vector_store %arg5[%swap3A, %swap3A_6], %dot_general3A_5 {strides = array<i32>} : memref<2000x128xf32, #tpu.memory_space<vmem>>, vector<2000x128xf32>,
    %get3A_8 = arith.constant 0 : index
    %get3A_9 = arith.constant 0 : index
    %get3A_10 = vector.load %arg2[%get3A_8, %get3A_9] : memref<2000x128xf32, #tpu.memory_space<vmem>>, vector<2000x128xf32>
    %get3A_11 = arith.constant 0 : index
    %get3A_12 = arith.constant 0 : index
    %get3A_13 = vector.load %arg4[%get3A_11, %get3A_12] : memref<128x128xf32, #tpu.memory_space<vmem>>, vector<128x128xf32>
    %dot_general3A_14 = arith.constant dense<0.000000e+00> : vector<2000x128xf32>
    %dot_general3A_15 = tpu.matmul %get3A_10, %get3A_13, %dot_general3A_14 {dimension_numbers = #tpu.dot_dimension_numbers<[1], [0], [0], [1], [0, 0, 1, 1], [], []>, transpose_lhs_hint = false} : vector<2000x128xf32>, vector<128x128xf32>, vector<2000x128xf32> -> vector<2000x128xf32>
    %swap3A_16 = arith.constant 0 : index
    %swap3A_17 = arith.constant 0 : index
    %swap3A_18 = vector.load %arg6[%swap3A_16, %swap3A_17] : memref<2000x128xf32, #tpu.memory_space<vmem>>, vector<2000x128xf32>
    tpu.vector_store %arg6[%swap3A_16, %swap3A_17], %dot_general3A_15 {strides = array<i32>} : memref<2000x128xf32, #tpu.memory_space<vmem>>, vector<2000x128xf32>,
    return
  }
  func.func @transform_0(%arg0: i32) -> (i32, i32) {
    %c0_i32 = arith.constant 0 : i32
    %c0_i32_0 = arith.constant 0 : i32
    return %arg0, %c0_i32 : i32, i32
  }
  func.func @transform_1(%arg0: i32) -> (i32, i32) {
    %c0_i32 = arith.constant 0 : i32
    %c0_i32_0 = arith.constant 0 : i32
    return %arg0, %c0_i32 : i32, i32
  }
  func.func @transform_2(%arg0: i32) -> (i32, i32) {
    %c0_i32 = arith.constant 0 : i32
    %c0_i32_0 = arith.constant 0 : i32
    %c0_i32_1 = arith.constant 0 : i32
    return %c0_i32, %c0_i32_0 : i32, i32
  }
  func.func @transform_3(%arg0: i32) -> (i32, i32) {
    %c0_i32 = arith.constant 0 : i32
    %c0_i32_0 = arith.constant 0 : i32
    %c0_i32_1 = arith.constant 0 : i32
    return %c0_i32, %c0_i32_0 : i32, i32
  }
  func.func @transform_4(%arg0: i32) -> (i32, i32) {
    %c0_i32 = arith.constant 0 : i32
    %c0_i32_0 = arith.constant 0 : i32
    return %arg0, %c0_i32 : i32, i32
  }
  func.func @transform_5(%arg0: i32) -> (i32, i32) {
    %c0_i32 = arith.constant 0 : i32
    %c0_i32_0 = arith.constant 0 : i32
    return %arg0, %c0_i32 : i32, i32
  }
}

module attributes {stable_mosaic.version = 14 : i64} {
  func.func @_dense_body(%arg0: i32, %arg1: memref<2000x128xf32, #tpu.memory_space<vmem>>, %arg2: memref<2000x128xf32, #tpu.memory_space<vmem>>, %arg3: memref<2000x128xf32, #tpu.memory_space<vmem>>, %arg4: memref<2000x128xf32, #tpu.memory_space<vmem>>, %arg5: memref<128x128xf32, #tpu.memory_space<vmem>>, %arg6: memref<128x128xf32, #tpu.memory_space<vmem>>, %arg7: memref<2000x128xf32, #tpu.memory_space<vmem>>, %arg8: memref<2000x128xf32, #tpu.memory_space<vmem>>) attributes {dimension_semantics = [#tpu.dimension_semantics<arbitrary>], iteration_bounds = array<i64: 5>, scalar_prefetch = 0 : i64, scratch_operands = 0 : i64, tpu.core_type = #tpu.core_type<tc>, window_params = [{transform_indices = @transform_0, window_bounds = array<i64: 2000, 128>}, {transform_indices = @transform_1, window_bounds = array<i64: 2000, 128>}, {transform_indices = @transform_2, window_bounds = array<i64: 2000, 128>}, {transform_indices = @transform_3, window_bounds = array<i64: 2000, 128>}, {pipeline_mode = #tpu.pipeline_mode<synchronous>, transform_indices = @transform_4, window_bounds = array<i64: 128, 128>}, {pipeline_mode = #tpu.pipeline_mode<synchronous>, transform_indices = @transform_5, window_bounds = array<i64: 128, 128>}, {transform_indices = @transform_6, window_bounds = array<i64: 2000, 128>}, {transform_indices = @transform_7, window_bounds = array<i64: 2000, 128>}]} {
    %get3A = arith.constant 0 : index
    %get3A_0 = arith.constant 0 : index
    %get3A_1 = vector.load %arg1[%get3A, %get3A_0] : memref<2000x128xf32, #tpu.memory_space<vmem>>, vector<2000x128xf32>
    %get3A_2 = arith.constant 0 : index
    %get3A_3 = arith.constant 0 : index
    %get3A_4 = vector.load %arg2[%get3A_2, %get3A_3] : memref<2000x128xf32, #tpu.memory_space<vmem>>, vector<2000x128xf32>
    %get3A_5 = arith.constant 0 : index
    %get3A_6 = arith.constant 0 : index
    %get3A_7 = vector.load %arg5[%get3A_5, %get3A_6] : memref<128x128xf32, #tpu.memory_space<vmem>>, vector<128x128xf32>
    %dot_general3A = arith.constant dense<0.000000e+00> : vector<2000x128xf32>
    %dot_general3A_8 = tpu.matmul %get3A_4, %get3A_7, %dot_general3A {dimension_numbers = #tpu.dot_dimension_numbers<[1], [0], [0], [1], [0, 0, 1, 1], [], []>, transpose_lhs_hint = false} : vector<2000x128xf32>, vector<128x128xf32>, vector<2000x128xf32> -> vector<2000x128xf32>
    %add3A = arith.addf %get3A_1, %dot_general3A_8 : vector<2000x128xf32>
    %max3A = arith.constant 0.000000e+00 : f32
    %max3A_9 = vector.broadcast %max3A : f32 to vector<2000x128xf32>
    %max3A_10 = arith.maximumf %add3A, %max3A_9 : vector<2000x128xf32>
    %swap3A = arith.constant 0 : index
    %swap3A_11 = arith.constant 0 : index
    %swap3A_12 = vector.load %arg7[%swap3A, %swap3A_11] : memref<2000x128xf32, #tpu.memory_space<vmem>>, vector<2000x128xf32>
    tpu.vector_store %arg7[%swap3A, %swap3A_11], %max3A_10 {strides = array<i32>} : memref<2000x128xf32, #tpu.memory_space<vmem>>, vector<2000x128xf32>,
    %get3A_13 = arith.constant 0 : index
    %get3A_14 = arith.constant 0 : index
    %get3A_15 = vector.load %arg3[%get3A_13, %get3A_14] : memref<2000x128xf32, #tpu.memory_space<vmem>>, vector<2000x128xf32>
    %get3A_16 = arith.constant 0 : index
    %get3A_17 = arith.constant 0 : index
    %get3A_18 = vector.load %arg4[%get3A_16, %get3A_17] : memref<2000x128xf32, #tpu.memory_space<vmem>>, vector<2000x128xf32>
    %get3A_19 = arith.constant 0 : index
    %get3A_20 = arith.constant 0 : index
    %get3A_21 = vector.load %arg6[%get3A_19, %get3A_20] : memref<128x128xf32, #tpu.memory_space<vmem>>, vector<128x128xf32>
    %dot_general3A_22 = arith.constant dense<0.000000e+00> : vector<2000x128xf32>
    %dot_general3A_23 = tpu.matmul %get3A_18, %get3A_21, %dot_general3A_22 {dimension_numbers = #tpu.dot_dimension_numbers<[1], [0], [0], [1], [0, 0, 1, 1], [], []>, transpose_lhs_hint = false} : vector<2000x128xf32>, vector<128x128xf32>, vector<2000x128xf32> -> vector<2000x128xf32>
    %add3A_24 = arith.addf %get3A_15, %dot_general3A_23 : vector<2000x128xf32>
    %max3A_25 = arith.constant 0.000000e+00 : f32
    %max3A_26 = vector.broadcast %max3A_25 : f32 to vector<2000x128xf32>
    %max3A_27 = arith.maximumf %add3A_24, %max3A_26 : vector<2000x128xf32>
    %swap3A_28 = arith.constant 0 : index
    %swap3A_29 = arith.constant 0 : index
    %swap3A_30 = vector.load %arg8[%swap3A_28, %swap3A_29] : memref<2000x128xf32, #tpu.memory_space<vmem>>, vector<2000x128xf32>
    tpu.vector_store %arg8[%swap3A_28, %swap3A_29], %max3A_27 {strides = array<i32>} : memref<2000x128xf32, #tpu.memory_space<vmem>>, vector<2000x128xf32>,
    return
  }
  func.func @transform_0(%arg0: i32) -> (i32, i32) {
    %c0_i32 = arith.constant 0 : i32
    %c0_i32_0 = arith.constant 0 : i32
    return %arg0, %c0_i32 : i32, i32
  }
  func.func @transform_1(%arg0: i32) -> (i32, i32) {
    %c0_i32 = arith.constant 0 : i32
    %c0_i32_0 = arith.constant 0 : i32
    return %arg0, %c0_i32 : i32, i32
  }
  func.func @transform_2(%arg0: i32) -> (i32, i32) {
    %c0_i32 = arith.constant 0 : i32
    %c0_i32_0 = arith.constant 0 : i32
    return %arg0, %c0_i32 : i32, i32
  }
  func.func @transform_3(%arg0: i32) -> (i32, i32) {
    %c0_i32 = arith.constant 0 : i32
    %c0_i32_0 = arith.constant 0 : i32
    return %arg0, %c0_i32 : i32, i32
  }
  func.func @transform_4(%arg0: i32) -> (i32, i32) {
    %c0_i32 = arith.constant 0 : i32
    %c0_i32_0 = arith.constant 0 : i32
    %c0_i32_1 = arith.constant 0 : i32
    return %c0_i32, %c0_i32_0 : i32, i32
  }
  func.func @transform_5(%arg0: i32) -> (i32, i32) {
    %c0_i32 = arith.constant 0 : i32
    %c0_i32_0 = arith.constant 0 : i32
    %c0_i32_1 = arith.constant 0 : i32
    return %c0_i32, %c0_i32_0 : i32, i32
  }
  func.func @transform_6(%arg0: i32) -> (i32, i32) {
    %c0_i32 = arith.constant 0 : i32
    %c0_i32_0 = arith.constant 0 : i32
    return %arg0, %c0_i32 : i32, i32
  }
  func.func @transform_7(%arg0: i32) -> (i32, i32) {
    %c0_i32 = arith.constant 0 : i32
    %c0_i32_0 = arith.constant 0 : i32
    return %arg0, %c0_i32 : i32, i32
  }
}

</mosaic_0001>

<sc_bundles>
// kernel: kernel.5.cloned.1.call-start
scs
__scs_entry_jumppad:
0x0: {  	(pc) =	sbr.rel $0x88, $3  }
0x1: {  	(tag) =	ssettag $0x0;
	lr =	simm.s32 $0x1  }
0x2: {  	[smem:$0x3F97] =	sst lr;
	_ =	strace $0xD0000000  }
0x3: {  	_ = 	snop  }
0x4: {  	_ = 	snop  }
0x5: {  	_ = 	snop  }
0x6: {  	_ = 	snop  }
0x7: {  	_ = 	snop  }
__scs_overlays_trampoline_lowered:
0x8: {  	[smem:$0x3FA6] =	sst s0  }
0x9: {  	[smem:$0x3FA7] =	sst s1  }
0xa: {  	[smem:$0x3FA8] =	sst s2  }
0xb: {  	[smem:$0x3FA9] =	sst s3  }
0xc: {  	[smem:$0x3FAA] =	sst s4  }
0xd: {  	[smem:$0x3FAB] =	sst s5  }
0xe: {  	[smem:$0x3FAC] =	sst s6  }
0xf: {  	[smem:$0x3FAD] =	sst s7  }
0x10: {  	[smem:$0x3FAE] =	sst s8  }
0x11: {  	[smem:$0x3FAF] =	sst s9;
	s0 =	simm.s32 @!p0 $0x0  }
0x12: {  	s1 =	sld [smem:$0x3F95];
	s0 =	simm.s32 @p0 $0x1  }
0x13: {  	[smem:$0x3FB0] =	sst s0;
	s0 =	simm.s32 @!p1 $0x0  }
0x14: {  	s2 =	sld [smem:$0x3F94];
	s0 =	simm.s32 @p1 $0x1  }
0x15: {  	[smem:$0x3FB1] =	sst s0;
	s0 =	simm.s32 @!p2 $0x0  }
0x16: {  	s3 =	sld [smem:$0x3FDB];
	s0 =	simm.s32 @p2 $0x1  }
0x17: {  	s4 =	simm.s32 $0x1BF5;
	[smem:$0x3FB3] =	sst s0  }
0x18: {  	s0 =	sld [smem:$0x3F96];
	_ =	swait.ge [sflag:s4], $0x0  }
0x19: {  	s7 =	sld [smem:$0x3F97]  }
0x1a: {  	s8 =	sadd.s32 $0xFFFFE003, lr  }
0x1b: {  	s9 =	sadd.s32 $0xFFFFFEF7, lr;
	s5 =	simm.s32 $0xFFFFFFFF;
	p2 =	slt.u32 s8, $0xFFFFF086  }
0x1c: {  	p1 =	slt.u32 s9, $0xF7A;
	s5 =	simm.s32 @!p2 $0x0  }
0x1d: {  	s5 =	simm.s32 @p1 $0x1;
	p0 =	seq.s32 s7, s2  }
0x1e: {  	s7 =	smul.u32 @!p0 $0xF7A, s2;
	p2 =	seq.s32 @!p0 s5, $0x0  }
0x1f: {  	s9 =	smul.u32 $0xF7A, s1;
	s8 =	simm.s32 @!p0 $0x1BF5;
	p2 =	por !p2, p0  }
0x20: {  	[sflag:s8] =	ssyncset.s32 @!p0 $0xFFFFF086;
	s6 =	sadd.s32 @!p0 s3, s7;
	s7 =	simm.s32 @!p0 $0x108  }
0x21: {  	s3 =	sadd.s32 s3, s9;
	s6 =	sadd.s32 @!p0 $0x88, s6;
	s7 =	simm.s32 @p2 $0x1082  }
0x22: {  	[simem:s7], [sflag:s8] =	dma.local @!p0 [hbm:s6], $0xF7A  }
0x23: {  	s9 =	sor.u32 $0xD0000000, s2;
	s6 =	simm.s32 $0x108;
	_ =	swait.ge @!p0 [sflag:s8], $0x0  }
0x24: {  	s3 =	sadd.s32 $0x88, s3;
	s6 =	simm.s32 @!p1 $0x1082;
	[sflag:s4] =	ssyncset.s32 $0xFFFFF086  }
0x25: {  	[simem:s6], [sflag:s4] =	dma.local [hbm:s3], $0xF7A  }
0x26: {  	[smem:$0x3F97] =	sst s1;
	(tag) =	ssettag s2;
	_ =	strace s9  }
0x27: {  	s1 =	sld [smem:$0x3FA7]  }
0x28: {  	s2 =	sld [smem:$0x3FA8]  }
0x29: {  	s4 =	sld [smem:$0x3FAA]  }
0x2a: {  	p0 =	seq.s32 s5, $0x0;
	s5 =	sld [smem:$0x3FAB]  }
0x2b: {  	s6 =	sld [smem:$0x3FAC]  }
0x2c: {  	s7 =	sld [smem:$0x3FAD]  }
0x2d: {  	s3 =	simm.s32 $0x108;
	s8 =	sld [smem:$0x3FAE]  }
0x2e: {  	s3 =	simm.s32 @!p0 $0x1082;
	s9 =	sld [smem:$0x3FAF]  }
0x2f: {  	lr =	sadd.s32 s0, s3;
	s0 =	sld [smem:$0x3FA6]  }
0x30: {  	s3 =	sld [smem:$0x3FA9]  }
0x31: {  	[smem:$0x3FB2] =	sst s10  }
0x32: {  	s10 =	sld [smem:$0x3FB0];
	_ =	sdelay $0x3  }
0x33: {  	p0 =	seq.s32 s10, $0x1;
	s10 =	sld [smem:$0x3FB2];
	_ =	sdelay $0x3  }
0x34: {  	[smem:$0x3FB2] =	sst s10  }
0x35: {  	s10 =	sld [smem:$0x3FB1];
	_ =	sdelay $0x3  }
0x36: {  	p1 =	seq.s32 s10, $0x1;
	s10 =	sld [smem:$0x3FB2];
	_ =	sdelay $0x3  }
0x37: {  	[smem:$0x3FB2] =	sst s10  }
0x38: {  	s10 =	sld [smem:$0x3FB3]  }
0x39: {  	_ = 	snop;
	(pc) =	sbr.ind lr, $3  }
0x3a: {  	_ = 	snop  }
0x3b: {  	_ = 	snop  }
0x3c: {  	p2 =	seq.s32 s10, $0x1;
	s10 =	sld [smem:$0x3FB2]  }
0x3d: {  	_ =	shalt  }
0x3e: {  	_ =	shalt  }
0x3f: {  	_ =	shalt  }
0x40: {  	_ =	shalt  }
0x41: {  	_ =	shalt  }
0x42: {  	_ =	shalt  }
0x43: {  	_ =	shalt  }
0x44: {  	_ =	shalt  }
0x45: {  	_ =	shalt  }
0x46: {  	_ =	shalt  }
0x47: {  	_ =	shalt  }
0x48: {  	_ =	shalt  }
0x49: {  	_ =	shalt  }
0x4a: {  	_ =	shalt  }
0x4b: {  	_ =	shalt  }
0x4c: {  	_ =	shalt  }
0x4d: {  	_ =	shalt  }
0x4e: {  	_ =	shalt  }
0x4f: {  	_ =	shalt  }
0x50: {  	_ =	shalt  }
0x51: {  	_ =	shalt  }
0x52: {  	_ =	shalt  }
0x53: {  	_ =	shalt  }
0x54: {  	_ =	shalt  }
0x55: {  	_ =	shalt  }
0x56: {  	_ =	shalt  }
0x57: {  	_ =	shalt  }
0x58: {  	_ =	shalt  }
0x59: {  	_ =	shalt  }
0x5a: {  	_ =	shalt  }
0x5b: {  	_ =	shalt  }
0x5c: {  	_ =	shalt  }
0x5d: {  	_ =	shalt  }
0x5e: {  	_ =	shalt  }
0x5f: {  	_ =	shalt  }
0x60: {  	_ =	shalt  }
0x61: {  	_ =	shalt  }
0x62: {  	_ =	shalt  }
0x63: {  	_ =	shalt  }
0x64: {  	_ =	shalt  }
0x65: {  	_ =	shalt  }
0x66: {  	_ =	shalt  }
0x67: {  	_ =	shalt  }
0x68: {  	_ =	shalt  }
0x69: {  	_ =	shalt  }
0x6a: {  	_ =	shalt  }
0x6b: {  	_ =	shalt  }
0x6c: {  	_ =	shalt  }
0x6d: {  	_ =	shalt  }
0x6e: {  	_ =	shalt  }
0x6f: {  	_ =	shalt  }
0x70: {  	_ =	shalt  }
0x71: {  	_ =	shalt  }
0x72: {  	_ =	shalt  }
0x73: {  	_ =	shalt  }
0x74: {  	_ =	shalt  }
0x75: {  	_ =	shalt  }
0x76: {  	_ =	shalt  }
0x77: {  	_ =	shalt  }
0x78: {  	_ =	shalt  }
0x79: {  	_ =	shalt  }
0x7a: {  	_ =	shalt  }
0x7b: {  	_ =	shalt  }
0x7c: {  	_ =	shalt  }
0x7d: {  	_ =	shalt  }
0x7e: {  	_ =	shalt  }
0x7f: {  	_ =	shalt  }
0x80: {  	_ =	shalt  }
0x81: {  	_ =	shalt  }
0x82: {  	_ =	shalt  }
0x83: {  	_ =	shalt  }
0x84: {  	_ =	shalt  }
0x85: {  	_ =	shalt  }
0x86: {  	_ =	shalt  }
0x87: {  	_ =	shalt  }
.Lfunc_end0:
.L_simem_size_0:
called_computation_lowered:
.L_overlay_start_0:
0x88: {  	s2 =	sld [smem:$0x3FD9]  }
0x89: {  	s3 =	sld [smem:$0x3FFE];
	_ =	sdelay $0x1  }
0x8a: {  	s1 =	srdreg.scid  }
0x8b: {  	s0 =	sand.u32 $0x1, s1  }
0x8c: {  	s14 =	sshll.u32 s0, $0xA;
	s2 =	sadd.s32 s3, s2  }
0x8d: {  	s2 =	sadd.s32 s2, s14  }
0x8e: {  	[smem:$0x3FBE] =	sst s2  }
0x8f: {  	_ = 	snop  }
0x90: {  	s2 =	sld [smem:$0x3FD0];
	_ =	sdelay $0x1  }
0x91: {  	s15 =	sld [smem:$0x3FC7]  }
0x92: {  	s5 =	simm.s32 $0xA;
	s6 =	simm.s32 $0x10;
	s4 =	sld [smem:$0x3FC6]  }
0x93: {  	[smem:s6], [sflag:s5] =	dma.local [hbm:s2], $0x1  }
0x94: {  	_ =	swait.eq [sflag:s5], $0x1  }
0x95: {  	[sflag:s5] =	ssyncset.done $0x0  }
0x96: {  	s16 =	sld [smem:$0x10];
	[sflag:s5] =	ssyncadd.s32 $0xFFFFFFFF  }
0x97: {  	s17 =	sld [smem:$0x11];
	(tm) =	ssettm $0x1  }
0x98: {  	s18 =	sld [smem:$0x3FFB];
	_ =	sdelay $0x3  }
0x99: {  	_ =	strace s18  }
0x9a: {  	s6 =	sld [smem:$0x3FFC];
	_ =	sdelay $0x3  }
0x9b: {  	_ =	strace s6  }
0x9c: {  	s6 =	sld [smem:$0x3FFD];
	_ =	sdelay $0x3  }
0x9d: {  	_ =	strace s6  }
0x9e: {  	_ =	strace $0x8FFFFFFF  }
0x9f: {  	s19 =	sld [smem:$0x3FDB];
	_ =	sdelay $0x1  }
0xa0: {  	s7 =	simm.s32 $_scs_section_size  }
0xa1: {  	s8 =	simm.s32 $_size__tile_overlayer_lowered;
	s9 =	simm.s32 $_tile_overlayer_lowered  }
0xa2: {  	s22 =	simm.s32 $0x1BFF;
	s21 =	sshll.u32 s9, $0x1;
	s6 =	sadd.s32 s7, s19  }
0xa3: {  	s10 =	simm.s32 $0x0;
	s20 =	sshll.u32 s8, $0x1;
	s8 =	sadd.s32 s21, s6  }
0xa4: {  	[timem:s10], [sflag:s22] =	dma.local [hbm:s8], s20  }
0xa5: {  	_ =	swait.ge [sflag:s22], s20  }
0xa6: {  	s7 =	ssub.s32 $0x0, s20;
	[sflag:s22] =	ssyncset.done $0x0  }
0xa7: {  	[sflag:s22] =	ssyncadd.s32 s7;
	_ =	sdelay $0x1  }
0xa8: {  	s23 =	simm.s32 $0x1B8B  }
0xa9: {  	_ =	swait.ge [sflag:s23], $0x1  }
0xaa: {  	[sflag:s23] =	ssyncset.done $0x0  }
0xab: {  	s25 =	simm.s32 $0x1B8E;
	s24 =	sld [smem:$0x3FFE];
	[sflag:s23] =	ssyncadd.s32 $0xFFFFFFFF  }
0xac: {  	s26 =	simm.s32 $execute0_lowered;
	[smem:$0x3FD2] =	sst s25  }
0xad: {  	s8 =	sshll.u32 s26, $0x1;
	_ =	strace $0x80000046;
	[dreg:$0x1] =	wrdreg $0xFFFFFFFF  }
0xae: {  	s28 =	simm.s32 $_size_execute0_lowered;
	s6 =	sadd.s32 s6, s8;
	[dreg:$0x0] =	wrdreg $0x0  }
0xaf: {  	s8 =	sshll.u32 s28, $0x1;
	[dreg:$0x2] =	wrdreg s6  }
0xb0: {  	[dreg:$0x3] =	wrdreg s8  }
0xb1: {  	[dreg:$0x4] =	wrdreg $0xC0  }
0xb2: {  	_ =	task [dreg:s10], $0x5FFFF  }
0xb3: {  	[dreg:$0x1] =	wrdreg $0xFFFFFFFF  }
0xb4: {  	[dreg:$0x0] =	wrdreg $0x60  }
0xb5: {  	[dreg:$0x2] =	wrdreg s15  }
0xb6: {  	[dreg:$0x3] =	wrdreg s4  }
0xb7: {  	[dreg:$0x4] =	wrdreg s24  }
0xb8: {  	[dreg:$0x5] =	wrdreg s17  }
0xb9: {  	[dreg:$0x6] =	wrdreg s16  }
0xba: {  	[dreg:$0x7] =	wrdreg $0x0  }
0xbb: {  	[dreg:$0x8] =	wrdreg $0x9  }
0xbc: {  	_ =	task.clear_ibuf [dreg:s10], $0x9FFFF;
	_ =	strace $0x90000046  }
0xbd: {  	s29 =	simm.s32 $0x9;
	_ =	strace $0x80000048  }
0xbe: {  	_ =	swait.ge [sflag:s29], $0x1  }
0xbf: {  	[sflag:s29] =	ssyncadd.s32 $0xFFFFFFFF  }
0xc0: {  	_ =	strace $0x90000048  }
0xc1: {  	_ =	sfence  }
0xc2: {  	s30 =	sld [smem:$0x0];
	_ =	sdelay $0x2  }
0xc3: {  	s31 =	sshll.u32 s1, $0xD;
	s1 =	sshrl.u32 s1, $0x2  }
0xc4: {  	s3 =	sand.u32 $0x4000, s31;
	s1 =	sadd.s32 s1, s30  }
0xc5: {  	s0 =	sor.u32 s3, s0;
	s1 =	sshll.u32 s1, $0x11  }
0xc6: {  	s0 =	sor.u32 s1, s0  }
0xc7: {  	s0 =	sadd.s32 $0x8F2B, s0  }
0xc8: {  	[sflag:s0] =	ssyncadd.remote.s32 $0x1  }
0xc9: {  	_ =	sfence.sel $0xFFFF  }
0xca: {  	[dreg:$0x0] =	wrdreg $0xFFFFFFFF;
	(pc) =	sbr.abs _section_cstart, $3  }
0xcb: {  	[dreg:$0x1] =	wrdreg $0xFFFFFFFF  }
0xcc: {  	_ =	task.clear_ibuf [dreg:s10], $0x2FFFF;
	_ =	strace $0x9FFFFFFF  }
0xcd: {  	(tm) =	ssettm $0x7FFFFFFF  }
tec
execute0_lowered:
.L_overlay_start_1:
0x0: {  	(tag) =	ssettag $0x1  }
0x1: {  	s0 =	rddreg [dreg:$0x0]  }
0x2: {  	s1 =	rddreg [dreg:$0x1]  }
0x3: {  	s2 =	rddreg [dreg:$0x2];
	s4 =	srdreg.scid  }
0x4: {  	s3 =	simm.s32 $0x0;
	s13 =	stileid.u32;
	s28 =	rddreg [dreg:$0x5]  }
0x5: {  	[smem:$0x7FF] =	sst s3;
	s4 =	sand.u32 $0x1, s4;
	s8 =	smul.u32 $0xA000, s13  }
0x6: {  	s5 =	sadd.s32 $0x1800, s2;
	s6 =	sadd.s32 $0x15800, s2;
	s7 =	ssub.s32 $0x2, s4  }
0x7: {  	s9 =	sadd.s32 $0x29800, s2;
	s10 =	sshrl.u32 s7, $0x1;
	s25 =	sshrl.u32 s8, $0x3  }
0x8: {  	s7 =	ssub.s32 s7, s10;
	s8 =	sadd.s32 s5, s25;
	s10 =	rddreg [dreg:$0x4]  }
0x9: {  	s2 =	sadd.s32 $0x3D800, s2;
	s26 =	sadd.s32 s6, s25;
	[dreg:$0x7] =	wrdreg s8  }
0xa: {  	p0 =	seq.s32 s4, $0x1;
	s20 =	sadd.s32 s9, s25;
	[dreg:$0x8] =	wrdreg s26  }
0xb: {  	s30 =	sadd.s32 $0x400, s25;
	s4 =	sadd.s32 s2, s25;
	[dreg:$0x11] =	wrdreg s20  }
0xc: {  	s11 =	sadd.s32 s5, s30;
	s12 =	sadd.s32 s6, s30;
	[dreg:$0x12] =	wrdreg s4  }
0xd: {  	s21 =	sadd.s32 s9, s30;
	s22 =	sadd.s32 s2, s30;
	s30 =	rddreg [dreg:$0x3]  }
0xe: {  	s14 =	sadd.s32 $0x800, s25;
	[dreg:$0x9] =	wrdreg s11  }
0xf: {  	s16 =	sadd.s32 $0xC00, s25;
	s15 =	sadd.s32 s6, s14;
	[dreg:$0xa] =	wrdreg s12  }
0x10: {  	s18 =	sadd.s32 $0x1000, s25;
	s17 =	sadd.s32 s6, s16;
	[dreg:$0xc] =	wrdreg s15  }
0x11: {  	s19 =	sadd.s32 s6, s18;
	[dreg:$0xe] =	wrdreg s17  }
0x12: {  	[dreg:$0x10] =	wrdreg s19  }
0x13: {  	[dreg:$0x13] =	wrdreg s21  }
0x14: {  	s31 =	simm.s32 $0x1;
	s23 =	sadd.s32 s9, s14;
	[dreg:$0x14] =	wrdreg s22  }
0x15: {  	p1 =	sne.s32 s13, $0xF;
	s24 =	sadd.s32 s2, s14;
	[dreg:$0x15] =	wrdreg s23  }
0x16: {  	p2 =	seq.s32 s13, $0xF;
	s25 =	sadd.s32 s9, s16;
	[dreg:$0x16] =	wrdreg s24  }
0x17: {  	s26 =	sadd.s32 s2, s16;
	s8 =	smul.u32 $0x4E400, s13;
	[dreg:$0x17] =	wrdreg s25  }
0x18: {  	s9 =	sadd.s32 s9, s18;
	s2 =	sadd.s32 s2, s18;
	[dreg:$0x18] =	wrdreg s26  }
0x19: {  	s20 =	sadd.s32 $0x138000, s28;
	s11 =	sadd.s32 s5, s14;
	[dreg:$0x19] =	wrdreg s9  }
0x1a: {  	s12 =	sadd.s32 s5, s16;
	s5 =	sadd.s32 s5, s18;
	[dreg:$0x1a] =	wrdreg s2  }
0x1b: {  	s16 =	smul.u32 $0x2700, s13;
	s21 =	smax.u32 s7, $0x1;
	[dreg:$0xb] =	wrdreg s11  }
0x1c: {  	s2 =	sshrl.u32 s20, $0x3;
	s20 =	simm.s32 $0x13A00;
	[dreg:$0xd] =	wrdreg s12  }
0x1d: {  	[dreg:$0xf] =	wrdreg s5;
	s11 =	smul.u32 $0x4E000, s13;
	s14 =	sshrl.u32 s8, $0x2  }
0x1e: {  	s13 =	simm.s32 $0x17900;
	_ =	strace $0x80000047;
	s29 =	sadd.s32 s14, s28  }
0x1f: {  	s18 =	sadd.s32 s30, s16;
	s19 =	sadd.s32 s10, s16;
	[dreg:$0x1e] =	wrdreg s21  }
0x20: {  	[dreg:$0x1f] =	wrdreg s2;
	s14 =	simm.s32 $0x3;
	s16 =	simm.s32 $0x15900  }
0x21: {  	s21 =	simm.s32 $0x1B900;
	s15 =	sshrl.u32 s11, $0x2;
	[dreg:$0x1c] =	wrdreg s18  }
0x22: {  	[dreg:$0x1d] =	wrdreg s19;
	s22 =	sadd.s32 $0x12000, s29;
	s23 =	sadd.s32 $0x2000, s29  }
0x23: {  	s24 =	sadd.s32 $0x4000, s29;
	s25 =	sadd.s32 $0x6000, s29;
	[smem:$0x7F8] =	sst s22  }
0x24: {  	s26 =	sadd.s32 $0x8000, s29;
	s30 =	sadd.s32 $0xA000, s29;
	[smem:$0x7F9] =	sst s23  }
0x25: {  	s10 =	sadd.s32 $0xC000, s29;
	s11 =	sadd.s32 $0xE000, s29;
	[smem:$0x7FA] =	sst s24  }
.Ltmp0:
0x26: {  	s12 =	sadd.s32 $0x10000, s29;
	[smem:$0x7FB] =	sst s25;
	(pc) =	sbr.rel .LBB2_1-.Ltmp0, $4  }
0x27: {  	s18 =	simm.s32 $0x13980;
	s19 =	simm.s32 $0x19900;
	[smem:$0x7FC] =	sst s26  }
0x28: {  	s17 =	sadd.s32 s15, s28;
	[smem:$0x7FD] =	sst s30;
	s15 =	simm.s32 $0x13900  }
0x29: {  	s23 =	simm.s32 $0x13A80;
	s26 =	simm.s32 $0x1D900;
	s24 =	simm.s32 $0x2  }
0x2a: {  	v0 =	vimm.f32 $0.0e+00;
	s25 =	simm.s32 $0x0;
	[dreg:$0x1b] =	wrdreg s17;
	s17 =	simm.s32 $0x40  }
.LBB2_26:
0x2b: {  	s4 =	sadd.s32 $0x27000, s4;
	s5 =	rddreg [dreg:$0x1f]  }
0x2c: {  	[hbm:s4], [sflag:s2] =	dma.local [spmem:s5], $0x100  }
0x2d: {  	_ =	swait.ge [sflag:s14], $0x100  }
0x2e: {  	[sflag:s14] =	ssyncset.done $0x0  }
0x2f: {  	[sflag:s14] =	ssyncadd.s32 $0xFFFFFF00  }
.LBB2_27:
0x30: {  	s25 =	sadd.s32 $0x1, s25;
	s2 =	rddreg [dreg:$0x1e]  }
0x31: {  	p3 =	sne.s32 s25, s2  }
.Ltmp1:
0x32: {  	_ = 	snop;
	(pc) =	sbr.rel @!p3 .LBB2_28-.Ltmp1, $1  }
0x33: {  	_ =	sdelay $0x3  }
.LBB2_1:
.Ltmp2:
0x34: {  	(pc) =	sbr.rel @!p0 .LBB2_2-.Ltmp2, $2  }
0x35: {  	_ =	sdelay $0x2  }
0x36: {  	s2 =	sshra.s32 s3, $0x2;
	s4 =	sadd.s32 $0x200, s3  }
.LBB2_14:
0x37: {  	p3 =	sne.s32 s4, $0x7E00;
	[tilespmem:s2+$0x17970] =	vst v0  }
0x38: {  	[tilespmem:s2+$0x17900] =	vst v0  }
0x39: {  	[tilespmem:s2+$0x17910] =	vst v0  }
.Ltmp3:
0x3a: {  	[tilespmem:s2+$0x17920] =	vst v0;
	(pc) =	sbr.rel @p3 .LBB2_14-.Ltmp3, $4  }
0x3b: {  	[tilespmem:s2+$0x17930] =	vst v0  }
0x3c: {  	[tilespmem:s2+$0x17940] =	vst v0  }
0x3d: {  	[tilespmem:s2+$0x17950] =	vst v0  }
0x3e: {  	[tilespmem:s2+$0x17960] =	vst v0;
	s2 =	sshra.s32 s4, $0x2;
	s4 =	sadd.s32 $0x200, s4  }
0x3f: {  	[tilespmem:s2+$0x17970] =	vst v0  }
0x40: {  	[tilespmem:s2+$0x17900] =	vst v0  }
0x41: {  	[tilespmem:s2+$0x17910] =	vst v0  }
0x42: {  	[tilespmem:s2+$0x17920] =	vst v0  }
0x43: {  	[tilespmem:s2+$0x17930] =	vst v0  }
0x44: {  	[tilespmem:s2+$0x17940] =	vst v0  }
0x45: {  	[tilespmem:s2+$0x17950] =	vst v0  }
0x46: {  	[tilespmem:s2+$0x17960] =	vst v0  }
0x47: {  	[spmem:s29] =	stream.linear.scatter [tilespmem:s13], [sflag:$0x3], $0x2000, $0x38;
	[tilespmem:$0x1F900] =	vst v63  }
0x48: {  	_ =	swait.ge [sflag:s14], $0x2000  }
0x49: {  	s7 =	sld [smem:$0x7F9]  }
0x4a: {  	[sflag:s14] =	ssyncset.done $0x0  }
0x4b: {  	[sflag:s14] =	ssyncadd.s32 $0xFFFFE000  }
0x4c: {  	[spmem:s7] =	stream.linear.scatter [tilespmem:s13], [sflag:$0x3], $0x2000, $0x38;
	[tilespmem:$0x1F900] =	vst v63  }
0x4d: {  	_ =	swait.ge [sflag:s14], $0x2000  }
0x4e: {  	s8 =	sld [smem:$0x7FA]  }
0x4f: {  	[sflag:s14] =	ssyncset.done $0x0  }
0x50: {  	[sflag:s14] =	ssyncadd.s32 $0xFFFFE000  }
0x51: {  	[spmem:s8] =	stream.linear.scatter [tilespmem:s13], [sflag:$0x3], $0x2000, $0x38;
	[tilespmem:$0x1F900] =	vst v63  }
0x52: {  	_ =	swait.ge [sflag:s14], $0x2000  }
0x53: {  	s9 =	sld [smem:$0x7FB]  }
0x54: {  	[sflag:s14] =	ssyncset.done $0x0  }
0x55: {  	[sflag:s14] =	ssyncadd.s32 $0xFFFFE000  }
0x56: {  	[spmem:s9] =	stream.linear.scatter [tilespmem:s13], [sflag:$0x3], $0x2000, $0x38;
	[tilespmem:$0x1F900] =	vst v63  }
0x57: {  	_ =	swait.ge [sflag:s14], $0x2000  }
0x58: {  	s22 =	sld [smem:$0x7FC]  }
0x59: {  	[sflag:s14] =	ssyncset.done $0x0  }
0x5a: {  	[sflag:s14] =	ssyncadd.s32 $0xFFFFE000  }
0x5b: {  	[spmem:s22] =	stream.linear.scatter [tilespmem:s13], [sflag:$0x3], $0x2000, $0x38;
	[tilespmem:$0x1F900] =	vst v63  }
0x5c: {  	_ =	swait.ge [sflag:s14], $0x2000  }
0x5d: {  	s4 =	sld [smem:$0x7FD]  }
0x5e: {  	[sflag:s14] =	ssyncset.done $0x0  }
0x5f: {  	[sflag:s14] =	ssyncadd.s32 $0xFFFFE000  }
0x60: {  	[spmem:s4] =	stream.linear.scatter [tilespmem:s13], [sflag:$0x3], $0x2000, $0x38;
	[tilespmem:$0x1F900] =	vst v63  }
0x61: {  	_ =	swait.ge [sflag:s14], $0x2000  }
0x62: {  	[sflag:s14] =	ssyncset.done $0x0  }
0x63: {  	[sflag:s14] =	ssyncadd.s32 $0xFFFFE000  }
0x64: {  	[spmem:s10] =	stream.linear.scatter [tilespmem:s13], [sflag:$0x3], $0x2000, $0x38;
	[tilespmem:$0x1F900] =	vst v63  }
0x65: {  	_ =	swait.ge [sflag:s14], $0x2000  }
0x66: {  	[sflag:s14] =	ssyncset.done $0x0  }
0x67: {  	[sflag:s14] =	ssyncadd.s32 $0xFFFFE000  }
0x68: {  	[spmem:s11] =	stream.linear.scatter [tilespmem:s13], [sflag:$0x3], $0x2000, $0x38;
	[tilespmem:$0x1F900] =	vst v63  }
0x69: {  	_ =	swait.ge [sflag:s14], $0x2000  }
0x6a: {  	[sflag:s14] =	ssyncset.done $0x0  }
0x6b: {  	[sflag:s14] =	ssyncadd.s32 $0xFFFFE000  }
0x6c: {  	[spmem:s12] =	stream.linear.scatter [tilespmem:s13], [sflag:$0x3], $0x2000, $0x38;
	[tilespmem:$0x1F900] =	vst v63  }
0x6d: {  	_ =	swait.ge [sflag:s14], $0x2000  }
0x6e: {  	s5 =	sld [smem:$0x7F8]  }
0x6f: {  	[sflag:s14] =	ssyncset.done $0x0  }
0x70: {  	[sflag:s14] =	ssyncadd.s32 $0xFFFFE000  }
0x71: {  	[spmem:s5] =	stream.linear.scatter [tilespmem:s13], [sflag:$0x3], $0x1900, $0x38;
	[tilespmem:$0x1F900] =	vst v63  }
0x72: {  	_ =	swait.ge [sflag:s14], $0x1900  }
0x73: {  	[sflag:s14] =	ssyncset.done $0x0  }
0x74: {  	[sflag:s14] =	ssyncadd.s32 $0xFFFFE700  }
0x75: {  	[bflag:$0x0] =	sbarrier.arrive $0xFFFF  }
0x76: {  	s6 =	rddreg [dreg:$0x11]  }
0x77: {  	[tilespmem:s15], [sflag:$0x3] =	stream.linear.gather [hbm4b:s6+s3], $0x2000, $0x38;
	[tilespmem:$0x1F900] =	vst v63  }
0x78: {  	_ =	swait.ge [sflag:s14], $0x2000  }
0x79: {  	[sflag:s14] =	ssyncset.done $0x0  }
0x7a: {  	s7 =	rddreg [dreg:$0x12];
	[sflag:s14] =	ssyncadd.s32 $0xFFFFE000  }
0x7b: {  	[tilespmem:s16], [sflag:$0x3] =	stream.linear.gather [hbm4b:s7+s3], $0x2000, $0x38;
	[tilespmem:$0x1F900] =	vst v63  }
0x7c: {  	_ =	swait.ge [sflag:s14], $0x2000  }
0x7d: {  	[sflag:s14] =	ssyncset.done $0x0  }
0x7e: {  	[sflag:s14] =	ssyncadd.s32 $0xFFFFE000  }
0x7f: {  	[tilespmem:s13], [sflag:$0x1] =	stream.indirect.gather [hbm4b:s1+s17], $0x80, s15, s17, $0xb8;
	[tilespmem:$0x1F900] =	vst v63  }
0x80: {  	_ = 	snop  }
0x81: {  	[tilespmem:s19], [sflag:$0x1] =	stream.indirect.gather [hbm4b:s1+s17], $0x80, s18, s17, $0xb8;
	[tilespmem:$0x1F900] =	vst v63  }
0x82: {  	_ = 	snop  }
0x83: {  	[tilespmem:s21], [sflag:$0x1] =	stream.indirect.gather [hbm4b:s1+s17], $0x80, s20, s17, $0xb8;
	[tilespmem:$0x1F900] =	vst v63  }
0x84: {  	_ = 	snop  }
0x85: {  	[tilespmem:s26], [sflag:$0x1] =	stream.indirect.gather [hbm4b:s1+s17], $0x80, s23, s17, $0xb8;
	[tilespmem:$0x1F900] =	vst v63  }
0x86: {  	p3 =	por $0x0, $0x0;
	s4 =	simm.s32 $0x20000;
	_ =	swait.ge [sflag:s31], $0x2000  }
0x87: {  	s4 =	sand.u32 @!p3 $0x18000, s4;
	[sflag:s31] =	ssyncset.done $0x0  }
0x88: {  	s4 =	sshrl.u32 @!p3 s4, $0x2;
	[sflag:s31] =	ssyncadd.s32 $0xFFFFE000  }
0x89: {  	[spmem:s28] =	stream.indirect.scatter.add.f32 [tilespmem:s13], [sflag:$0x2], $0x80, s16, s17, $0xb8;
	[tilespmem:$0x1F900] =	vst v63  }
0x8a: {  	s2 =	simm.s32 $0x15980;
	s4 =	sadd.s32 @!p3 $0x17900, s4;
	_ =	swait.ge [sflag:s24], $0x2000  }
0x8b: {  	s5 =	simm.s32 $0x13B00;
	s6 =	simm.s32 $0x8000;
	[sflag:s24] =	ssyncset.done $0x0  }
0x8c: {  	s8 =	sand.u32 $0x18000, s6;
	s7 =	simm.s32 @!p3 $0x40;
	[sflag:s24] =	ssyncadd.s32 $0xFFFFE000  }
0x8d: {  	[tilespmem:s4], [sflag:$0x1] =	stream.indirect.gather @!p3 [hbm4b:s1+s7], $0x80, s5, s7, $0xb8;
	[tilespmem:$0x1F900] =	vst v63  }
0x8e: {  	s30 =	simm.s32 $0x5;
	s9 =	sshrl.u32 s8, $0x2;
	_ =	swait.ge [sflag:s31], $0x2000  }
0x8f: {  	s22 =	simm.s32 $0x13B80;
	s6 =	sadd.s32 $0x17900, s9;
	[sflag:s31] =	ssyncset.done $0x0  }
0x90: {  	s4 =	simm.s32 $0x15A00;
	s5 =	simm.s32 $0x28000;
	[sflag:s31] =	ssyncadd.s32 $0xFFFFE000  }
.LBB2_16:
0x91: {  	[spmem:s28] =	stream.indirect.scatter.add.f32 [tilespmem:s6], [sflag:$0x2], $0x80, s2, s17, $0xb8;
	[tilespmem:$0x1F900] =	vst v63  }
0x92: {  	s6 =	smov.u32 s22;
	s2 =	smov.u32 s4  }
0x93: {  	p3 =	sgt.u32 s30, $0x3F;
	s30 =	sadd.s32 $0x1, s30;
	s22 =	sadd.s32 $0x80, s22  }
0x94: {  	s8 =	sadd.s32 $0xFFFE8000, s5;
	s7 =	sand.u32 @!p3 $0x18000, s5;
	_ =	swait.ge [sflag:s24], $0x2000  }
0x95: {  	s9 =	simm.s32 @!p3 $0x40;
	s7 =	sshrl.u32 @!p3 s7, $0x2;
	[sflag:s24] =	ssyncset.done $0x0  }
0x96: {  	s7 =	sadd.s32 @!p3 $0x17900, s7;
	[sflag:s24] =	ssyncadd.s32 $0xFFFFE000  }
0x97: {  	[tilespmem:s7], [sflag:$0x1] =	stream.indirect.gather @!p3 [hbm4b:s1+s9], $0x80, s6, s9, $0xb8;
	[tilespmem:$0x1F900] =	vst v63  }
0x98: {  	p3 =	sne.s32 s30, $0x43  }
.Ltmp4:
0x99: {  	_ = 	snop;
	(pc) =	sbr.rel @p3 .LBB2_16-.Ltmp4, $4  }
0x9a: {  	_ = 	snop  }
0x9b: {  	s6 =	sand.u32 $0x18000, s8;
	_ =	swait.ge [sflag:s31], $0x2000  }
0x9c: {  	s4 =	sadd.s32 $0x80, s4;
	s6 =	sshrl.u32 s6, $0x2;
	[sflag:s31] =	ssyncset.done $0x0  }
0x9d: {  	s5 =	sadd.s32 $0x8000, s5;
	s6 =	sadd.s32 $0x17900, s6;
	[sflag:s31] =	ssyncadd.s32 $0xFFFFE000  }
0x9e: {  	[spmem:s28] =	stream.indirect.scatter.add.f32 [tilespmem:s6], [sflag:$0x2], $0x80, s2, s17, $0xb8;
	[tilespmem:$0x1F900] =	vst v63  }
0x9f: {  	_ =	swait.ge [sflag:s24], $0x2000  }
0xa0: {  	[sflag:s24] =	ssyncset.done $0x0  }
0xa1: {  	s7 =	rddreg [dreg:$0x13];
	[sflag:s24] =	ssyncadd.s32 $0xFFFFE000  }
0xa2: {  	[tilespmem:s15], [sflag:$0x3] =	stream.linear.gather [hbm4b:s7+s3], $0x2000, $0x38;
	[tilespmem:$0x1F900] =	vst v63  }
0xa3: {  	_ =	swait.ge [sflag:s14], $0x2000  }
0xa4: {  	[sflag:s14] =	ssyncset.done $0x0  }
0xa5: {  	s8 =	rddreg [dreg:$0x14];
	[sflag:s14] =	ssyncadd.s32 $0xFFFFE000  }
0xa6: {  	[tilespmem:s16], [sflag:$0x3] =	stream.linear.gather [hbm4b:s8+s3], $0x2000, $0x38;
	[tilespmem:$0x1F900] =	vst v63  }
0xa7: {  	_ =	swait.ge [sflag:s14], $0x2000  }
0xa8: {  	[sflag:s14] =	ssyncset.done $0x0  }
0xa9: {  	[sflag:s14] =	ssyncadd.s32 $0xFFFFE000  }
0xaa: {  	[tilespmem:s13], [sflag:$0x1] =	stream.indirect.gather [hbm4b:s1+s17], $0x80, s15, s17, $0xb8;
	[tilespmem:$0x1F900] =	vst v63  }
0xab: {  	_ = 	snop  }
0xac: {  	[tilespmem:s19], [sflag:$0x1] =	stream.indirect.gather [hbm4b:s1+s17], $0x80, s18, s17, $0xb8;
	[tilespmem:$0x1F900] =	vst v63  }
0xad: {  	_ = 	snop  }
0xae: {  	[tilespmem:s21], [sflag:$0x1] =	stream.indirect.gather [hbm4b:s1+s17], $0x80, s20, s17, $0xb8;
	[tilespmem:$0x1F900] =	vst v63  }
0xaf: {  	_ = 	snop  }
0xb0: {  	[tilespmem:s26], [sflag:$0x1] =	stream.indirect.gather [hbm4b:s1+s17], $0x80, s23, s17, $0xb8;
	[tilespmem:$0x1F900] =	vst v63  }
0xb1: {  	_ =	swait.ge [sflag:s31], $0x2000  }
0xb2: {  	s4 =	simm.s32 $0x20000;
	p3 =	por $0x0, $0x0;
	[sflag:s31] =	ssyncset.done $0x0  }
0xb3: {  	s2 =	simm.s32 $0x15980;
	s4 =	sand.u32 @!p3 $0x18000, s4;
	[sflag:s31] =	ssyncadd.s32 $0xFFFFE000  }
0xb4: {  	[spmem:s28] =	stream.indirect.scatter.add.f32 [tilespmem:s13], [sflag:$0x2], $0x80, s16, s17, $0xb8;
	[tilespmem:$0x1F900] =	vst v63  }
0xb5: {  	s5 =	simm.s32 $0x13B00;
	s4 =	sshrl.u32 @!p3 s4, $0x2;
	_ =	swait.ge [sflag:s24], $0x2000  }
0xb6: {  	s9 =	simm.s32 $0x8000;
	s4 =	sadd.s32 @!p3 $0x17900, s4;
	[sflag:s24] =	ssyncset.done $0x0  }
0xb7: {  	s7 =	simm.s32 @!p3 $0x40;
	s8 =	sand.u32 $0x18000, s9;
	[sflag:s24] =	ssyncadd.s32 $0xFFFFE000  }
0xb8: {  	[tilespmem:s4], [sflag:$0x1] =	stream.indirect.gather @!p3 [hbm4b:s1+s7], $0x80, s5, s7, $0xb8;
	[tilespmem:$0x1F900] =	vst v63  }
0xb9: {  	s30 =	simm.s32 $0x5;
	s9 =	sshrl.u32 s8, $0x2;
	_ =	swait.ge [sflag:s31], $0x2000  }
0xba: {  	s22 =	simm.s32 $0x13B80;
	s6 =	sadd.s32 $0x17900, s9;
	[sflag:s31] =	ssyncset.done $0x0  }
0xbb: {  	s4 =	simm.s32 $0x15A00;
	s5 =	simm.s32 $0x28000;
	[sflag:s31] =	ssyncadd.s32 $0xFFFFE000  }
.LBB2_18:
0xbc: {  	[spmem:s28] =	stream.indirect.scatter.add.f32 [tilespmem:s6], [sflag:$0x2], $0x80, s2, s17, $0xb8;
	[tilespmem:$0x1F900] =	vst v63  }
0xbd: {  	s6 =	smov.u32 s22;
	s2 =	smov.u32 s4  }
0xbe: {  	p3 =	sgt.u32 s30, $0x3F;
	s30 =	sadd.s32 $0x1, s30;
	s22 =	sadd.s32 $0x80, s22  }
0xbf: {  	s8 =	sadd.s32 $0xFFFE8000, s5;
	s7 =	sand.u32 @!p3 $0x18000, s5;
	_ =	swait.ge [sflag:s24], $0x2000  }
0xc0: {  	s9 =	simm.s32 @!p3 $0x40;
	s7 =	sshrl.u32 @!p3 s7, $0x2;
	[sflag:s24] =	ssyncset.done $0x0  }
0xc1: {  	s7 =	sadd.s32 @!p3 $0x17900, s7;
	[sflag:s24] =	ssyncadd.s32 $0xFFFFE000  }
0xc2: {  	[tilespmem:s7], [sflag:$0x1] =	stream.indirect.gather @!p3 [hbm4b:s1+s9], $0x80, s6, s9, $0xb8;
	[tilespmem:$0x1F900] =	vst v63  }
0xc3: {  	p3 =	sne.s32 s30, $0x43  }
.Ltmp5:
0xc4: {  	_ = 	snop;
	(pc) =	sbr.rel @p3 .LBB2_18-.Ltmp5, $4  }
0xc5: {  	_ = 	snop  }
0xc6: {  	s6 =	sand.u32 $0x18000, s8;
	_ =	swait.ge [sflag:s31], $0x2000  }
0xc7: {  	s4 =	sadd.s32 $0x80, s4;
	s6 =	sshrl.u32 s6, $0x2;
	[sflag:s31] =	ssyncset.done $0x0  }
0xc8: {  	s5 =	sadd.s32 $0x8000, s5;
	s6 =	sadd.s32 $0x17900, s6;
	[sflag:s31] =	ssyncadd.s32 $0xFFFFE000  }
0xc9: {  	[spmem:s28] =	stream.indirect.scatter.add.f32 [tilespmem:s6], [sflag:$0x2], $0x80, s2, s17, $0xb8;
	[tilespmem:$0x1F900] =	vst v63  }
0xca: {  	_ =	swait.ge [sflag:s24], $0x2000  }
0xcb: {  	[sflag:s24] =	ssyncset.done $0x0  }
0xcc: {  	s7 =	rddreg [dreg:$0x15];
	[sflag:s24] =	ssyncadd.s32 $0xFFFFE000  }
0xcd: {  	[tilespmem:s15], [sflag:$0x3] =	stream.linear.gather [hbm4b:s7+s3], $0x2000, $0x38;
	[tilespmem:$0x1F900] =	vst v63  }
0xce: {  	_ =	swait.ge [sflag:s14], $0x2000  }
0xcf: {  	[sflag:s14] =	ssyncset.done $0x0  }
0xd0: {  	s8 =	rddreg [dreg:$0x16];
	[sflag:s14] =	ssyncadd.s32 $0xFFFFE000  }
0xd1: {  	[tilespmem:s16], [sflag:$0x3] =	stream.linear.gather [hbm4b:s8+s3], $0x2000, $0x38;
	[tilespmem:$0x1F900] =	vst v63  }
0xd2: {  	_ =	swait.ge [sflag:s14], $0x2000  }
0xd3: {  	[sflag:s14] =	ssyncset.done $0x0  }
0xd4: {  	[sflag:s14] =	ssyncadd.s32 $0xFFFFE000  }
0xd5: {  	[tilespmem:s13], [sflag:$0x1] =	stream.indirect.gather [hbm4b:s1+s17], $0x80, s15, s17, $0xb8;
	[tilespmem:$0x1F900] =	vst v63  }
0xd6: {  	_ = 	snop  }
0xd7: {  	[tilespmem:s19], [sflag:$0x1] =	stream.indirect.gather [hbm4b:s1+s17], $0x80, s18, s17, $0xb8;
	[tilespmem:$0x1F900] =	vst v63  }
0xd8: {  	_ = 	snop  }
0xd9: {  	[tilespmem:s21], [sflag:$0x1] =	stream.indirect.gather [hbm4b:s1+s17], $0x80, s20, s17, $0xb8;
	[tilespmem:$0x1F900] =	vst v63  }
0xda: {  	_ = 	snop  }
0xdb: {  	[tilespmem:s26], [sflag:$0x1] =	stream.indirect.gather [hbm4b:s1+s17], $0x80, s23, s17, $0xb8;
	[tilespmem:$0x1F900] =	vst v63  }
0xdc: {  	_ =	swait.ge [sflag:s31], $0x2000  }
0xdd: {  	s4 =	simm.s32 $0x20000;
	p3 =	por $0x0, $0x0;
	[sflag:s31] =	ssyncset.done $0x0  }
0xde: {  	s2 =	simm.s32 $0x15980;
	s4 =	sand.u32 @!p3 $0x18000, s4;
	[sflag:s31] =	ssyncadd.s32 $0xFFFFE000  }
0xdf: {  	[spmem:s28] =	stream.indirect.scatter.add.f32 [tilespmem:s13], [sflag:$0x2], $0x80, s16, s17, $0xb8;
	[tilespmem:$0x1F900] =	vst v63  }
0xe0: {  	s5 =	simm.s32 $0x13B00;
	s4 =	sshrl.u32 @!p3 s4, $0x2;
	_ =	swait.ge [sflag:s24], $0x2000  }
0xe1: {  	s9 =	simm.s32 $0x8000;
	s4 =	sadd.s32 @!p3 $0x17900, s4;
	[sflag:s24] =	ssyncset.done $0x0  }
0xe2: {  	s7 =	simm.s32 @!p3 $0x40;
	s8 =	sand.u32 $0x18000, s9;
	[sflag:s24] =	ssyncadd.s32 $0xFFFFE000  }
0xe3: {  	[tilespmem:s4], [sflag:$0x1] =	stream.indirect.gather @!p3 [hbm4b:s1+s7], $0x80, s5, s7, $0xb8;
	[tilespmem:$0x1F900] =	vst v63  }
0xe4: {  	s30 =	simm.s32 $0x5;
	s9 =	sshrl.u32 s8, $0x2;
	_ =	swait.ge [sflag:s31], $0x2000  }
0xe5: {  	s22 =	simm.s32 $0x13B80;
	s6 =	sadd.s32 $0x17900, s9;
	[sflag:s31] =	ssyncset.done $0x0  }
0xe6: {  	s4 =	simm.s32 $0x15A00;
	s5 =	simm.s32 $0x28000;
	[sflag:s31] =	ssyncadd.s32 $0xFFFFE000  }
.LBB2_20:
0xe7: {  	[spmem:s28] =	stream.indirect.scatter.add.f32 [tilespmem:s6], [sflag:$0x2], $0x80, s2, s17, $0xb8;
	[tilespmem:$0x1F900] =	vst v63  }
0xe8: {  	s6 =	smov.u32 s22;
	s2 =	smov.u32 s4  }
0xe9: {  	p3 =	sgt.u32 s30, $0x3F;
	s30 =	sadd.s32 $0x1, s30;
	s22 =	sadd.s32 $0x80, s22  }
0xea: {  	s8 =	sadd.s32 $0xFFFE8000, s5;
	s7 =	sand.u32 @!p3 $0x18000, s5;
	_ =	swait.ge [sflag:s24], $0x2000  }
0xeb: {  	s9 =	simm.s32 @!p3 $0x40;
	s7 =	sshrl.u32 @!p3 s7, $0x2;
	[sflag:s24] =	ssyncset.done $0x0  }
0xec: {  	s7 =	sadd.s32 @!p3 $0x17900, s7;
	[sflag:s24] =	ssyncadd.s32 $0xFFFFE000  }
0xed: {  	[tilespmem:s7], [sflag:$0x1] =	stream.indirect.gather @!p3 [hbm4b:s1+s9], $0x80, s6, s9, $0xb8;
	[tilespmem:$0x1F900] =	vst v63  }
0xee: {  	p3 =	sne.s32 s30, $0x43  }
.Ltmp6:
0xef: {  	_ = 	snop;
	(pc) =	sbr.rel @p3 .LBB2_20-.Ltmp6, $4  }
0xf0: {  	_ = 	snop  }
0xf1: {  	s6 =	sand.u32 $0x18000, s8;
	_ =	swait.ge [sflag:s31], $0x2000  }
0xf2: {  	s4 =	sadd.s32 $0x80, s4;
	s6 =	sshrl.u32 s6, $0x2;
	[sflag:s31] =	ssyncset.done $0x0  }
0xf3: {  	s5 =	sadd.s32 $0x8000, s5;
	s6 =	sadd.s32 $0x17900, s6;
	[sflag:s31] =	ssyncadd.s32 $0xFFFFE000  }
0xf4: {  	[spmem:s28] =	stream.indirect.scatter.add.f32 [tilespmem:s6], [sflag:$0x2], $0x80, s2, s17, $0xb8;
	[tilespmem:$0x1F900] =	vst v63  }
0xf5: {  	_ =	swait.ge [sflag:s24], $0x2000  }
0xf6: {  	[sflag:s24] =	ssyncset.done $0x0  }
0xf7: {  	s7 =	rddreg [dreg:$0x17];
	[sflag:s24] =	ssyncadd.s32 $0xFFFFE000  }
0xf8: {  	[tilespmem:s15], [sflag:$0x3] =	stream.linear.gather [hbm4b:s7+s3], $0x2000, $0x38;
	[tilespmem:$0x1F900] =	vst v63  }
0xf9: {  	_ =	swait.ge [sflag:s14], $0x2000  }
0xfa: {  	[sflag:s14] =	ssyncset.done $0x0  }
0xfb: {  	s8 =	rddreg [dreg:$0x18];
	[sflag:s14] =	ssyncadd.s32 $0xFFFFE000  }
0xfc: {  	[tilespmem:s16], [sflag:$0x3] =	stream.linear.gather [hbm4b:s8+s3], $0x2000, $0x38;
	[tilespmem:$0x1F900] =	vst v63  }
0xfd: {  	_ =	swait.ge [sflag:s14], $0x2000  }
0xfe: {  	[sflag:s14] =	ssyncset.done $0x0  }
0xff: {  	[sflag:s14] =	ssyncadd.s32 $0xFFFFE000  }
0x100: {  	[tilespmem:s13], [sflag:$0x1] =	stream.indirect.gather [hbm4b:s1+s17], $0x80, s15, s17, $0xb8;
	[tilespmem:$0x1F900] =	vst v63  }
0x101: {  	_ = 	snop  }
0x102: {  	[tilespmem:s19], [sflag:$0x1] =	stream.indirect.gather [hbm4b:s1+s17], $0x80, s18, s17, $0xb8;
	[tilespmem:$0x1F900] =	vst v63  }
0x103: {  	_ = 	snop  }
0x104: {  	[tilespmem:s21], [sflag:$0x1] =	stream.indirect.gather [hbm4b:s1+s17], $0x80, s20, s17, $0xb8;
	[tilespmem:$0x1F900] =	vst v63  }
0x105: {  	_ = 	snop  }
0x106: {  	[tilespmem:s26], [sflag:$0x1] =	stream.indirect.gather [hbm4b:s1+s17], $0x80, s23, s17, $0xb8;
	[tilespmem:$0x1F900] =	vst v63  }
0x107: {  	_ =	swait.ge [sflag:s31], $0x2000  }
0x108: {  	s4 =	simm.s32 $0x20000;
	p3 =	por $0x0, $0x0;
	[sflag:s31] =	ssyncset.done $0x0  }
0x109: {  	s2 =	simm.s32 $0x15980;
	s4 =	sand.u32 @!p3 $0x18000, s4;
	[sflag:s31] =	ssyncadd.s32 $0xFFFFE000  }
0x10a: {  	[spmem:s28] =	stream.indirect.scatter.add.f32 [tilespmem:s13], [sflag:$0x2], $0x80, s16, s17, $0xb8;
	[tilespmem:$0x1F900] =	vst v63  }
0x10b: {  	s5 =	simm.s32 $0x13B00;
	s4 =	sshrl.u32 @!p3 s4, $0x2;
	_ =	swait.ge [sflag:s24], $0x2000  }
0x10c: {  	s9 =	simm.s32 $0x8000;
	s4 =	sadd.s32 @!p3 $0x17900, s4;
	[sflag:s24] =	ssyncset.done $0x0  }
0x10d: {  	s7 =	simm.s32 @!p3 $0x40;
	s8 =	sand.u32 $0x18000, s9;
	[sflag:s24] =	ssyncadd.s32 $0xFFFFE000  }
0x10e: {  	[tilespmem:s4], [sflag:$0x1] =	stream.indirect.gather @!p3 [hbm4b:s1+s7], $0x80, s5, s7, $0xb8;
	[tilespmem:$0x1F900] =	vst v63  }
0x10f: {  	s30 =	simm.s32 $0x5;
	s9 =	sshrl.u32 s8, $0x2;
	_ =	swait.ge [sflag:s31], $0x2000  }
0x110: {  	s22 =	simm.s32 $0x13B80;
	s6 =	sadd.s32 $0x17900, s9;
	[sflag:s31] =	ssyncset.done $0x0  }
0x111: {  	s4 =	simm.s32 $0x15A00;
	s5 =	simm.s32 $0x28000;
	[sflag:s31] =	ssyncadd.s32 $0xFFFFE000  }
.LBB2_22:
0x112: {  	[spmem:s28] =	stream.indirect.scatter.add.f32 [tilespmem:s6], [sflag:$0x2], $0x80, s2, s17, $0xb8;
	[tilespmem:$0x1F900] =	vst v63  }
0x113: {  	s6 =	smov.u32 s22;
	s2 =	smov.u32 s4  }
0x114: {  	p3 =	sgt.u32 s30, $0x3F;
	s30 =	sadd.s32 $0x1, s30;
	s22 =	sadd.s32 $0x80, s22  }
0x115: {  	s8 =	sadd.s32 $0xFFFE8000, s5;
	s7 =	sand.u32 @!p3 $0x18000, s5;
	_ =	swait.ge [sflag:s24], $0x2000  }
0x116: {  	s9 =	simm.s32 @!p3 $0x40;
	s7 =	sshrl.u32 @!p3 s7, $0x2;
	[sflag:s24] =	ssyncset.done $0x0  }
0x117: {  	s7 =	sadd.s32 @!p3 $0x17900, s7;
	[sflag:s24] =	ssyncadd.s32 $0xFFFFE000  }
0x118: {  	[tilespmem:s7], [sflag:$0x1] =	stream.indirect.gather @!p3 [hbm4b:s1+s9], $0x80, s6, s9, $0xb8;
	[tilespmem:$0x1F900] =	vst v63  }
0x119: {  	p3 =	sne.s32 s30, $0x43  }
.Ltmp7:
0x11a: {  	_ = 	snop;
	(pc) =	sbr.rel @p3 .LBB2_22-.Ltmp7, $4  }
0x11b: {  	_ = 	snop  }
0x11c: {  	s6 =	sand.u32 $0x18000, s8;
	_ =	swait.ge [sflag:s31], $0x2000  }
0x11d: {  	s4 =	sadd.s32 $0x80, s4;
	s6 =	sshrl.u32 s6, $0x2;
	[sflag:s31] =	ssyncset.done $0x0  }
0x11e: {  	s5 =	sadd.s32 $0x8000, s5;
	s6 =	sadd.s32 $0x17900, s6;
	[sflag:s31] =	ssyncadd.s32 $0xFFFFE000  }
0x11f: {  	[spmem:s28] =	stream.indirect.scatter.add.f32 [tilespmem:s6], [sflag:$0x2], $0x80, s2, s17, $0xb8;
	[tilespmem:$0x1F900] =	vst v63  }
0x120: {  	_ =	swait.ge [sflag:s24], $0x2000  }
0x121: {  	[sflag:s24] =	ssyncset.done $0x0  }
0x122: {  	s7 =	rddreg [dreg:$0x19];
	[sflag:s24] =	ssyncadd.s32 $0xFFFFE000  }
0x123: {  	[tilespmem:s15], [sflag:$0x3] =	stream.linear.gather [hbm4b:s7+s3], $0x2000, $0x38;
	[tilespmem:$0x1F900] =	vst v63  }
0x124: {  	_ =	swait.ge [sflag:s14], $0x2000  }
0x125: {  	[sflag:s14] =	ssyncset.done $0x0  }
0x126: {  	s8 =	rddreg [dreg:$0x1a];
	[sflag:s14] =	ssyncadd.s32 $0xFFFFE000  }
0x127: {  	[tilespmem:s16], [sflag:$0x3] =	stream.linear.gather [hbm4b:s8+s3], $0x2000, $0x38;
	[tilespmem:$0x1F900] =	vst v63  }
0x128: {  	_ =	swait.ge [sflag:s14], $0x2000  }
0x129: {  	[sflag:s14] =	ssyncset.done $0x0  }
0x12a: {  	[sflag:s14] =	ssyncadd.s32 $0xFFFFE000  }
0x12b: {  	[tilespmem:s13], [sflag:$0x1] =	stream.indirect.gather [hbm4b:s1+s17], $0x80, s15, s17, $0xb8;
	[tilespmem:$0x1F900] =	vst v63  }
0x12c: {  	_ = 	snop  }
0x12d: {  	[tilespmem:s19], [sflag:$0x1] =	stream.indirect.gather [hbm4b:s1+s17], $0x80, s18, s17, $0xb8;
	[tilespmem:$0x1F900] =	vst v63  }
0x12e: {  	_ = 	snop  }
0x12f: {  	[tilespmem:s21], [sflag:$0x1] =	stream.indirect.gather [hbm4b:s1+s17], $0x80, s20, s17, $0xb8;
	[tilespmem:$0x1F900] =	vst v63  }
0x130: {  	_ = 	snop  }
0x131: {  	[tilespmem:s26], [sflag:$0x1] =	stream.indirect.gather [hbm4b:s1+s17], $0x80, s23, s17, $0xb8;
	[tilespmem:$0x1F900] =	vst v63  }
0x132: {  	_ =	swait.ge [sflag:s31], $0x2000  }
0x133: {  	s4 =	simm.s32 $0x20000;
	p3 =	por $0x0, $0x0;
	[sflag:s31] =	ssyncset.done $0x0  }
0x134: {  	s2 =	simm.s32 $0x15980;
	s4 =	sand.u32 @!p3 $0x18000, s4;
	[sflag:s31] =	ssyncadd.s32 $0xFFFFE000  }
0x135: {  	[spmem:s28] =	stream.indirect.scatter.add.f32 [tilespmem:s13], [sflag:$0x2], $0x80, s16, s17, $0xb8;
	[tilespmem:$0x1F900] =	vst v63  }
0x136: {  	s5 =	simm.s32 $0x13B00;
	s4 =	sshrl.u32 @!p3 s4, $0x2;
	_ =	swait.ge [sflag:s24], $0x2000  }
0x137: {  	s9 =	simm.s32 $0x8000;
	s4 =	sadd.s32 @!p3 $0x17900, s4;
	[sflag:s24] =	ssyncset.done $0x0  }
0x138: {  	s7 =	simm.s32 @!p3 $0x40;
	s8 =	sand.u32 $0x18000, s9;
	[sflag:s24] =	ssyncadd.s32 $0xFFFFE000  }
0x139: {  	[tilespmem:s4], [sflag:$0x1] =	stream.indirect.gather @!p3 [hbm4b:s1+s7], $0x80, s5, s7, $0xb8;
	[tilespmem:$0x1F900] =	vst v63  }
0x13a: {  	s30 =	simm.s32 $0x5;
	s9 =	sshrl.u32 s8, $0x2;
	_ =	swait.ge [sflag:s31], $0x2000  }
0x13b: {  	s22 =	simm.s32 $0x13B80;
	s6 =	sadd.s32 $0x17900, s9;
	[sflag:s31] =	ssyncset.done $0x0  }
0x13c: {  	s4 =	simm.s32 $0x15A00;
	s5 =	simm.s32 $0x28000;
	[sflag:s31] =	ssyncadd.s32 $0xFFFFE000  }
.LBB2_24:
0x13d: {  	[spmem:s28] =	stream.indirect.scatter.add.f32 [tilespmem:s6], [sflag:$0x2], $0x80, s2, s17, $0xb8;
	[tilespmem:$0x1F900] =	vst v63  }
0x13e: {  	s6 =	smov.u32 s22;
	s2 =	smov.u32 s4  }
0x13f: {  	p3 =	sgt.u32 s30, $0x3F;
	s30 =	sadd.s32 $0x1, s30;
	s22 =	sadd.s32 $0x80, s22  }
0x140: {  	s8 =	sadd.s32 $0xFFFE8000, s5;
	s7 =	sand.u32 @!p3 $0x18000, s5;
	_ =	swait.ge [sflag:s24], $0x2000  }
0x141: {  	s9 =	simm.s32 @!p3 $0x40;
	s7 =	sshrl.u32 @!p3 s7, $0x2;
	[sflag:s24] =	ssyncset.done $0x0  }
0x142: {  	s7 =	sadd.s32 @!p3 $0x17900, s7;
	[sflag:s24] =	ssyncadd.s32 $0xFFFFE000  }
0x143: {  	[tilespmem:s7], [sflag:$0x1] =	stream.indirect.gather @!p3 [hbm4b:s1+s9], $0x80, s6, s9, $0xb8;
	[tilespmem:$0x1F900] =	vst v63  }
0x144: {  	p3 =	sne.s32 s30, $0x43  }
.Ltmp8:
0x145: {  	_ = 	snop;
	(pc) =	sbr.rel @p3 .LBB2_24-.Ltmp8, $4  }
0x146: {  	_ = 	snop  }
0x147: {  	s6 =	sand.u32 $0x18000, s8;
	_ =	swait.ge [sflag:s31], $0x2000  }
0x148: {  	s4 =	sadd.s32 $0x80, s4;
	s6 =	sshrl.u32 s6, $0x2;
	[sflag:s31] =	ssyncset.done $0x0  }
0x149: {  	s5 =	sadd.s32 $0x8000, s5;
	s6 =	sadd.s32 $0x17900, s6;
	[sflag:s31] =	ssyncadd.s32 $0xFFFFE000  }
0x14a: {  	[spmem:s28] =	stream.indirect.scatter.add.f32 [tilespmem:s6], [sflag:$0x2], $0x80, s2, s17, $0xb8;
	[tilespmem:$0x1F900] =	vst v63  }
0x14b: {  	_ =	swait.ge [sflag:s24], $0x2000  }
0x14c: {  	[sflag:s24] =	ssyncset.done $0x0  }
0x14d: {  	[sflag:s24] =	ssyncadd.s32 $0xFFFFE000  }
0x14e: {  	s30 =	stileid.u32;
	[bflag:$0x0] =	sbarrier.arrive $0xFFFF  }
0x14f: {  	s2 =	sshll.u32 s30, $0x6;
	s4 =	rddreg [dreg:$0x1b]  }
0x150: {  	s2 =	sor.u32 $0x1C03, s2;
	s5 =	rddreg [dreg:$0x1d];
	s4 =	sshrl.u32 s4, $0x3  }
0x151: {  	[hbm:s5], [sflag:s2] =	dma.local [spmem:s4], $0x2700  }
.Ltmp9:
0x152: {  	_ = 	snop;
	(pc) =	sbr.rel @p1 .LBB2_27-.Ltmp9, $4  }
.Ltmp10:
0x153: {  	_ =	swait.ge [sflag:s14], $0x2700;
	(pc) =	sbr.rel @!p1 .LBB2_26-.Ltmp10, $4  }
0x154: {  	[sflag:s14] =	ssyncset.done $0x0  }
0x155: {  	[sflag:s14] =	ssyncadd.s32 $0xFFFFD900  }
0x156: {  	s4 =	rddreg [dreg:$0x4]  }
0x157: {  	_ = 	snop  }
.LBB2_2:
0x158: {  	p3 =	sne.s32 s4, $0x7E00;
	[tilespmem:s2+$0x17970] =	vst v0  }
0x159: {  	[tilespmem:s2+$0x17900] =	vst v0  }
0x15a: {  	[tilespmem:s2+$0x17910] =	vst v0  }
.Ltmp11:
0x15b: {  	[tilespmem:s2+$0x17920] =	vst v0;
	(pc) =	sbr.rel @p3 .LBB2_2-.Ltmp11, $4  }
0x15c: {  	[tilespmem:s2+$0x17930] =	vst v0  }
0x15d: {  	[tilespmem:s2+$0x17940] =	vst v0  }
0x15e: {  	[tilespmem:s2+$0x17950] =	vst v0  }
0x15f: {  	[tilespmem:s2+$0x17960] =	vst v0;
	s2 =	sshra.s32 s4, $0x2;
	s4 =	sadd.s32 $0x200, s4  }
0x160: {  	[tilespmem:s2+$0x17970] =	vst v0  }
0x161: {  	[tilespmem:s2+$0x17900] =	vst v0  }
0x162: {  	[tilespmem:s2+$0x17910] =	vst v0  }
0x163: {  	[tilespmem:s2+$0x17920] =	vst v0  }
0x164: {  	[tilespmem:s2+$0x17930] =	vst v0  }
0x165: {  	[tilespmem:s2+$0x17940] =	vst v0  }
0x166: {  	[tilespmem:s2+$0x17950] =	vst v0  }
0x167: {  	[tilespmem:s2+$0x17960] =	vst v0  }
0x168: {  	[spmem:s29] =	stream.linear.scatter [tilespmem:s13], [sflag:$0x3], $0x2000, $0x38;
	[tilespmem:$0x1F900] =	vst v63  }
0x169: {  	_ =	swait.ge [sflag:s14], $0x2000  }
0x16a: {  	s7 =	sld [smem:$0x7F9]  }
0x16b: {  	[sflag:s14] =	ssyncset.done $0x0  }
0x16c: {  	[sflag:s14] =	ssyncadd.s32 $0xFFFFE000  }
0x16d: {  	[spmem:s7] =	stream.linear.scatter [tilespmem:s13], [sflag:$0x3], $0x2000, $0x38;
	[tilespmem:$0x1F900] =	vst v63  }
0x16e: {  	_ =	swait.ge [sflag:s14], $0x2000  }
0x16f: {  	s8 =	sld [smem:$0x7FA]  }
0x170: {  	[sflag:s14] =	ssyncset.done $0x0  }
0x171: {  	[sflag:s14] =	ssyncadd.s32 $0xFFFFE000  }
0x172: {  	[spmem:s8] =	stream.linear.scatter [tilespmem:s13], [sflag:$0x3], $0x2000, $0x38;
	[tilespmem:$0x1F900] =	vst v63  }
0x173: {  	_ =	swait.ge [sflag:s14], $0x2000  }
0x174: {  	s9 =	sld [smem:$0x7FB]  }
0x175: {  	[sflag:s14] =	ssyncset.done $0x0  }
0x176: {  	[sflag:s14] =	ssyncadd.s32 $0xFFFFE000  }
0x177: {  	[spmem:s9] =	stream.linear.scatter [tilespmem:s13], [sflag:$0x3], $0x2000, $0x38;
	[tilespmem:$0x1F900] =	vst v63  }
0x178: {  	_ =	swait.ge [sflag:s14], $0x2000  }
0x179: {  	s22 =	sld [smem:$0x7FC]  }
0x17a: {  	[sflag:s14] =	ssyncset.done $0x0  }
0x17b: {  	[sflag:s14] =	ssyncadd.s32 $0xFFFFE000  }
0x17c: {  	[spmem:s22] =	stream.linear.scatter [tilespmem:s13], [sflag:$0x3], $0x2000, $0x38;
	[tilespmem:$0x1F900] =	vst v63  }
0x17d: {  	_ =	swait.ge [sflag:s14], $0x2000  }
0x17e: {  	s4 =	sld [smem:$0x7FD]  }
0x17f: {  	[sflag:s14] =	ssyncset.done $0x0  }
0x180: {  	[sflag:s14] =	ssyncadd.s32 $0xFFFFE000  }
0x181: {  	[spmem:s4] =	stream.linear.scatter [tilespmem:s13], [sflag:$0x3], $0x2000, $0x38;
	[tilespmem:$0x1F900] =	vst v63  }
0x182: {  	_ =	swait.ge [sflag:s14], $0x2000  }
0x183: {  	[sflag:s14] =	ssyncset.done $0x0  }
0x184: {  	[sflag:s14] =	ssyncadd.s32 $0xFFFFE000  }
0x185: {  	[spmem:s10] =	stream.linear.scatter [tilespmem:s13], [sflag:$0x3], $0x2000, $0x38;
	[tilespmem:$0x1F900] =	vst v63  }
0x186: {  	_ =	swait.ge [sflag:s14], $0x2000  }
0x187: {  	[sflag:s14] =	ssyncset.done $0x0  }
0x188: {  	[sflag:s14] =	ssyncadd.s32 $0xFFFFE000  }
0x189: {  	[spmem:s11] =	stream.linear.scatter [tilespmem:s13], [sflag:$0x3], $0x2000, $0x38;
	[tilespmem:$0x1F900] =	vst v63  }
0x18a: {  	_ =	swait.ge [sflag:s14], $0x2000  }
0x18b: {  	[sflag:s14] =	ssyncset.done $0x0  }
0x18c: {  	[sflag:s14] =	ssyncadd.s32 $0xFFFFE000  }
0x18d: {  	[spmem:s12] =	stream.linear.scatter [tilespmem:s13], [sflag:$0x3], $0x2000, $0x38;
	[tilespmem:$0x1F900] =	vst v63  }
0x18e: {  	_ =	swait.ge [sflag:s14], $0x2000  }
0x18f: {  	s5 =	sld [smem:$0x7F8]  }
0x190: {  	[sflag:s14] =	ssyncset.done $0x0  }
0x191: {  	[sflag:s14] =	ssyncadd.s32 $0xFFFFE000  }
0x192: {  	[spmem:s5] =	stream.linear.scatter [tilespmem:s13], [sflag:$0x3], $0x1900, $0x38;
	[tilespmem:$0x1F900] =	vst v63  }
0x193: {  	_ =	swait.ge [sflag:s14], $0x1900  }
0x194: {  	[sflag:s14] =	ssyncset.done $0x0  }
0x195: {  	[sflag:s14] =	ssyncadd.s32 $0xFFFFE700  }
0x196: {  	[bflag:$0x0] =	sbarrier.arrive $0xFFFF  }
0x197: {  	s6 =	rddreg [dreg:$0x7]  }
0x198: {  	[tilespmem:s15], [sflag:$0x3] =	stream.linear.gather [hbm4b:s6+s3], $0x2000, $0x38;
	[tilespmem:$0x1F900] =	vst v63  }
0x199: {  	_ =	swait.ge [sflag:s14], $0x2000  }
0x19a: {  	[sflag:s14] =	ssyncset.done $0x0  }
0x19b: {  	s7 =	rddreg [dreg:$0x8];
	[sflag:s14] =	ssyncadd.s32 $0xFFFFE000  }
0x19c: {  	[tilespmem:s16], [sflag:$0x3] =	stream.linear.gather [hbm4b:s7+s3], $0x2000, $0x38;
	[tilespmem:$0x1F900] =	vst v63  }
0x19d: {  	_ =	swait.ge [sflag:s14], $0x2000  }
0x19e: {  	[sflag:s14] =	ssyncset.done $0x0  }
0x19f: {  	[sflag:s14] =	ssyncadd.s32 $0xFFFFE000  }
0x1a0: {  	[tilespmem:s13], [sflag:$0x1] =	stream.indirect.gather [hbm4b:s0+s17], $0x80, s15, s17, $0xb8;
	[tilespmem:$0x1F900] =	vst v63  }
0x1a1: {  	_ = 	snop  }
0x1a2: {  	[tilespmem:s19], [sflag:$0x1] =	stream.indirect.gather [hbm4b:s0+s17], $0x80, s18, s17, $0xb8;
	[tilespmem:$0x1F900] =	vst v63  }
0x1a3: {  	_ = 	snop  }
0x1a4: {  	[tilespmem:s21], [sflag:$0x1] =	stream.indirect.gather [hbm4b:s0+s17], $0x80, s20, s17, $0xb8;
	[tilespmem:$0x1F900] =	vst v63  }
0x1a5: {  	_ = 	snop  }
0x1a6: {  	[tilespmem:s26], [sflag:$0x1] =	stream.indirect.gather [hbm4b:s0+s17], $0x80, s23, s17, $0xb8;
	[tilespmem:$0x1F900] =	vst v63  }
0x1a7: {  	_ =	swait.ge [sflag:s31], $0x2000  }
0x1a8: {  	p3 =	por $0x0, $0x0;
	s4 =	simm.s32 $0x20000;
	[sflag:s31] =	ssyncset.done $0x0  }
0x1a9: {  	s2 =	simm.s32 $0x15980;
	s4 =	sand.u32 @!p3 $0x18000, s4;
	[sflag:s31] =	ssyncadd.s32 $0xFFFFE000  }
0x1aa: {  	[spmem:s28] =	stream.indirect.scatter.add.f32 [tilespmem:s13], [sflag:$0x2], $0x80, s16, s17, $0xb8;
	[tilespmem:$0x1F900] =	vst v63  }
0x1ab: {  	s22 =	simm.s32 @!p3 $0x40;
	s4 =	sshrl.u32 @!p3 s4, $0x2;
	_ =	swait.ge [sflag:s24], $0x2000  }
0x1ac: {  	s4 =	sadd.s32 @!p3 $0x17900, s4;
	s6 =	simm.s32 $0x8000;
	[sflag:s24] =	ssyncset.done $0x0  }
0x1ad: {  	s5 =	simm.s32 $0x13B00;
	s8 =	sand.u32 $0x18000, s6;
	[sflag:s24] =	ssyncadd.s32 $0xFFFFE000  }
0x1ae: {  	[tilespmem:s4], [sflag:$0x1] =	stream.indirect.gather @!p3 [hbm4b:s0+s22], $0x80, s5, s22, $0xb8;
	[tilespmem:$0x1F900] =	vst v63  }
0x1af: {  	s30 =	simm.s32 $0x5;
	s9 =	sshrl.u32 s8, $0x2;
	_ =	swait.ge [sflag:s31], $0x2000  }
0x1b0: {  	s6 =	sadd.s32 $0x17900, s9;
	s22 =	simm.s32 $0x13B80;
	[sflag:s31] =	ssyncset.done $0x0  }
0x1b1: {  	s4 =	simm.s32 $0x15A00;
	s5 =	simm.s32 $0x28000;
	[sflag:s31] =	ssyncadd.s32 $0xFFFFE000  }
.LBB2_4:
0x1b2: {  	[spmem:s28] =	stream.indirect.scatter.add.f32 [tilespmem:s6], [sflag:$0x2], $0x80, s2, s17, $0xb8;
	[tilespmem:$0x1F900] =	vst v63  }
0x1b3: {  	s6 =	smov.u32 s22;
	s2 =	smov.u32 s4  }
0x1b4: {  	p3 =	sgt.u32 s30, $0x3F;
	s30 =	sadd.s32 $0x1, s30;
	s22 =	sadd.s32 $0x80, s22  }
0x1b5: {  	s8 =	sadd.s32 $0xFFFE8000, s5;
	s7 =	sand.u32 @!p3 $0x18000, s5;
	_ =	swait.ge [sflag:s24], $0x2000  }
0x1b6: {  	s9 =	simm.s32 @!p3 $0x40;
	s7 =	sshrl.u32 @!p3 s7, $0x2;
	[sflag:s24] =	ssyncset.done $0x0  }
0x1b7: {  	s7 =	sadd.s32 @!p3 $0x17900, s7;
	[sflag:s24] =	ssyncadd.s32 $0xFFFFE000  }
0x1b8: {  	[tilespmem:s7], [sflag:$0x1] =	stream.indirect.gather @!p3 [hbm4b:s0+s9], $0x80, s6, s9, $0xb8;
	[tilespmem:$0x1F900] =	vst v63  }
0x1b9: {  	p3 =	sne.s32 s30, $0x43  }
.Ltmp12:
0x1ba: {  	_ = 	snop;
	(pc) =	sbr.rel @p3 .LBB2_4-.Ltmp12, $4  }
0x1bb: {  	_ = 	snop  }
0x1bc: {  	s6 =	sand.u32 $0x18000, s8;
	_ =	swait.ge [sflag:s31], $0x2000  }
0x1bd: {  	s4 =	sadd.s32 $0x80, s4;
	s6 =	sshrl.u32 s6, $0x2;
	[sflag:s31] =	ssyncset.done $0x0  }
0x1be: {  	s5 =	sadd.s32 $0x8000, s5;
	s6 =	sadd.s32 $0x17900, s6;
	[sflag:s31] =	ssyncadd.s32 $0xFFFFE000  }
0x1bf: {  	[spmem:s28] =	stream.indirect.scatter.add.f32 [tilespmem:s6], [sflag:$0x2], $0x80, s2, s17, $0xb8;
	[tilespmem:$0x1F900] =	vst v63  }
0x1c0: {  	_ =	swait.ge [sflag:s24], $0x2000  }
0x1c1: {  	[sflag:s24] =	ssyncset.done $0x0  }
0x1c2: {  	s7 =	rddreg [dreg:$0x9];
	[sflag:s24] =	ssyncadd.s32 $0xFFFFE000  }
0x1c3: {  	[tilespmem:s15], [sflag:$0x3] =	stream.linear.gather [hbm4b:s7+s3], $0x2000, $0x38;
	[tilespmem:$0x1F900] =	vst v63  }
0x1c4: {  	_ =	swait.ge [sflag:s14], $0x2000  }
0x1c5: {  	[sflag:s14] =	ssyncset.done $0x0  }
0x1c6: {  	s8 =	rddreg [dreg:$0xa];
	[sflag:s14] =	ssyncadd.s32 $0xFFFFE000  }
0x1c7: {  	[tilespmem:s16], [sflag:$0x3] =	stream.linear.gather [hbm4b:s8+s3], $0x2000, $0x38;
	[tilespmem:$0x1F900] =	vst v63  }
0x1c8: {  	_ =	swait.ge [sflag:s14], $0x2000  }
0x1c9: {  	[sflag:s14] =	ssyncset.done $0x0  }
0x1ca: {  	[sflag:s14] =	ssyncadd.s32 $0xFFFFE000  }
0x1cb: {  	[tilespmem:s13], [sflag:$0x1] =	stream.indirect.gather [hbm4b:s0+s17], $0x80, s15, s17, $0xb8;
	[tilespmem:$0x1F900] =	vst v63  }
0x1cc: {  	_ = 	snop  }
0x1cd: {  	[tilespmem:s19], [sflag:$0x1] =	stream.indirect.gather [hbm4b:s0+s17], $0x80, s18, s17, $0xb8;
	[tilespmem:$0x1F900] =	vst v63  }
0x1ce: {  	_ = 	snop  }
0x1cf: {  	[tilespmem:s21], [sflag:$0x1] =	stream.indirect.gather [hbm4b:s0+s17], $0x80, s20, s17, $0xb8;
	[tilespmem:$0x1F900] =	vst v63  }
0x1d0: {  	_ = 	snop  }
0x1d1: {  	[tilespmem:s26], [sflag:$0x1] =	stream.indirect.gather [hbm4b:s0+s17], $0x80, s23, s17, $0xb8;
	[tilespmem:$0x1F900] =	vst v63  }
0x1d2: {  	_ =	swait.ge [sflag:s31], $0x2000  }
0x1d3: {  	s4 =	simm.s32 $0x20000;
	p3 =	por $0x0, $0x0;
	[sflag:s31] =	ssyncset.done $0x0  }
0x1d4: {  	s2 =	simm.s32 $0x15980;
	s4 =	sand.u32 @!p3 $0x18000, s4;
	[sflag:s31] =	ssyncadd.s32 $0xFFFFE000  }
0x1d5: {  	[spmem:s28] =	stream.indirect.scatter.add.f32 [tilespmem:s13], [sflag:$0x2], $0x80, s16, s17, $0xb8;
	[tilespmem:$0x1F900] =	vst v63  }
0x1d6: {  	s5 =	simm.s32 $0x13B00;
	s4 =	sshrl.u32 @!p3 s4, $0x2;
	_ =	swait.ge [sflag:s24], $0x2000  }
0x1d7: {  	s9 =	simm.s32 $0x8000;
	s4 =	sadd.s32 @!p3 $0x17900, s4;
	[sflag:s24] =	ssyncset.done $0x0  }
0x1d8: {  	s7 =	simm.s32 @!p3 $0x40;
	s8 =	sand.u32 $0x18000, s9;
	[sflag:s24] =	ssyncadd.s32 $0xFFFFE000  }
0x1d9: {  	[tilespmem:s4], [sflag:$0x1] =	stream.indirect.gather @!p3 [hbm4b:s0+s7], $0x80, s5, s7, $0xb8;
	[tilespmem:$0x1F900] =	vst v63  }
0x1da: {  	s30 =	simm.s32 $0x5;
	s9 =	sshrl.u32 s8, $0x2;
	_ =	swait.ge [sflag:s31], $0x2000  }
0x1db: {  	s22 =	simm.s32 $0x13B80;
	s6 =	sadd.s32 $0x17900, s9;
	[sflag:s31] =	ssyncset.done $0x0  }
0x1dc: {  	s4 =	simm.s32 $0x15A00;
	s5 =	simm.s32 $0x28000;
	[sflag:s31] =	ssyncadd.s32 $0xFFFFE000  }
.LBB2_6:
0x1dd: {  	[spmem:s28] =	stream.indirect.scatter.add.f32 [tilespmem:s6], [sflag:$0x2], $0x80, s2, s17, $0xb8;
	[tilespmem:$0x1F900] =	vst v63  }
0x1de: {  	s6 =	smov.u32 s22;
	s2 =	smov.u32 s4  }
0x1df: {  	p3 =	sgt.u32 s30, $0x3F;
	s30 =	sadd.s32 $0x1, s30;
	s22 =	sadd.s32 $0x80, s22  }
0x1e0: {  	s8 =	sadd.s32 $0xFFFE8000, s5;
	s7 =	sand.u32 @!p3 $0x18000, s5;
	_ =	swait.ge [sflag:s24], $0x2000  }
0x1e1: {  	s9 =	simm.s32 @!p3 $0x40;
	s7 =	sshrl.u32 @!p3 s7, $0x2;
	[sflag:s24] =	ssyncset.done $0x0  }
0x1e2: {  	s7 =	sadd.s32 @!p3 $0x17900, s7;
	[sflag:s24] =	ssyncadd.s32 $0xFFFFE000  }
0x1e3: {  	[tilespmem:s7], [sflag:$0x1] =	stream.indirect.gather @!p3 [hbm4b:s0+s9], $0x80, s6, s9, $0xb8;
	[tilespmem:$0x1F900] =	vst v63  }
0x1e4: {  	p3 =	sne.s32 s30, $0x43  }
.Ltmp13:
0x1e5: {  	_ = 	snop;
	(pc) =	sbr.rel @p3 .LBB2_6-.Ltmp13, $4  }
0x1e6: {  	_ = 	snop  }
0x1e7: {  	s6 =	sand.u32 $0x18000, s8;
	_ =	swait.ge [sflag:s31], $0x2000  }
0x1e8: {  	s4 =	sadd.s32 $0x80, s4;
	s6 =	sshrl.u32 s6, $0x2;
	[sflag:s31] =	ssyncset.done $0x0  }
0x1e9: {  	s5 =	sadd.s32 $0x8000, s5;
	s6 =	sadd.s32 $0x17900, s6;
	[sflag:s31] =	ssyncadd.s32 $0xFFFFE000  }
0x1ea: {  	[spmem:s28] =	stream.indirect.scatter.add.f32 [tilespmem:s6], [sflag:$0x2], $0x80, s2, s17, $0xb8;
	[tilespmem:$0x1F900] =	vst v63  }
0x1eb: {  	_ =	swait.ge [sflag:s24], $0x2000  }
0x1ec: {  	[sflag:s24] =	ssyncset.done $0x0  }
0x1ed: {  	s7 =	rddreg [dreg:$0xb];
	[sflag:s24] =	ssyncadd.s32 $0xFFFFE000  }
0x1ee: {  	[tilespmem:s15], [sflag:$0x3] =	stream.linear.gather [hbm4b:s7+s3], $0x2000, $0x38;
	[tilespmem:$0x1F900] =	vst v63  }
0x1ef: {  	_ =	swait.ge [sflag:s14], $0x2000  }
0x1f0: {  	[sflag:s14] =	ssyncset.done $0x0  }
0x1f1: {  	s8 =	rddreg [dreg:$0xc];
	[sflag:s14] =	ssyncadd.s32 $0xFFFFE000  }
0x1f2: {  	[tilespmem:s16], [sflag:$0x3] =	stream.linear.gather [hbm4b:s8+s3], $0x2000, $0x38;
	[tilespmem:$0x1F900] =	vst v63  }
0x1f3: {  	_ =	swait.ge [sflag:s14], $0x2000  }
0x1f4: {  	[sflag:s14] =	ssyncset.done $0x0  }
0x1f5: {  	[sflag:s14] =	ssyncadd.s32 $0xFFFFE000  }
0x1f6: {  	[tilespmem:s13], [sflag:$0x1] =	stream.indirect.gather [hbm4b:s0+s17], $0x80, s15, s17, $0xb8;
	[tilespmem:$0x1F900] =	vst v63  }
0x1f7: {  	_ = 	snop  }
0x1f8: {  	[tilespmem:s19], [sflag:$0x1] =	stream.indirect.gather [hbm4b:s0+s17], $0x80, s18, s17, $0xb8;
	[tilespmem:$0x1F900] =	vst v63  }
0x1f9: {  	_ = 	snop  }
0x1fa: {  	[tilespmem:s21], [sflag:$0x1] =	stream.indirect.gather [hbm4b:s0+s17], $0x80, s20, s17, $0xb8;
	[tilespmem:$0x1F900] =	vst v63  }
0x1fb: {  	_ = 	snop  }
0x1fc: {  	[tilespmem:s26], [sflag:$0x1] =	stream.indirect.gather [hbm4b:s0+s17], $0x80, s23, s17, $0xb8;
	[tilespmem:$0x1F900] =	vst v63  }
0x1fd: {  	_ =	swait.ge [sflag:s31], $0x2000  }
0x1fe: {  	s4 =	simm.s32 $0x20000;
	p3 =	por $0x0, $0x0;
	[sflag:s31] =	ssyncset.done $0x0  }
0x1ff: {  	s2 =	simm.s32 $0x15980;
	s4 =	sand.u32 @!p3 $0x18000, s4;
	[sflag:s31] =	ssyncadd.s32 $0xFFFFE000  }
0x200: {  	[spmem:s28] =	stream.indirect.scatter.add.f32 [tilespmem:s13], [sflag:$0x2], $0x80, s16, s17, $0xb8;
	[tilespmem:$0x1F900] =	vst v63  }
0x201: {  	s5 =	simm.s32 $0x13B00;
	s4 =	sshrl.u32 @!p3 s4, $0x2;
	_ =	swait.ge [sflag:s24], $0x2000  }
0x202: {  	s9 =	simm.s32 $0x8000;
	s4 =	sadd.s32 @!p3 $0x17900, s4;
	[sflag:s24] =	ssyncset.done $0x0  }
0x203: {  	s7 =	simm.s32 @!p3 $0x40;
	s8 =	sand.u32 $0x18000, s9;
	[sflag:s24] =	ssyncadd.s32 $0xFFFFE000  }
0x204: {  	[tilespmem:s4], [sflag:$0x1] =	stream.indirect.gather @!p3 [hbm4b:s0+s7], $0x80, s5, s7, $0xb8;
	[tilespmem:$0x1F900] =	vst v63  }
0x205: {  	s30 =	simm.s32 $0x5;
	s9 =	sshrl.u32 s8, $0x2;
	_ =	swait.ge [sflag:s31], $0x2000  }
0x206: {  	s22 =	simm.s32 $0x13B80;
	s6 =	sadd.s32 $0x17900, s9;
	[sflag:s31] =	ssyncset.done $0x0  }
0x207: {  	s4 =	simm.s32 $0x15A00;
	s5 =	simm.s32 $0x28000;
	[sflag:s31] =	ssyncadd.s32 $0xFFFFE000  }
.LBB2_8:
0x208: {  	[spmem:s28] =	stream.indirect.scatter.add.f32 [tilespmem:s6], [sflag:$0x2], $0x80, s2, s17, $0xb8;
	[tilespmem:$0x1F900] =	vst v63  }
0x209: {  	s6 =	smov.u32 s22;
	s2 =	smov.u32 s4  }
0x20a: {  	p3 =	sgt.u32 s30, $0x3F;
	s30 =	sadd.s32 $0x1, s30;
	s22 =	sadd.s32 $0x80, s22  }
0x20b: {  	s8 =	sadd.s32 $0xFFFE8000, s5;
	s7 =	sand.u32 @!p3 $0x18000, s5;
	_ =	swait.ge [sflag:s24], $0x2000  }
0x20c: {  	s9 =	simm.s32 @!p3 $0x40;
	s7 =	sshrl.u32 @!p3 s7, $0x2;
	[sflag:s24] =	ssyncset.done $0x0  }
0x20d: {  	s7 =	sadd.s32 @!p3 $0x17900, s7;
	[sflag:s24] =	ssyncadd.s32 $0xFFFFE000  }
0x20e: {  	[tilespmem:s7], [sflag:$0x1] =	stream.indirect.gather @!p3 [hbm4b:s0+s9], $0x80, s6, s9, $0xb8;
	[tilespmem:$0x1F900] =	vst v63  }
0x20f: {  	p3 =	sne.s32 s30, $0x43  }
.Ltmp14:
0x210: {  	_ = 	snop;
	(pc) =	sbr.rel @p3 .LBB2_8-.Ltmp14, $4  }
0x211: {  	_ = 	snop  }
0x212: {  	s6 =	sand.u32 $0x18000, s8;
	_ =	swait.ge [sflag:s31], $0x2000  }
0x213: {  	s4 =	sadd.s32 $0x80, s4;
	s6 =	sshrl.u32 s6, $0x2;
	[sflag:s31] =	ssyncset.done $0x0  }
0x214: {  	s5 =	sadd.s32 $0x8000, s5;
	s6 =	sadd.s32 $0x17900, s6;
	[sflag:s31] =	ssyncadd.s32 $0xFFFFE000  }
0x215: {  	[spmem:s28] =	stream.indirect.scatter.add.f32 [tilespmem:s6], [sflag:$0x2], $0x80, s2, s17, $0xb8;
	[tilespmem:$0x1F900] =	vst v63  }
0x216: {  	_ =	swait.ge [sflag:s24], $0x2000  }
0x217: {  	[sflag:s24] =	ssyncset.done $0x0  }
0x218: {  	s7 =	rddreg [dreg:$0xd];
	[sflag:s24] =	ssyncadd.s32 $0xFFFFE000  }
0x219: {  	[tilespmem:s15], [sflag:$0x3] =	stream.linear.gather [hbm4b:s7+s3], $0x2000, $0x38;
	[tilespmem:$0x1F900] =	vst v63  }
0x21a: {  	_ =	swait.ge [sflag:s14], $0x2000  }
0x21b: {  	[sflag:s14] =	ssyncset.done $0x0  }
0x21c: {  	s8 =	rddreg [dreg:$0xe];
	[sflag:s14] =	ssyncadd.s32 $0xFFFFE000  }
0x21d: {  	[tilespmem:s16], [sflag:$0x3] =	stream.linear.gather [hbm4b:s8+s3], $0x2000, $0x38;
	[tilespmem:$0x1F900] =	vst v63  }
0x21e: {  	_ =	swait.ge [sflag:s14], $0x2000  }
0x21f: {  	[sflag:s14] =	ssyncset.done $0x0  }
0x220: {  	[sflag:s14] =	ssyncadd.s32 $0xFFFFE000  }
0x221: {  	[tilespmem:s13], [sflag:$0x1] =	stream.indirect.gather [hbm4b:s0+s17], $0x80, s15, s17, $0xb8;
	[tilespmem:$0x1F900] =	vst v63  }
0x222: {  	_ = 	snop  }
0x223: {  	[tilespmem:s19], [sflag:$0x1] =	stream.indirect.gather [hbm4b:s0+s17], $0x80, s18, s17, $0xb8;
	[tilespmem:$0x1F900] =	vst v63  }
0x224: {  	_ = 	snop  }
0x225: {  	[tilespmem:s21], [sflag:$0x1] =	stream.indirect.gather [hbm4b:s0+s17], $0x80, s20, s17, $0xb8;
	[tilespmem:$0x1F900] =	vst v63  }
0x226: {  	_ = 	snop  }
0x227: {  	[tilespmem:s26], [sflag:$0x1] =	stream.indirect.gather [hbm4b:s0+s17], $0x80, s23, s17, $0xb8;
	[tilespmem:$0x1F900] =	vst v63  }
0x228: {  	_ =	swait.ge [sflag:s31], $0x2000  }
0x229: {  	s4 =	simm.s32 $0x20000;
	p3 =	por $0x0, $0x0;
	[sflag:s31] =	ssyncset.done $0x0  }
0x22a: {  	s2 =	simm.s32 $0x15980;
	s4 =	sand.u32 @!p3 $0x18000, s4;
	[sflag:s31] =	ssyncadd.s32 $0xFFFFE000  }
0x22b: {  	[spmem:s28] =	stream.indirect.scatter.add.f32 [tilespmem:s13], [sflag:$0x2], $0x80, s16, s17, $0xb8;
	[tilespmem:$0x1F900] =	vst v63  }
0x22c: {  	s5 =	simm.s32 $0x13B00;
	s4 =	sshrl.u32 @!p3 s4, $0x2;
	_ =	swait.ge [sflag:s24], $0x2000  }
0x22d: {  	s9 =	simm.s32 $0x8000;
	s4 =	sadd.s32 @!p3 $0x17900, s4;
	[sflag:s24] =	ssyncset.done $0x0  }
0x22e: {  	s7 =	simm.s32 @!p3 $0x40;
	s8 =	sand.u32 $0x18000, s9;
	[sflag:s24] =	ssyncadd.s32 $0xFFFFE000  }
0x22f: {  	[tilespmem:s4], [sflag:$0x1] =	stream.indirect.gather @!p3 [hbm4b:s0+s7], $0x80, s5, s7, $0xb8;
	[tilespmem:$0x1F900] =	vst v63  }
0x230: {  	s30 =	simm.s32 $0x5;
	s9 =	sshrl.u32 s8, $0x2;
	_ =	swait.ge [sflag:s31], $0x2000  }
0x231: {  	s22 =	simm.s32 $0x13B80;
	s6 =	sadd.s32 $0x17900, s9;
	[sflag:s31] =	ssyncset.done $0x0  }
0x232: {  	s4 =	simm.s32 $0x15A00;
	s5 =	simm.s32 $0x28000;
	[sflag:s31] =	ssyncadd.s32 $0xFFFFE000  }
.LBB2_10:
0x233: {  	[spmem:s28] =	stream.indirect.scatter.add.f32 [tilespmem:s6], [sflag:$0x2], $0x80, s2, s17, $0xb8;
	[tilespmem:$0x1F900] =	vst v63  }
0x234: {  	s6 =	smov.u32 s22;
	s2 =	smov.u32 s4  }
0x235: {  	p3 =	sgt.u32 s30, $0x3F;
	s30 =	sadd.s32 $0x1, s30;
	s22 =	sadd.s32 $0x80, s22  }
0x236: {  	s8 =	sadd.s32 $0xFFFE8000, s5;
	s7 =	sand.u32 @!p3 $0x18000, s5;
	_ =	swait.ge [sflag:s24], $0x2000  }
0x237: {  	s9 =	simm.s32 @!p3 $0x40;
	s7 =	sshrl.u32 @!p3 s7, $0x2;
	[sflag:s24] =	ssyncset.done $0x0  }
0x238: {  	s7 =	sadd.s32 @!p3 $0x17900, s7;
	[sflag:s24] =	ssyncadd.s32 $0xFFFFE000  }
0x239: {  	[tilespmem:s7], [sflag:$0x1] =	stream.indirect.gather @!p3 [hbm4b:s0+s9], $0x80, s6, s9, $0xb8;
	[tilespmem:$0x1F900] =	vst v63  }
0x23a: {  	p3 =	sne.s32 s30, $0x43  }
.Ltmp15:
0x23b: {  	_ = 	snop;
	(pc) =	sbr.rel @p3 .LBB2_10-.Ltmp15, $4  }
0x23c: {  	_ = 	snop  }
0x23d: {  	s6 =	sand.u32 $0x18000, s8;
	_ =	swait.ge [sflag:s31], $0x2000  }
0x23e: {  	s4 =	sadd.s32 $0x80, s4;
	s6 =	sshrl.u32 s6, $0x2;
	[sflag:s31] =	ssyncset.done $0x0  }
0x23f: {  	s5 =	sadd.s32 $0x8000, s5;
	s6 =	sadd.s32 $0x17900, s6;
	[sflag:s31] =	ssyncadd.s32 $0xFFFFE000  }
0x240: {  	[spmem:s28] =	stream.indirect.scatter.add.f32 [tilespmem:s6], [sflag:$0x2], $0x80, s2, s17, $0xb8;
	[tilespmem:$0x1F900] =	vst v63  }
0x241: {  	_ =	swait.ge [sflag:s24], $0x2000  }
0x242: {  	[sflag:s24] =	ssyncset.done $0x0  }
0x243: {  	s7 =	rddreg [dreg:$0xf];
	[sflag:s24] =	ssyncadd.s32 $0xFFFFE000  }
0x244: {  	[tilespmem:s15], [sflag:$0x3] =	stream.linear.gather [hbm4b:s7+s3], $0x2000, $0x38;
	[tilespmem:$0x1F900] =	vst v63  }
0x245: {  	_ =	swait.ge [sflag:s14], $0x2000  }
0x246: {  	[sflag:s14] =	ssyncset.done $0x0  }
0x247: {  	s8 =	rddreg [dreg:$0x10];
	[sflag:s14] =	ssyncadd.s32 $0xFFFFE000  }
0x248: {  	[tilespmem:s16], [sflag:$0x3] =	stream.linear.gather [hbm4b:s8+s3], $0x2000, $0x38;
	[tilespmem:$0x1F900] =	vst v63  }
0x249: {  	_ =	swait.ge [sflag:s14], $0x2000  }
0x24a: {  	[sflag:s14] =	ssyncset.done $0x0  }
0x24b: {  	[sflag:s14] =	ssyncadd.s32 $0xFFFFE000  }
0x24c: {  	[tilespmem:s13], [sflag:$0x1] =	stream.indirect.gather [hbm4b:s0+s17], $0x80, s15, s17, $0xb8;
	[tilespmem:$0x1F900] =	vst v63  }
0x24d: {  	_ = 	snop  }
0x24e: {  	[tilespmem:s19], [sflag:$0x1] =	stream.indirect.gather [hbm4b:s0+s17], $0x80, s18, s17, $0xb8;
	[tilespmem:$0x1F900] =	vst v63  }
0x24f: {  	_ = 	snop  }
0x250: {  	[tilespmem:s21], [sflag:$0x1] =	stream.indirect.gather [hbm4b:s0+s17], $0x80, s20, s17, $0xb8;
	[tilespmem:$0x1F900] =	vst v63  }
0x251: {  	_ = 	snop  }
0x252: {  	[tilespmem:s26], [sflag:$0x1] =	stream.indirect.gather [hbm4b:s0+s17], $0x80, s23, s17, $0xb8;
	[tilespmem:$0x1F900] =	vst v63  }
0x253: {  	_ =	swait.ge [sflag:s31], $0x2000  }
0x254: {  	s4 =	simm.s32 $0x20000;
	p3 =	por $0x0, $0x0;
	[sflag:s31] =	ssyncset.done $0x0  }
0x255: {  	s2 =	simm.s32 $0x15980;
	s4 =	sand.u32 @!p3 $0x18000, s4;
	[sflag:s31] =	ssyncadd.s32 $0xFFFFE000  }
0x256: {  	[spmem:s28] =	stream.indirect.scatter.add.f32 [tilespmem:s13], [sflag:$0x2], $0x80, s16, s17, $0xb8;
	[tilespmem:$0x1F900] =	vst v63  }
0x257: {  	s5 =	simm.s32 $0x13B00;
	s4 =	sshrl.u32 @!p3 s4, $0x2;
	_ =	swait.ge [sflag:s24], $0x2000  }
0x258: {  	s9 =	simm.s32 $0x8000;
	s4 =	sadd.s32 @!p3 $0x17900, s4;
	[sflag:s24] =	ssyncset.done $0x0  }
0x259: {  	s7 =	simm.s32 @!p3 $0x40;
	s8 =	sand.u32 $0x18000, s9;
	[sflag:s24] =	ssyncadd.s32 $0xFFFFE000  }
0x25a: {  	[tilespmem:s4], [sflag:$0x1] =	stream.indirect.gather @!p3 [hbm4b:s0+s7], $0x80, s5, s7, $0xb8;
	[tilespmem:$0x1F900] =	vst v63  }
0x25b: {  	s30 =	simm.s32 $0x5;
	s9 =	sshrl.u32 s8, $0x2;
	_ =	swait.ge [sflag:s31], $0x2000  }
0x25c: {  	s22 =	simm.s32 $0x13B80;
	s6 =	sadd.s32 $0x17900, s9;
	[sflag:s31] =	ssyncset.done $0x0  }
0x25d: {  	s4 =	simm.s32 $0x15A00;
	s5 =	simm.s32 $0x28000;
	[sflag:s31] =	ssyncadd.s32 $0xFFFFE000  }
.LBB2_12:
0x25e: {  	[spmem:s28] =	stream.indirect.scatter.add.f32 [tilespmem:s6], [sflag:$0x2], $0x80, s2, s17, $0xb8;
	[tilespmem:$0x1F900] =	vst v63  }
0x25f: {  	s6 =	smov.u32 s22;
	s2 =	smov.u32 s4  }
0x260: {  	p3 =	sgt.u32 s30, $0x3F;
	s30 =	sadd.s32 $0x1, s30;
	s22 =	sadd.s32 $0x80, s22  }
0x261: {  	s8 =	sadd.s32 $0xFFFE8000, s5;
	s7 =	sand.u32 @!p3 $0x18000, s5;
	_ =	swait.ge [sflag:s24], $0x2000  }
0x262: {  	s9 =	simm.s32 @!p3 $0x40;
	s7 =	sshrl.u32 @!p3 s7, $0x2;
	[sflag:s24] =	ssyncset.done $0x0  }
0x263: {  	s7 =	sadd.s32 @!p3 $0x17900, s7;
	[sflag:s24] =	ssyncadd.s32 $0xFFFFE000  }
0x264: {  	[tilespmem:s7], [sflag:$0x1] =	stream.indirect.gather @!p3 [hbm4b:s0+s9], $0x80, s6, s9, $0xb8;
	[tilespmem:$0x1F900] =	vst v63  }
0x265: {  	p3 =	sne.s32 s30, $0x43  }
.Ltmp16:
0x266: {  	_ = 	snop;
	(pc) =	sbr.rel @p3 .LBB2_12-.Ltmp16, $4  }
0x267: {  	_ = 	snop  }
0x268: {  	s6 =	sand.u32 $0x18000, s8;
	_ =	swait.ge [sflag:s31], $0x2000  }
0x269: {  	s4 =	sadd.s32 $0x80, s4;
	s6 =	sshrl.u32 s6, $0x2;
	[sflag:s31] =	ssyncset.done $0x0  }
0x26a: {  	s5 =	sadd.s32 $0x8000, s5;
	s6 =	sadd.s32 $0x17900, s6;
	[sflag:s31] =	ssyncadd.s32 $0xFFFFE000  }
0x26b: {  	[spmem:s28] =	stream.indirect.scatter.add.f32 [tilespmem:s6], [sflag:$0x2], $0x80, s2, s17, $0xb8;
	[tilespmem:$0x1F900] =	vst v63  }
0x26c: {  	_ =	swait.ge [sflag:s24], $0x2000  }
0x26d: {  	[sflag:s24] =	ssyncset.done $0x0  }
0x26e: {  	[sflag:s24] =	ssyncadd.s32 $0xFFFFE000  }
0x26f: {  	s30 =	stileid.u32;
	[bflag:$0x0] =	sbarrier.arrive $0xFFFF  }
0x270: {  	s2 =	sshll.u32 s30, $0x6;
	s4 =	rddreg [dreg:$0x1b]  }
0x271: {  	s2 =	sor.u32 $0x1C03, s2;
	s5 =	rddreg [dreg:$0x1c];
	s4 =	sshrl.u32 s4, $0x3  }
0x272: {  	[hbm:s5], [sflag:s2] =	dma.local [spmem:s4], $0x2700  }
.Ltmp17:
0x273: {  	_ = 	snop;
	(pc) =	sbr.rel @p2 .LBB2_26-.Ltmp17, $4  }
.Ltmp18:
0x274: {  	_ =	swait.ge [sflag:s14], $0x2700;
	(pc) =	sbr.rel @!p2 .LBB2_27-.Ltmp18, $4  }
0x275: {  	[sflag:s14] =	ssyncset.done $0x0  }
0x276: {  	[sflag:s14] =	ssyncadd.s32 $0xFFFFD900  }
0x277: {  	s4 =	rddreg [dreg:$0x3]  }
0x278: {  	_ = 	snop  }
.LBB2_28:
0x279: {  	_ =	sfence.sel $0x180000  }
0x27a: {  	[bflag:$0x0] =	sbarrier.arrive $0xFFFF  }
0x27b: {  	_ =	strace $0x90000047  }
0x27c: {  	s0 =	stileid.u32;
	[bflag:$0x2] =	sbarrier.arrive $0xFFFF  }
0x27d: {  	p0 =	sne.s32 s0, $0x0;
	s0 =	rddreg [dreg:$0x6]  }
0x27e: {  	s0 =	sadd.s32 @!p0 $0x100000, s0  }
0x27f: {  	[sflag:s0] =	ssyncadd.tile.s32 @!p0 $0x1;
	_ =	shalt  }
.Lfunc_end2:
_tile_overlayer_lowered:
.L_overlay_start_2:
0x280: {  	(tag) =	ssettag $0x2  }
0x281: {  	s0 =	rddreg [dreg:$0x0];
	s2 =	stileid.u32  }
0x282: {  	s1 =	rddreg [dreg:$0x1];
	p0 =	sne.s32 s2, $0x0  }
0x283: {  	s3 =	rddreg [dreg:$0x2];
	[bflag:$0x3] =	sbarrier.arrive $0xFFFF;
	s2 =	simm.s32 @!p0 $0x1C03  }
0x284: {  	[timem:s3], [sflag:s2] =	dma.local @!p0 [hbm:s0], s1  }
0x285: {  	s0 =	simm.s32 @!p0 $0x3  }
0x286: {  	_ =	swait.ge @!p0 [sflag:s0], s1  }
0x287: {  	s1 =	ssub.s32 @!p0 $0x0, s1;
	[sflag:s0] =	ssyncset.done @!p0 $0x0  }
0x288: {  	[sflag:s0] =	ssyncadd.s32 @!p0 s1  }
0x289: {  	[bflag:$0x3] =	sbarrier.arrive $0xFFFF  }
0x28a: {  	_ =	shalt  }

</sc_bundles>
